<compile_context>
chip_gen: v7x
topology: tpu7x:2x2x1
jax: 0.10.2.dev20260603
libtpu: 0.0.44.dev20260713+nightly
codegen_flags: <defaults>
</compile_context>

<pallas_src>
import jax
import jax.numpy as jnp
from jax import lax
from jax.experimental import pallas as pl
from jax.experimental.pallas import tpu as pltpu
from jax.experimental.pallas import tpu_sc as plsc

L = 16
NC = 2
NS = 16
NW = NC * NS
DIM = 64
NTYPES = 3
S = 50
B = 16384
BW = B // NW
CB = 256
CBP = CB + 8


def _sc_body(nums_hbm, types_hbm, ntab_hbm, ttab_hbm, out_hbm,
             idx_v, tidx_v, ttab_v, rows_a, rows_b, trans_a, trans_b,
             gsa, gsb, ssa, ssb):
    c = lax.axis_index("c")
    s_ax = lax.axis_index("s")
    wid = s_ax * NC + c
    b0 = wid * BW

    pltpu.sync_copy(nums_hbm.at[:, pl.ds(b0, BW)], idx_v)
    pltpu.sync_copy(types_hbm.at[:, pl.ds(b0, BW)], tidx_v)
    pltpu.sync_copy(ttab_hbm, ttab_v)

    def gather(si, j, rows, sem):
        return pltpu.async_copy(
            ntab_hbm.at[idx_v.at[si, pl.ds(j * CB, CB)]], rows, sem)

    def gather_wait(si, j, rows, sem):
        pltpu.make_async_copy(
            ntab_hbm.at[idx_v.at[si, pl.ds(j * CB, CB)]], rows, sem).wait()

    def store(si, j, trans, sem):
        return pltpu.async_copy(
            trans.at[:, pl.ds(0, CB)],
            out_hbm.at[si, :, pl.ds(b0 + j * CB, CB)], sem)

    def store_wait(si, j, trans, sem):
        pltpu.make_async_copy(
            trans.at[:, pl.ds(0, CB)],
            out_hbm.at[si, :, pl.ds(b0 + j * CB, CB)], sem).wait()

    cidx = [lax.iota(jnp.int32, L) + g * L for g in range(DIM // L)]
    trow = [[ttab_v[t, pl.ds(g * L, L)] for g in range(DIM // L)]
            for t in range(NTYPES)]

    def compute(si, j, rows, trans):
        @plsc.parallel_loop(0, CB // L, unroll=2)
        def grp_body(g16):
            bsl = pl.ds(j * CB + g16 * L, L)
            t16 = tidx_v[si, bsl]
            for jj in range(L):
                t = t16[jj]
                p0 = t == 0
                p1 = t == 1
                r = g16 * L + jj
                rsp = jnp.full((L,), r, jnp.int32)
                for g in range(DIM // L):
                    sl = pl.ds(g * L, L)
                    add = jnp.where(p0, trow[0][g],
                                    jnp.where(p1, trow[1][g], trow[2][g]))
                    v = rows[r, sl] + add
                    plsc.store_scatter(trans, [cidx[g], rsp], v)

    last = S - 1

    gather(0, 0, rows_a, gsa)
    gather(0, 1, rows_b, gsb)
    store(last, 0, trans_a, ssa)
    store(last, 1, trans_b, ssb)

    def s_body(si, carry):
        gather_wait(si, 0, rows_a, gsa)
        store_wait(last, 0, trans_a, ssa)
        compute(si, 0, rows_a, trans_a)
        gather(jnp.minimum(si + 1, last), 0, rows_a, gsa)
        store(si, 0, trans_a, ssa)
        gather_wait(si, 1, rows_b, gsb)
        store_wait(last, 1, trans_b, ssb)
        compute(si, 1, rows_b, trans_b)
        gather(jnp.minimum(si + 1, last), 1, rows_b, gsb)
        store(si, 1, trans_b, ssb)
        return carry

    lax.fori_loop(0, S, s_body, 0)

    store_wait(last, 0, trans_a, ssa)
    store_wait(last, 1, trans_b, ssb)
    gather_wait(last, 0, rows_a, gsa)
    gather_wait(last, 1, rows_b, gsb)


def kernel(task_nums, task_types, task_num_table, task_type_table):
    nums_t = task_nums.astype(jnp.int32).T
    types_t = task_types.astype(jnp.int32).T

    mesh = plsc.VectorSubcoreMesh(core_axis_name="c", subcore_axis_name="s")
    call = pl.kernel(
        _sc_body,
        out_type=jax.ShapeDtypeStruct((S, DIM, B), jnp.float32),
        mesh=mesh,
        scratch_types=[
            pltpu.VMEM((S, BW), jnp.int32),
            pltpu.VMEM((S, BW), jnp.int32),
            pltpu.VMEM((NTYPES, DIM), jnp.float32),
            pltpu.VMEM((CB, DIM), jnp.float32),
            pltpu.VMEM((CB, DIM), jnp.float32),
            pltpu.VMEM((DIM, CBP), jnp.float32),
            pltpu.VMEM((DIM, CBP), jnp.float32),
            pltpu.SemaphoreType.DMA,
            pltpu.SemaphoreType.DMA,
            pltpu.SemaphoreType.DMA,
            pltpu.SemaphoreType.DMA,
        ],
        compiler_params=pltpu.CompilerParams(
            use_tc_tiling_on_sc=False, needs_layout_passes=False),
    )
    out = call(nums_t, types_t, task_num_table, task_type_table)
    return out.transpose(2, 0, 1)

# --- scband reference (transcript-rebuilt; emitter-appended) ---
"""Pipeline reference for scband-task-embedding-44263932952945 (READ-ONLY COPY).

The authoritative reference and input builder live on the scoring server;
editing this copy changes nothing except your own understanding.
"""

import jax, jax.numpy as jnp
import numpy as np

NUM_TASKS = 100000
TASK_DIM = 64

def setup_inputs(seed: int = 0) -> dict:
    key = jax.random.key(seed)
    k1, k2, k3, k4 = jax.random.split(key, 4)
    task_nums = jax.random.randint(k1, (16384, 50), 0, NUM_TASKS + 1, dtype=jnp.int64 if jax.config.jax_enable_x64 else jnp.int32)
    task_types = jax.random.randint(k2, (16384, 50), 0, 3, dtype=jnp.int64 if jax.config.jax_enable_x64 else jnp.int32)
    # embedding tables (learned params), init like nn.Embedding: N(0,1)
    task_num_table = jax.random.normal(k3, (NUM_TASKS + 1, TASK_DIM), dtype=jnp.float32)
    task_type_table = jax.random.normal(k4, (3, TASK_DIM), dtype=jnp.float32)
    return {"task_nums": task_nums, "task_types": task_types, "task_num_table": task_num_table, "task_type_table": task_type_table}

def reference(task_nums, task_types, task_num_table, task_type_table):
    task_num_emb = jnp.take(task_num_table, task_nums, axis=0)
    task_type_emb = jnp.take(task_type_table, task_types, axis=0)
    return task_num_emb + task_type_emb

if __name__ == "__main__":
    import jax
    _d = setup_inputs()
    print(jax.jit(kernel)(*tuple(_d.values())))

</pallas_src>

<mosaic_0001>
#map = affine_map<(d0, d1) -> (0, 0)>
#map1 = affine_map<(d0, d1) -> (0, 0, 0)>
module attributes {stable_mosaic.version = 14 : i64} {
  func.func @_sc_body(%arg0: i32, %arg1: i32, %arg2: memref<50x16384xi32, #tpu.memory_space<hbm>>, %arg3: memref<50x16384xi32, #tpu.memory_space<hbm>>, %arg4: memref<100001x64xf32, #tpu.memory_space<hbm>>, %arg5: memref<3x64xf32, #tpu.memory_space<hbm>>, %arg6: memref<50x64x16384xf32, #tpu.memory_space<hbm>>, %arg7: memref<50x512xi32, #tpu.memory_space<vmem>>, %arg8: memref<50x512xi32, #tpu.memory_space<vmem>>, %arg9: memref<3x64xf32, #tpu.memory_space<vmem>>, %arg10: memref<256x64xf32, #tpu.memory_space<vmem>>, %arg11: memref<256x64xf32, #tpu.memory_space<vmem>>, %arg12: memref<64x264xf32, #tpu.memory_space<vmem>>, %arg13: memref<64x264xf32, #tpu.memory_space<vmem>>, %arg14: memref<!tpu.dma_semaphore, #tpu.memory_space<semaphore_mem>>, %arg15: memref<!tpu.dma_semaphore, #tpu.memory_space<semaphore_mem>>, %arg16: memref<!tpu.dma_semaphore, #tpu.memory_space<semaphore_mem>>, %arg17: memref<!tpu.dma_semaphore, #tpu.memory_space<semaphore_mem>>) attributes {dimension_semantics = [#tpu.dimension_semantics<core_parallel>, #tpu.dimension_semantics<subcore_parallel>], iteration_bounds = array<i64: 2, 16>, scalar_prefetch = 0 : i64, scratch_operands = 11 : i64, tpu.core_type = #tpu.core_type<sc_vector_subcore>, window_params = [{transform_indices = #map}, {transform_indices = #map}, {transform_indices = #map}, {transform_indices = #map}, {transform_indices = #map1}]} {
    %mul3A = arith.constant 2 : i32
    %mul3A_0 = arith.muli %arg1, %mul3A : i32
    %add3A = arith.addi %mul3A_0, %arg0 : i32
    %mul3A_1 = arith.constant 512 : i32
    %mul3A_2 = arith.muli %add3A, %mul3A_1 : i32
    "tpu.region"() ({
      %run_scoped3A = tpu.sem_alloc : memref<!tpu.dma_semaphore, #tpu.memory_space<semaphore_mem>>
      %dma_start3A_156 = arith.constant 0 : i32
      %dma_start3A_157 = tpu.memref_slice %arg2[%dma_start3A_156, %mul3A_2] : memref<50x16384xi32, #tpu.memory_space<hbm>> -> memref<50x512xi32, #tpu.memory_space<hbm>>
      %dma_start3A_158 = arith.constant 0 : i32
      %dma_start3A_159 = tpu.memref_slice %arg2[%dma_start3A_158, %mul3A_2] : memref<50x16384xi32, #tpu.memory_space<hbm>> -> memref<50x512xi32, #tpu.memory_space<hbm>>
      tpu.enqueue_dma source(%dma_start3A_159 : memref<50x512xi32, #tpu.memory_space<hbm>>) target(%arg7 : memref<50x512xi32, #tpu.memory_space<vmem>>) target_semaphore(%run_scoped3A : memref<!tpu.dma_semaphore, #tpu.memory_space<semaphore_mem>>)
      %dma_wait3A_160 = arith.constant 0 : i32
      %dma_wait3A_161 = tpu.memref_slice %arg2[%dma_wait3A_160, %mul3A_2] : memref<50x16384xi32, #tpu.memory_space<hbm>> -> memref<50x512xi32, #tpu.memory_space<hbm>>
      %dma_wait3A_162 = arith.constant 0 : i32
      %dma_wait3A_163 = tpu.memref_slice %arg2[%dma_wait3A_162, %mul3A_2] : memref<50x16384xi32, #tpu.memory_space<hbm>> -> memref<50x512xi32, #tpu.memory_space<hbm>>
      tpu.wait_dma2 semaphore(%run_scoped3A : memref<!tpu.dma_semaphore, #tpu.memory_space<semaphore_mem>>) src(%dma_wait3A_163 : memref<50x512xi32, #tpu.memory_space<hbm>>) dst(%arg7 : memref<50x512xi32, #tpu.memory_space<vmem>>)
      tpu.yield
    }) : () -> ()
    "tpu.region"() ({
      %run_scoped3A = tpu.sem_alloc : memref<!tpu.dma_semaphore, #tpu.memory_space<semaphore_mem>>
      %dma_start3A_156 = arith.constant 0 : i32
      %dma_start3A_157 = tpu.memref_slice %arg3[%dma_start3A_156, %mul3A_2] : memref<50x16384xi32, #tpu.memory_space<hbm>> -> memref<50x512xi32, #tpu.memory_space<hbm>>
      %dma_start3A_158 = arith.constant 0 : i32
      %dma_start3A_159 = tpu.memref_slice %arg3[%dma_start3A_158, %mul3A_2] : memref<50x16384xi32, #tpu.memory_space<hbm>> -> memref<50x512xi32, #tpu.memory_space<hbm>>
      tpu.enqueue_dma source(%dma_start3A_159 : memref<50x512xi32, #tpu.memory_space<hbm>>) target(%arg8 : memref<50x512xi32, #tpu.memory_space<vmem>>) target_semaphore(%run_scoped3A : memref<!tpu.dma_semaphore, #tpu.memory_space<semaphore_mem>>)
      %dma_wait3A_160 = arith.constant 0 : i32
      %dma_wait3A_161 = tpu.memref_slice %arg3[%dma_wait3A_160, %mul3A_2] : memref<50x16384xi32, #tpu.memory_space<hbm>> -> memref<50x512xi32, #tpu.memory_space<hbm>>
      %dma_wait3A_162 = arith.constant 0 : i32
      %dma_wait3A_163 = tpu.memref_slice %arg3[%dma_wait3A_162, %mul3A_2] : memref<50x16384xi32, #tpu.memory_space<hbm>> -> memref<50x512xi32, #tpu.memory_space<hbm>>
      tpu.wait_dma2 semaphore(%run_scoped3A : memref<!tpu.dma_semaphore, #tpu.memory_space<semaphore_mem>>) src(%dma_wait3A_163 : memref<50x512xi32, #tpu.memory_space<hbm>>) dst(%arg8 : memref<50x512xi32, #tpu.memory_space<vmem>>)
      tpu.yield
    }) : () -> ()
    "tpu.region"() ({
      %run_scoped3A = tpu.sem_alloc : memref<!tpu.dma_semaphore, #tpu.memory_space<semaphore_mem>>
      tpu.enqueue_dma source(%arg5 : memref<3x64xf32, #tpu.memory_space<hbm>>) target(%arg9 : memref<3x64xf32, #tpu.memory_space<vmem>>) target_semaphore(%run_scoped3A : memref<!tpu.dma_semaphore, #tpu.memory_space<semaphore_mem>>)
      tpu.wait_dma2 semaphore(%run_scoped3A : memref<!tpu.dma_semaphore, #tpu.memory_space<semaphore_mem>>) src(%arg5 : memref<3x64xf32, #tpu.memory_space<hbm>>) dst(%arg9 : memref<3x64xf32, #tpu.memory_space<vmem>>)
      tpu.yield
    }) : () -> ()
    %iota3A = tpu.iota {dimensions = array<i32: 0>} : vector<16xi32>
    %add3A_3 = arith.constant 0 : i32
    %add3A_4 = vector.broadcast %add3A_3 : i32 to vector<16xi32>
    %add3A_5 = arith.addi %iota3A, %add3A_4 : vector<16xi32>
    %iota3A_6 = tpu.iota {dimensions = array<i32: 0>} : vector<16xi32>
    %add3A_7 = arith.constant 16 : i32
    %add3A_8 = vector.broadcast %add3A_7 : i32 to vector<16xi32>
    %add3A_9 = arith.addi %iota3A_6, %add3A_8 : vector<16xi32>
    %iota3A_10 = tpu.iota {dimensions = array<i32: 0>} : vector<16xi32>
    %add3A_11 = arith.constant 32 : i32
    %add3A_12 = vector.broadcast %add3A_11 : i32 to vector<16xi32>
    %add3A_13 = arith.addi %iota3A_10, %add3A_12 : vector<16xi32>
    %iota3A_14 = tpu.iota {dimensions = array<i32: 0>} : vector<16xi32>
    %add3A_15 = arith.constant 48 : i32
    %add3A_16 = vector.broadcast %add3A_15 : i32 to vector<16xi32>
    %add3A_17 = arith.addi %iota3A_14, %add3A_16 : vector<16xi32>
    %get3A = arith.constant 0 : i32
    %get3A_18 = arith.index_cast %get3A : i32 to index
    %get3A_19 = arith.constant 0 : index
    %get3A_20 = tpu.vector_load %arg9[%get3A_18, %get3A_19] {strides = array<i32>} : memref<3x64xf32, #tpu.memory_space<vmem>>, vector<16xf32>,
    %get3A_21 = arith.constant 0 : i32
    %get3A_22 = arith.index_cast %get3A_21 : i32 to index
    %get3A_23 = arith.constant 16 : index
    %get3A_24 = tpu.vector_load %arg9[%get3A_22, %get3A_23] {strides = array<i32>} : memref<3x64xf32, #tpu.memory_space<vmem>>, vector<16xf32>,
    %get3A_25 = arith.constant 0 : i32
    %get3A_26 = arith.index_cast %get3A_25 : i32 to index
    %get3A_27 = arith.constant 32 : index
    %get3A_28 = tpu.vector_load %arg9[%get3A_26, %get3A_27] {strides = array<i32>} : memref<3x64xf32, #tpu.memory_space<vmem>>, vector<16xf32>,
    %get3A_29 = arith.constant 0 : i32
    %get3A_30 = arith.index_cast %get3A_29 : i32 to index
    %get3A_31 = arith.constant 48 : index
    %get3A_32 = tpu.vector_load %arg9[%get3A_30, %get3A_31] {strides = array<i32>} : memref<3x64xf32, #tpu.memory_space<vmem>>, vector<16xf32>,
    %get3A_33 = arith.constant 1 : i32
    %get3A_34 = arith.index_cast %get3A_33 : i32 to index
    %get3A_35 = arith.constant 0 : index
    %get3A_36 = tpu.vector_load %arg9[%get3A_34, %get3A_35] {strides = array<i32>} : memref<3x64xf32, #tpu.memory_space<vmem>>, vector<16xf32>,
    %get3A_37 = arith.constant 1 : i32
    %get3A_38 = arith.index_cast %get3A_37 : i32 to index
    %get3A_39 = arith.constant 16 : index
    %get3A_40 = tpu.vector_load %arg9[%get3A_38, %get3A_39] {strides = array<i32>} : memref<3x64xf32, #tpu.memory_space<vmem>>, vector<16xf32>,
    %get3A_41 = arith.constant 1 : i32
    %get3A_42 = arith.index_cast %get3A_41 : i32 to index
    %get3A_43 = arith.constant 32 : index
    %get3A_44 = tpu.vector_load %arg9[%get3A_42, %get3A_43] {strides = array<i32>} : memref<3x64xf32, #tpu.memory_space<vmem>>, vector<16xf32>,
    %get3A_45 = arith.constant 1 : i32
    %get3A_46 = arith.index_cast %get3A_45 : i32 to index
    %get3A_47 = arith.constant 48 : index
    %get3A_48 = tpu.vector_load %arg9[%get3A_46, %get3A_47] {strides = array<i32>} : memref<3x64xf32, #tpu.memory_space<vmem>>, vector<16xf32>,
    %get3A_49 = arith.constant 2 : i32
    %get3A_50 = arith.index_cast %get3A_49 : i32 to index
    %get3A_51 = arith.constant 0 : index
    %get3A_52 = tpu.vector_load %arg9[%get3A_50, %get3A_51] {strides = array<i32>} : memref<3x64xf32, #tpu.memory_space<vmem>>, vector<16xf32>,
    %get3A_53 = arith.constant 2 : i32
    %get3A_54 = arith.index_cast %get3A_53 : i32 to index
    %get3A_55 = arith.constant 16 : index
    %get3A_56 = tpu.vector_load %arg9[%get3A_54, %get3A_55] {strides = array<i32>} : memref<3x64xf32, #tpu.memory_space<vmem>>, vector<16xf32>,
    %get3A_57 = arith.constant 2 : i32
    %get3A_58 = arith.index_cast %get3A_57 : i32 to index
    %get3A_59 = arith.constant 32 : index
    %get3A_60 = tpu.vector_load %arg9[%get3A_58, %get3A_59] {strides = array<i32>} : memref<3x64xf32, #tpu.memory_space<vmem>>, vector<16xf32>,
    %get3A_61 = arith.constant 2 : i32
    %get3A_62 = arith.index_cast %get3A_61 : i32 to index
    %get3A_63 = arith.constant 48 : index
    %get3A_64 = tpu.vector_load %arg9[%get3A_62, %get3A_63] {strides = array<i32>} : memref<3x64xf32, #tpu.memory_space<vmem>>, vector<16xf32>,
    %dma_start3A = arith.constant 0 : i32
    %dma_start3A_65 = arith.constant 0 : i32
    %dma_start3A_66 = tpu.memref_slice %arg7[%dma_start3A, %dma_start3A_65] : memref<50x512xi32, #tpu.memory_space<vmem>> -> memref<1x256xi32, #tpu.memory_space<vmem>>
    %dma_start3A_67 = tpu.memref_squeeze %dma_start3A_66 : memref<1x256xi32, #tpu.memory_space<vmem>> -> memref<256xi32, #tpu.memory_space<vmem>>
    %dma_start3A_68 = arith.constant 0 : i32
    %dma_start3A_69 = arith.constant 0 : i32
    %dma_start3A_70 = tpu.memref_slice %arg4[%dma_start3A_68, %dma_start3A_69] : memref<100001x64xf32, #tpu.memory_space<hbm>> -> memref<100001x64xf32, #tpu.memory_space<hbm>>
    tpu.enqueue_indirect_dma source(%dma_start3A_70 : memref<100001x64xf32, #tpu.memory_space<hbm>>) target(%arg10 : memref<256x64xf32, #tpu.memory_space<vmem>>) offsets(%dma_start3A_67 : memref<256xi32, #tpu.memory_space<vmem>>) semaphore(%arg14 : memref<!tpu.dma_semaphore, #tpu.memory_space<semaphore_mem>>)
    %dma_start3A_71 = arith.constant 0 : i32
    %dma_start3A_72 = arith.constant 256 : i32
    %dma_start3A_73 = tpu.memref_slice %arg7[%dma_start3A_71, %dma_start3A_72] : memref<50x512xi32, #tpu.memory_space<vmem>> -> memref<1x256xi32, #tpu.memory_space<vmem>>
    %dma_start3A_74 = tpu.memref_squeeze %dma_start3A_73 : memref<1x256xi32, #tpu.memory_space<vmem>> -> memref<256xi32, #tpu.memory_space<vmem>>
    %dma_start3A_75 = arith.constant 0 : i32
    %dma_start3A_76 = arith.constant 0 : i32
    %dma_start3A_77 = tpu.memref_slice %arg4[%dma_start3A_75, %dma_start3A_76] : memref<100001x64xf32, #tpu.memory_space<hbm>> -> memref<100001x64xf32, #tpu.memory_space<hbm>>
    tpu.enqueue_indirect_dma source(%dma_start3A_77 : memref<100001x64xf32, #tpu.memory_space<hbm>>) target(%arg11 : memref<256x64xf32, #tpu.memory_space<vmem>>) offsets(%dma_start3A_74 : memref<256xi32, #tpu.memory_space<vmem>>) semaphore(%arg15 : memref<!tpu.dma_semaphore, #tpu.memory_space<semaphore_mem>>)
    %add3A_78 = arith.constant 0 : i32
    %add3A_79 = arith.addi %mul3A_2, %add3A_78 : i32
    %dma_start3A_80 = arith.constant 49 : i32
    %dma_start3A_81 = arith.constant 0 : i32
    %dma_start3A_82 = arith.constant 0 : i32
    %dma_start3A_83 = tpu.memref_slice %arg12[%dma_start3A_81, %dma_start3A_82] : memref<64x264xf32, #tpu.memory_space<vmem>> -> memref<64x256xf32, #tpu.memory_space<vmem>>
    %dma_start3A_84 = arith.constant 0 : i32
    %dma_start3A_85 = tpu.memref_slice %arg6[%dma_start3A_80, %dma_start3A_84, %add3A_79] : memref<50x64x16384xf32, #tpu.memory_space<hbm>> -> memref<1x64x256xf32, #tpu.memory_space<hbm>>
    %dma_start3A_86 = tpu.memref_squeeze %dma_start3A_85 : memref<1x64x256xf32, #tpu.memory_space<hbm>> -> memref<64x256xf32, #tpu.memory_space<hbm>>
    %dma_start3A_87 = arith.constant 0 : i32
    %dma_start3A_88 = tpu.memref_slice %arg6[%dma_start3A_80, %dma_start3A_87, %add3A_79] : memref<50x64x16384xf32, #tpu.memory_space<hbm>> -> memref<1x64x256xf32, #tpu.memory_space<hbm>>
    %dma_start3A_89 = tpu.memref_squeeze %dma_start3A_88 : memref<1x64x256xf32, #tpu.memory_space<hbm>> -> memref<64x256xf32, #tpu.memory_space<hbm>>
    %dma_start3A_90 = arith.constant 0 : i32
    %dma_start3A_91 = arith.constant 0 : i32
    %dma_start3A_92 = tpu.memref_slice %arg12[%dma_start3A_90, %dma_start3A_91] : memref<64x264xf32, #tpu.memory_space<vmem>> -> memref<64x256xf32, #tpu.memory_space<vmem>>
    tpu.enqueue_dma source(%dma_start3A_92 : memref<64x256xf32, #tpu.memory_space<vmem>>) target(%dma_start3A_89 : memref<64x256xf32, #tpu.memory_space<hbm>>) target_semaphore(%arg16 : memref<!tpu.dma_semaphore, #tpu.memory_space<semaphore_mem>>)
    %add3A_93 = arith.constant 256 : i32
    %add3A_94 = arith.addi %mul3A_2, %add3A_93 : i32
    %dma_start3A_95 = arith.constant 49 : i32
    %dma_start3A_96 = arith.constant 0 : i32
    %dma_start3A_97 = arith.constant 0 : i32
    %dma_start3A_98 = tpu.memref_slice %arg13[%dma_start3A_96, %dma_start3A_97] : memref<64x264xf32, #tpu.memory_space<vmem>> -> memref<64x256xf32, #tpu.memory_space<vmem>>
    %dma_start3A_99 = arith.constant 0 : i32
    %dma_start3A_100 = tpu.memref_slice %arg6[%dma_start3A_95, %dma_start3A_99, %add3A_94] : memref<50x64x16384xf32, #tpu.memory_space<hbm>> -> memref<1x64x256xf32, #tpu.memory_space<hbm>>
    %dma_start3A_101 = tpu.memref_squeeze %dma_start3A_100 : memref<1x64x256xf32, #tpu.memory_space<hbm>> -> memref<64x256xf32, #tpu.memory_space<hbm>>
    %dma_start3A_102 = arith.constant 0 : i32
    %dma_start3A_103 = tpu.memref_slice %arg6[%dma_start3A_95, %dma_start3A_102, %add3A_94] : memref<50x64x16384xf32, #tpu.memory_space<hbm>> -> memref<1x64x256xf32, #tpu.memory_space<hbm>>
    %dma_start3A_104 = tpu.memref_squeeze %dma_start3A_103 : memref<1x64x256xf32, #tpu.memory_space<hbm>> -> memref<64x256xf32, #tpu.memory_space<hbm>>
    %dma_start3A_105 = arith.constant 0 : i32
    %dma_start3A_106 = arith.constant 0 : i32
    %dma_start3A_107 = tpu.memref_slice %arg13[%dma_start3A_105, %dma_start3A_106] : memref<64x264xf32, #tpu.memory_space<vmem>> -> memref<64x256xf32, #tpu.memory_space<vmem>>
    tpu.enqueue_dma source(%dma_start3A_107 : memref<64x256xf32, #tpu.memory_space<vmem>>) target(%dma_start3A_104 : memref<64x256xf32, #tpu.memory_space<hbm>>) target_semaphore(%arg17 : memref<!tpu.dma_semaphore, #tpu.memory_space<semaphore_mem>>)
    %scan3A = arith.constant 0 : i32
    %scan3A_108 = arith.constant 0 : i32
    %scan3A_109 = arith.constant 50 : i32
    %scan3A_110 = arith.addi %scan3A_108, %scan3A_109 : i32
    %scan3A_111 = arith.constant 1 : i32
    scf.for %scan3A_156 = %scan3A_108 to %scan3A_110 step %scan3A_111  : i32 {
      %dma_wait3A_157 = arith.constant 0 : i32
      %dma_wait3A_158 = tpu.memref_slice %arg7[%scan3A_156, %dma_wait3A_157] : memref<50x512xi32, #tpu.memory_space<vmem>> -> memref<1x256xi32, #tpu.memory_space<vmem>>
      %dma_wait3A_159 = tpu.memref_squeeze %dma_wait3A_158 : memref<1x256xi32, #tpu.memory_space<vmem>> -> memref<256xi32, #tpu.memory_space<vmem>>
      %dma_wait3A_160 = arith.constant 0 : i32
      %dma_wait3A_161 = arith.constant 0 : i32
      %dma_wait3A_162 = tpu.memref_slice %arg4[%dma_wait3A_160, %dma_wait3A_161] : memref<100001x64xf32, #tpu.memory_space<hbm>> -> memref<100001x64xf32, #tpu.memory_space<hbm>>
      tpu.wait_indirect_dma semaphore(%arg14 : memref<!tpu.dma_semaphore, #tpu.memory_space<semaphore_mem>>) src(%dma_wait3A_162 : memref<100001x64xf32, #tpu.memory_space<hbm>>) dst(%arg10 : memref<256x64xf32, #tpu.memory_space<vmem>>)
      %add3A_163 = arith.constant 0 : i32
      %add3A_164 = arith.addi %mul3A_2, %add3A_163 : i32
      %dma_wait3A_165 = arith.constant 49 : i32
      %dma_wait3A_166 = arith.constant 0 : i32
      %dma_wait3A_167 = arith.constant 0 : i32
      %dma_wait3A_168 = tpu.memref_slice %arg12[%dma_wait3A_166, %dma_wait3A_167] : memref<64x264xf32, #tpu.memory_space<vmem>> -> memref<64x256xf32, #tpu.memory_space<vmem>>
      %dma_wait3A_169 = arith.constant 0 : i32
      %dma_wait3A_170 = tpu.memref_slice %arg6[%dma_wait3A_165, %dma_wait3A_169, %add3A_164] : memref<50x64x16384xf32, #tpu.memory_space<hbm>> -> memref<1x64x256xf32, #tpu.memory_space<hbm>>
      %dma_wait3A_171 = tpu.memref_squeeze %dma_wait3A_170 : memref<1x64x256xf32, #tpu.memory_space<hbm>> -> memref<64x256xf32, #tpu.memory_space<hbm>>
      %dma_wait3A_172 = arith.constant 0 : i32
      %dma_wait3A_173 = tpu.memref_slice %arg6[%dma_wait3A_165, %dma_wait3A_172, %add3A_164] : memref<50x64x16384xf32, #tpu.memory_space<hbm>> -> memref<1x64x256xf32, #tpu.memory_space<hbm>>
      %dma_wait3A_174 = tpu.memref_squeeze %dma_wait3A_173 : memref<1x64x256xf32, #tpu.memory_space<hbm>> -> memref<64x256xf32, #tpu.memory_space<hbm>>
      %dma_wait3A_175 = arith.constant 0 : i32
      %dma_wait3A_176 = arith.constant 0 : i32
      %dma_wait3A_177 = tpu.memref_slice %arg12[%dma_wait3A_175, %dma_wait3A_176] : memref<64x264xf32, #tpu.memory_space<vmem>> -> memref<64x256xf32, #tpu.memory_space<vmem>>
      tpu.wait_dma2 semaphore(%arg16 : memref<!tpu.dma_semaphore, #tpu.memory_space<semaphore_mem>>) src(%dma_wait3A_177 : memref<64x256xf32, #tpu.memory_space<vmem>>) dst(%dma_wait3A_174 : memref<64x256xf32, #tpu.memory_space<hbm>>)
      %parallel_loop3A = arith.constant 0 : i32
      %parallel_loop3A_178 = arith.constant 16 : i32
      %parallel_loop3A_179 = arith.constant 1 : i32
      scf.for %parallel_loop3A_251 = %parallel_loop3A to %parallel_loop3A_178 step %parallel_loop3A_179  : i32 {
        %parallel_loop3A_252 = arith.constant 16 : i32
        %parallel_loop3A_253 = arith.muli %parallel_loop3A_251, %parallel_loop3A_252 : i32
        %parallel_loop3A_254 = arith.constant 0 : i32
        %parallel_loop3A_255 = arith.addi %parallel_loop3A_254, %parallel_loop3A_253 : i32
        %parallel_loop3A_256 = arith.index_cast %scan3A_156 : i32 to index
        %parallel_loop3A_257 = arith.index_cast %parallel_loop3A_255 : i32 to index
        %parallel_loop3A_258 = tpu.vector_load %arg8[%parallel_loop3A_256, %parallel_loop3A_257] {strides = array<i32>} : memref<50x512xi32, #tpu.memory_space<vmem>>, vector<16xi32>,
        %parallel_loop3A_259 = vector.extract_strided_slice %parallel_loop3A_258 {offsets = [0], sizes = [1], strides = [1]} : vector<16xi32> to vector<1xi32>
        %parallel_loop3A_260 = vector.extract %parallel_loop3A_259[0] : i32 from vector<1xi32>
        %parallel_loop3A_261 = arith.constant 0 : i32
        %parallel_loop3A_262 = arith.cmpi eq, %parallel_loop3A_260, %parallel_loop3A_261 : i32
        %parallel_loop3A_263 = arith.constant 1 : i32
        %parallel_loop3A_264 = arith.cmpi eq, %parallel_loop3A_260, %parallel_loop3A_263 : i32
        %parallel_loop3A_265 = arith.constant 16 : i32
        %parallel_loop3A_266 = arith.muli %parallel_loop3A_251, %parallel_loop3A_265 : i32
        %parallel_loop3A_267 = arith.constant 0 : i32
        %parallel_loop3A_268 = arith.addi %parallel_loop3A_266, %parallel_loop3A_267 : i32
        %parallel_loop3A_269 = vector.broadcast %parallel_loop3A_268 : i32 to vector<16xi32>
        %parallel_loop3A_270 = arith.select %parallel_loop3A_264, %get3A_36, %get3A_52 : vector<16xf32>
        %parallel_loop3A_271 = arith.select %parallel_loop3A_262, %get3A_20, %parallel_loop3A_270 : vector<16xf32>
        %parallel_loop3A_272 = arith.index_cast %parallel_loop3A_268 : i32 to index
        %parallel_loop3A_273 = arith.constant 0 : index
        %parallel_loop3A_274 = tpu.vector_load %arg10[%parallel_loop3A_272, %parallel_loop3A_273] {strides = array<i32>} : memref<256x64xf32, #tpu.memory_space<vmem>>, vector<16xf32>,
        %parallel_loop3A_275 = arith.addf %parallel_loop3A_274, %parallel_loop3A_271 : vector<16xf32>
        tpu.vector_store_idx %arg12[%add3A_5, %parallel_loop3A_269], %parallel_loop3A_275 : memref<64x264xf32, #tpu.memory_space<vmem>>[vector<16xi32>, vector<16xi32>], vector<16xf32>,
        %parallel_loop3A_276 = arith.select %parallel_loop3A_264, %get3A_40, %get3A_56 : vector<16xf32>
        %parallel_loop3A_277 = arith.select %parallel_loop3A_262, %get3A_24, %parallel_loop3A_276 : vector<16xf32>
        %parallel_loop3A_278 = arith.index_cast %parallel_loop3A_268 : i32 to index
        %parallel_loop3A_279 = arith.constant 16 : index
        %parallel_loop3A_280 = tpu.vector_load %arg10[%parallel_loop3A_278, %parallel_loop3A_279] {strides = array<i32>} : memref<256x64xf32, #tpu.memory_space<vmem>>, vector<16xf32>,
        %parallel_loop3A_281 = arith.addf %parallel_loop3A_280, %parallel_loop3A_277 : vector<16xf32>
        tpu.vector_store_idx %arg12[%add3A_9, %parallel_loop3A_269], %parallel_loop3A_281 : memref<64x264xf32, #tpu.memory_space<vmem>>[vector<16xi32>, vector<16xi32>], vector<16xf32>,
        %parallel_loop3A_282 = arith.select %parallel_loop3A_264, %get3A_44, %get3A_60 : vector<16xf32>
        %parallel_loop3A_283 = arith.select %parallel_loop3A_262, %get3A_28, %parallel_loop3A_282 : vector<16xf32>
        %parallel_loop3A_284 = arith.index_cast %parallel_loop3A_268 : i32 to index
        %parallel_loop3A_285 = arith.constant 32 : index
        %parallel_loop3A_286 = tpu.vector_load %arg10[%parallel_loop3A_284, %parallel_loop3A_285] {strides = array<i32>} : memref<256x64xf32, #tpu.memory_space<vmem>>, vector<16xf32>,
        %parallel_loop3A_287 = arith.addf %parallel_loop3A_286, %parallel_loop3A_283 : vector<16xf32>
        tpu.vector_store_idx %arg12[%add3A_13, %parallel_loop3A_269], %parallel_loop3A_287 : memref<64x264xf32, #tpu.memory_space<vmem>>[vector<16xi32>, vector<16xi32>], vector<16xf32>,
        %parallel_loop3A_288 = arith.select %parallel_loop3A_264, %get3A_48, %get3A_64 : vector<16xf32>
        %parallel_loop3A_289 = arith.select %parallel_loop3A_262, %get3A_32, %parallel_loop3A_288 : vector<16xf32>
        %parallel_loop3A_290 = arith.index_cast %parallel_loop3A_268 : i32 to index
        %parallel_loop3A_291 = arith.constant 48 : index
        %parallel_loop3A_292 = tpu.vector_load %arg10[%parallel_loop3A_290, %parallel_loop3A_291] {strides = array<i32>} : memref<256x64xf32, #tpu.memory_space<vmem>>, vector<16xf32>,
        %parallel_loop3A_293 = arith.addf %parallel_loop3A_292, %parallel_loop3A_289 : vector<16xf32>
        tpu.vector_store_idx %arg12[%add3A_17, %parallel_loop3A_269], %parallel_loop3A_293 : memref<64x264xf32, #tpu.memory_space<vmem>>[vector<16xi32>, vector<16xi32>], vector<16xf32>,
        %parallel_loop3A_294 = vector.extract_strided_slice %parallel_loop3A_258 {offsets = [1], sizes = [1], strides = [1]} : vector<16xi32> to vector<1xi32>
        %parallel_loop3A_295 = vector.extract %parallel_loop3A_294[0] : i32 from vector<1xi32>
        %parallel_loop3A_296 = arith.constant 0 : i32
        %parallel_loop3A_297 = arith.cmpi eq, %parallel_loop3A_295, %parallel_loop3A_296 : i32
        %parallel_loop3A_298 = arith.constant 1 : i32
        %parallel_loop3A_299 = arith.cmpi eq, %parallel_loop3A_295, %parallel_loop3A_298 : i32
        %parallel_loop3A_300 = arith.constant 16 : i32
        %parallel_loop3A_301 = arith.muli %parallel_loop3A_251, %parallel_loop3A_300 : i32
        %parallel_loop3A_302 = arith.constant 1 : i32
        %parallel_loop3A_303 = arith.addi %parallel_loop3A_301, %parallel_loop3A_302 : i32
        %parallel_loop3A_304 = vector.broadcast %parallel_loop3A_303 : i32 to vector<16xi32>
        %parallel_loop3A_305 = arith.select %parallel_loop3A_299, %get3A_36, %get3A_52 : vector<16xf32>
        %parallel_loop3A_306 = arith.select %parallel_loop3A_297, %get3A_20, %parallel_loop3A_305 : vector<16xf32>
        %parallel_loop3A_307 = arith.index_cast %parallel_loop3A_303 : i32 to index
        %parallel_loop3A_308 = arith.constant 0 : index
        %parallel_loop3A_309 = tpu.vector_load %arg10[%parallel_loop3A_307, %parallel_loop3A_308] {strides = array<i32>} : memref<256x64xf32, #tpu.memory_space<vmem>>, vector<16xf32>,
        %parallel_loop3A_310 = arith.addf %parallel_loop3A_309, %parallel_loop3A_306 : vector<16xf32>
        tpu.vector_store_idx %arg12[%add3A_5, %parallel_loop3A_304], %parallel_loop3A_310 : memref<64x264xf32, #tpu.memory_space<vmem>>[vector<16xi32>, vector<16xi32>], vector<16xf32>,
        %parallel_loop3A_311 = arith.select %parallel_loop3A_299, %get3A_40, %get3A_56 : vector<16xf32>
        %parallel_loop3A_312 = arith.select %parallel_loop3A_297, %get3A_24, %parallel_loop3A_311 : vector<16xf32>
        %parallel_loop3A_313 = arith.index_cast %parallel_loop3A_303 : i32 to index
        %parallel_loop3A_314 = arith.constant 16 : index
        %parallel_loop3A_315 = tpu.vector_load %arg10[%parallel_loop3A_313, %parallel_loop3A_314] {strides = array<i32>} : memref<256x64xf32, #tpu.memory_space<vmem>>, vector<16xf32>,
        %parallel_loop3A_316 = arith.addf %parallel_loop3A_315, %parallel_loop3A_312 : vector<16xf32>
        tpu.vector_store_idx %arg12[%add3A_9, %parallel_loop3A_304], %parallel_loop3A_316 : memref<64x264xf32, #tpu.memory_space<vmem>>[vector<16xi32>, vector<16xi32>], vector<16xf32>,
        %parallel_loop3A_317 = arith.select %parallel_loop3A_299, %get3A_44, %get3A_60 : vector<16xf32>
        %parallel_loop3A_318 = arith.select %parallel_loop3A_297, %get3A_28, %parallel_loop3A_317 : vector<16xf32>
        %parallel_loop3A_319 = arith.index_cast %parallel_loop3A_303 : i32 to index
        %parallel_loop3A_320 = arith.constant 32 : index
        %parallel_loop3A_321 = tpu.vector_load %arg10[%parallel_loop3A_319, %parallel_loop3A_320] {strides = array<i32>} : memref<256x64xf32, #tpu.memory_space<vmem>>, vector<16xf32>,
        %parallel_loop3A_322 = arith.addf %parallel_loop3A_321, %parallel_loop3A_318 : vector<16xf32>
        tpu.vector_store_idx %arg12[%add3A_13, %parallel_loop3A_304], %parallel_loop3A_322 : memref<64x264xf32, #tpu.memory_space<vmem>>[vector<16xi32>, vector<16xi32>], vector<16xf32>,
        %parallel_loop3A_323 = arith.select %parallel_loop3A_299, %get3A_48, %get3A_64 : vector<16xf32>
        %parallel_loop3A_324 = arith.select %parallel_loop3A_297, %get3A_32, %parallel_loop3A_323 : vector<16xf32>
        %parallel_loop3A_325 = arith.index_cast %parallel_loop3A_303 : i32 to index
        %parallel_loop3A_326 = arith.constant 48 : index
        %parallel_loop3A_327 = tpu.vector_load %arg10[%parallel_loop3A_325, %parallel_loop3A_326] {strides = array<i32>} : memref<256x64xf32, #tpu.memory_space<vmem>>, vector<16xf32>,
        %parallel_loop3A_328 = arith.addf %parallel_loop3A_327, %parallel_loop3A_324 : vector<16xf32>
        tpu.vector_store_idx %arg12[%add3A_17, %parallel_loop3A_304], %parallel_loop3A_328 : memref<64x264xf32, #tpu.memory_space<vmem>>[vector<16xi32>, vector<16xi32>], vector<16xf32>,
        %parallel_loop3A_329 = vector.extract_strided_slice %parallel_loop3A_258 {offsets = [2], sizes = [1], strides = [1]} : vector<16xi32> to vector<1xi32>
        %parallel_loop3A_330 = vector.extract %parallel_loop3A_329[0] : i32 from vector<1xi32>
        %parallel_loop3A_331 = arith.constant 0 : i32
        %parallel_loop3A_332 = arith.cmpi eq, %parallel_loop3A_330, %parallel_loop3A_331 : i32
        %parallel_loop3A_333 = arith.constant 1 : i32
        %parallel_loop3A_334 = arith.cmpi eq, %parallel_loop3A_330, %parallel_loop3A_333 : i32
        %parallel_loop3A_335 = arith.constant 16 : i32
        %parallel_loop3A_336 = arith.muli %parallel_loop3A_251, %parallel_loop3A_335 : i32
        %parallel_loop3A_337 = arith.constant 2 : i32
        %parallel_loop3A_338 = arith.addi %parallel_loop3A_336, %parallel_loop3A_337 : i32
        %parallel_loop3A_339 = vector.broadcast %parallel_loop3A_338 : i32 to vector<16xi32>
        %parallel_loop3A_340 = arith.select %parallel_loop3A_334, %get3A_36, %get3A_52 : vector<16xf32>
        %parallel_loop3A_341 = arith.select %parallel_loop3A_332, %get3A_20, %parallel_loop3A_340 : vector<16xf32>
        %parallel_loop3A_342 = arith.index_cast %parallel_loop3A_338 : i32 to index
        %parallel_loop3A_343 = arith.constant 0 : index
        %parallel_loop3A_344 = tpu.vector_load %arg10[%parallel_loop3A_342, %parallel_loop3A_343] {strides = array<i32>} : memref<256x64xf32, #tpu.memory_space<vmem>>, vector<16xf32>,
        %parallel_loop3A_345 = arith.addf %parallel_loop3A_344, %parallel_loop3A_341 : vector<16xf32>
        tpu.vector_store_idx %arg12[%add3A_5, %parallel_loop3A_339], %parallel_loop3A_345 : memref<64x264xf32, #tpu.memory_space<vmem>>[vector<16xi32>, vector<16xi32>], vector<16xf32>,
        %parallel_loop3A_346 = arith.select %parallel_loop3A_334, %get3A_40, %get3A_56 : vector<16xf32>
        %parallel_loop3A_347 = arith.select %parallel_loop3A_332, %get3A_24, %parallel_loop3A_346 : vector<16xf32>
        %parallel_loop3A_348 = arith.index_cast %parallel_loop3A_338 : i32 to index
        %parallel_loop3A_349 = arith.constant 16 : index
        %parallel_loop3A_350 = tpu.vector_load %arg10[%parallel_loop3A_348, %parallel_loop3A_349] {strides = array<i32>} : memref<256x64xf32, #tpu.memory_space<vmem>>, vector<16xf32>,
        %parallel_loop3A_351 = arith.addf %parallel_loop3A_350, %parallel_loop3A_347 : vector<16xf32>
        tpu.vector_store_idx %arg12[%add3A_9, %parallel_loop3A_339], %parallel_loop3A_351 : memref<64x264xf32, #tpu.memory_space<vmem>>[vector<16xi32>, vector<16xi32>], vector<16xf32>,
        %parallel_loop3A_352 = arith.select %parallel_loop3A_334, %get3A_44, %get3A_60 : vector<16xf32>
        %parallel_loop3A_353 = arith.select %parallel_loop3A_332, %get3A_28, %parallel_loop3A_352 : vector<16xf32>
        %parallel_loop3A_354 = arith.index_cast %parallel_loop3A_338 : i32 to index
        %parallel_loop3A_355 = arith.constant 32 : index
        %parallel_loop3A_356 = tpu.vector_load %arg10[%parallel_loop3A_354, %parallel_loop3A_355] {strides = array<i32>} : memref<256x64xf32, #tpu.memory_space<vmem>>, vector<16xf32>,
        %parallel_loop3A_357 = arith.addf %parallel_loop3A_356, %parallel_loop3A_353 : vector<16xf32>
        tpu.vector_store_idx %arg12[%add3A_13, %parallel_loop3A_339], %parallel_loop3A_357 : memref<64x264xf32, #tpu.memory_space<vmem>>[vector<16xi32>, vector<16xi32>], vector<16xf32>,
        %parallel_loop3A_358 = arith.select %parallel_loop3A_334, %get3A_48, %get3A_64 : vector<16xf32>
        %parallel_loop3A_359 = arith.select %parallel_loop3A_332, %get3A_32, %parallel_loop3A_358 : vector<16xf32>
        %parallel_loop3A_360 = arith.index_cast %parallel_loop3A_338 : i32 to index
        %parallel_loop3A_361 = arith.constant 48 : index
        %parallel_loop3A_362 = tpu.vector_load %arg10[%parallel_loop3A_360, %parallel_loop3A_361] {strides = array<i32>} : memref<256x64xf32, #tpu.memory_space<vmem>>, vector<16xf32>,
        %parallel_loop3A_363 = arith.addf %parallel_loop3A_362, %parallel_loop3A_359 : vector<16xf32>
        tpu.vector_store_idx %arg12[%add3A_17, %parallel_loop3A_339], %parallel_loop3A_363 : memref<64x264xf32, #tpu.memory_space<vmem>>[vector<16xi32>, vector<16xi32>], vector<16xf32>,
        %parallel_loop3A_364 = vector.extract_strided_slice %parallel_loop3A_258 {offsets = [3], sizes = [1], strides = [1]} : vector<16xi32> to vector<1xi32>
        %parallel_loop3A_365 = vector.extract %parallel_loop3A_364[0] : i32 from vector<1xi32>
        %parallel_loop3A_366 = arith.constant 0 : i32
        %parallel_loop3A_367 = arith.cmpi eq, %parallel_loop3A_365, %parallel_loop3A_366 : i32
        %parallel_loop3A_368 = arith.constant 1 : i32
        %parallel_loop3A_369 = arith.cmpi eq, %parallel_loop3A_365, %parallel_loop3A_368 : i32
        %parallel_loop3A_370 = arith.constant 16 : i32
        %parallel_loop3A_371 = arith.muli %parallel_loop3A_251, %parallel_loop3A_370 : i32
        %parallel_loop3A_372 = arith.constant 3 : i32
        %parallel_loop3A_373 = arith.addi %parallel_loop3A_371, %parallel_loop3A_372 : i32
        %parallel_loop3A_374 = vector.broadcast %parallel_loop3A_373 : i32 to vector<16xi32>
        %parallel_loop3A_375 = arith.select %parallel_loop3A_369, %get3A_36, %get3A_52 : vector<16xf32>
        %parallel_loop3A_376 = arith.select %parallel_loop3A_367, %get3A_20, %parallel_loop3A_375 : vector<16xf32>
        %parallel_loop3A_377 = arith.index_cast %parallel_loop3A_373 : i32 to index
        %parallel_loop3A_378 = arith.constant 0 : index
        %parallel_loop3A_379 = tpu.vector_load %arg10[%parallel_loop3A_377, %parallel_loop3A_378] {strides = array<i32>} : memref<256x64xf32, #tpu.memory_space<vmem>>, vector<16xf32>,
        %parallel_loop3A_380 = arith.addf %parallel_loop3A_379, %parallel_loop3A_376 : vector<16xf32>
        tpu.vector_store_idx %arg12[%add3A_5, %parallel_loop3A_374], %parallel_loop3A_380 : memref<64x264xf32, #tpu.memory_space<vmem>>[vector<16xi32>, vector<16xi32>], vector<16xf32>,
        %parallel_loop3A_381 = arith.select %parallel_loop3A_369, %get3A_40, %get3A_56 : vector<16xf32>
        %parallel_loop3A_382 = arith.select %parallel_loop3A_367, %get3A_24, %parallel_loop3A_381 : vector<16xf32>
        %parallel_loop3A_383 = arith.index_cast %parallel_loop3A_373 : i32 to index
        %parallel_loop3A_384 = arith.constant 16 : index
        %parallel_loop3A_385 = tpu.vector_load %arg10[%parallel_loop3A_383, %parallel_loop3A_384] {strides = array<i32>} : memref<256x64xf32, #tpu.memory_space<vmem>>, vector<16xf32>,
        %parallel_loop3A_386 = arith.addf %parallel_loop3A_385, %parallel_loop3A_382 : vector<16xf32>
        tpu.vector_store_idx %arg12[%add3A_9, %parallel_loop3A_374], %parallel_loop3A_386 : memref<64x264xf32, #tpu.memory_space<vmem>>[vector<16xi32>, vector<16xi32>], vector<16xf32>,
        %parallel_loop3A_387 = arith.select %parallel_loop3A_369, %get3A_44, %get3A_60 : vector<16xf32>
        %parallel_loop3A_388 = arith.select %parallel_loop3A_367, %get3A_28, %parallel_loop3A_387 : vector<16xf32>
        %parallel_loop3A_389 = arith.index_cast %parallel_loop3A_373 : i32 to index
        %parallel_loop3A_390 = arith.constant 32 : index
        %parallel_loop3A_391 = tpu.vector_load %arg10[%parallel_loop3A_389, %parallel_loop3A_390] {strides = array<i32>} : memref<256x64xf32, #tpu.memory_space<vmem>>, vector<16xf32>,
        %parallel_loop3A_392 = arith.addf %parallel_loop3A_391, %parallel_loop3A_388 : vector<16xf32>
        tpu.vector_store_idx %arg12[%add3A_13, %parallel_loop3A_374], %parallel_loop3A_392 : memref<64x264xf32, #tpu.memory_space<vmem>>[vector<16xi32>, vector<16xi32>], vector<16xf32>,
        %parallel_loop3A_393 = arith.select %parallel_loop3A_369, %get3A_48, %get3A_64 : vector<16xf32>
        %parallel_loop3A_394 = arith.select %parallel_loop3A_367, %get3A_32, %parallel_loop3A_393 : vector<16xf32>
        %parallel_loop3A_395 = arith.index_cast %parallel_loop3A_373 : i32 to index
        %parallel_loop3A_396 = arith.constant 48 : index
        %parallel_loop3A_397 = tpu.vector_load %arg10[%parallel_loop3A_395, %parallel_loop3A_396] {strides = array<i32>} : memref<256x64xf32, #tpu.memory_space<vmem>>, vector<16xf32>,
        %parallel_loop3A_398 = arith.addf %parallel_loop3A_397, %parallel_loop3A_394 : vector<16xf32>
        tpu.vector_store_idx %arg12[%add3A_17, %parallel_loop3A_374], %parallel_loop3A_398 : memref<64x264xf32, #tpu.memory_space<vmem>>[vector<16xi32>, vector<16xi32>], vector<16xf32>,
        %parallel_loop3A_399 = vector.extract_strided_slice %parallel_loop3A_258 {offsets = [4], sizes = [1], strides = [1]} : vector<16xi32> to vector<1xi32>
        %parallel_loop3A_400 = vector.extract %parallel_loop3A_399[0] : i32 from vector<1xi32>
        %parallel_loop3A_401 = arith.constant 0 : i32
        %parallel_loop3A_402 = arith.cmpi eq, %parallel_loop3A_400, %parallel_loop3A_401 : i32
        %parallel_loop3A_403 = arith.constant 1 : i32
        %parallel_loop3A_404 = arith.cmpi eq, %parallel_loop3A_400, %parallel_loop3A_403 : i32
        %parallel_loop3A_405 = arith.constant 16 : i32
        %parallel_loop3A_406 = arith.muli %parallel_loop3A_251, %parallel_loop3A_405 : i32
        %parallel_loop3A_407 = arith.constant 4 : i32
        %parallel_loop3A_408 = arith.addi %parallel_loop3A_406, %parallel_loop3A_407 : i32
        %parallel_loop3A_409 = vector.broadcast %parallel_loop3A_408 : i32 to vector<16xi32>
        %parallel_loop3A_410 = arith.select %parallel_loop3A_404, %get3A_36, %get3A_52 : vector<16xf32>
        %parallel_loop3A_411 = arith.select %parallel_loop3A_402, %get3A_20, %parallel_loop3A_410 : vector<16xf32>
        %parallel_loop3A_412 = arith.index_cast %parallel_loop3A_408 : i32 to index
        %parallel_loop3A_413 = arith.constant 0 : index
        %parallel_loop3A_414 = tpu.vector_load %arg10[%parallel_loop3A_412, %parallel_loop3A_413] {strides = array<i32>} : memref<256x64xf32, #tpu.memory_space<vmem>>, vector<16xf32>,
        %parallel_loop3A_415 = arith.addf %parallel_loop3A_414, %parallel_loop3A_411 : vector<16xf32>
        tpu.vector_store_idx %arg12[%add3A_5, %parallel_loop3A_409], %parallel_loop3A_415 : memref<64x264xf32, #tpu.memory_space<vmem>>[vector<16xi32>, vector<16xi32>], vector<16xf32>,
        %parallel_loop3A_416 = arith.select %parallel_loop3A_404, %get3A_40, %get3A_56 : vector<16xf32>
        %parallel_loop3A_417 = arith.select %parallel_loop3A_402, %get3A_24, %parallel_loop3A_416 : vector<16xf32>
        %parallel_loop3A_418 = arith.index_cast %parallel_loop3A_408 : i32 to index
        %parallel_loop3A_419 = arith.constant 16 : index
        %parallel_loop3A_420 = tpu.vector_load %arg10[%parallel_loop3A_418, %parallel_loop3A_419] {strides = array<i32>} : memref<256x64xf32, #tpu.memory_space<vmem>>, vector<16xf32>,
        %parallel_loop3A_421 = arith.addf %parallel_loop3A_420, %parallel_loop3A_417 : vector<16xf32>
        tpu.vector_store_idx %arg12[%add3A_9, %parallel_loop3A_409], %parallel_loop3A_421 : memref<64x264xf32, #tpu.memory_space<vmem>>[vector<16xi32>, vector<16xi32>], vector<16xf32>,
        %parallel_loop3A_422 = arith.select %parallel_loop3A_404, %get3A_44, %get3A_60 : vector<16xf32>
        %parallel_loop3A_423 = arith.select %parallel_loop3A_402, %get3A_28, %parallel_loop3A_422 : vector<16xf32>
        %parallel_loop3A_424 = arith.index_cast %parallel_loop3A_408 : i32 to index
        %parallel_loop3A_425 = arith.constant 32 : index
        %parallel_loop3A_426 = tpu.vector_load %arg10[%parallel_loop3A_424, %parallel_loop3A_425] {strides = array<i32>} : memref<256x64xf32, #tpu.memory_space<vmem>>, vector<16xf32>,
        %parallel_loop3A_427 = arith.addf %parallel_loop3A_426, %parallel_loop3A_423 : vector<16xf32>
        tpu.vector_store_idx %arg12[%add3A_13, %parallel_loop3A_409], %parallel_loop3A_427 : memref<64x264xf32, #tpu.memory_space<vmem>>[vector<16xi32>, vector<16xi32>], vector<16xf32>,
        %parallel_loop3A_428 = arith.select %parallel_loop3A_404, %get3A_48, %get3A_64 : vector<16xf32>
        %parallel_loop3A_429 = arith.select %parallel_loop3A_402, %get3A_32, %parallel_loop3A_428 : vector<16xf32>
        %parallel_loop3A_430 = arith.index_cast %parallel_loop3A_408 : i32 to index
        %parallel_loop3A_431 = arith.constant 48 : index
        %parallel_loop3A_432 = tpu.vector_load %arg10[%parallel_loop3A_430, %parallel_loop3A_431] {strides = array<i32>} : memref<256x64xf32, #tpu.memory_space<vmem>>, vector<16xf32>,
        %parallel_loop3A_433 = arith.addf %parallel_loop3A_432, %parallel_loop3A_429 : vector<16xf32>
        tpu.vector_store_idx %arg12[%add3A_17, %parallel_loop3A_409], %parallel_loop3A_433 : memref<64x264xf32, #tpu.memory_space<vmem>>[vector<16xi32>, vector<16xi32>], vector<16xf32>,
        %parallel_loop3A_434 = vector.extract_strided_slice %parallel_loop3A_258 {offsets = [5], sizes = [1], strides = [1]} : vector<16xi32> to vector<1xi32>
        %parallel_loop3A_435 = vector.extract %parallel_loop3A_434[0] : i32 from vector<1xi32>
        %parallel_loop3A_436 = arith.constant 0 : i32
        %parallel_loop3A_437 = arith.cmpi eq, %parallel_loop3A_435, %parallel_loop3A_436 : i32
        %parallel_loop3A_438 = arith.constant 1 : i32
        %parallel_loop3A_439 = arith.cmpi eq, %parallel_loop3A_435, %parallel_loop3A_438 : i32
        %parallel_loop3A_440 = arith.constant 16 : i32
        %parallel_loop3A_441 = arith.muli %parallel_loop3A_251, %parallel_loop3A_440 : i32
        %parallel_loop3A_442 = arith.constant 5 : i32
        %parallel_loop3A_443 = arith.addi %parallel_loop3A_441, %parallel_loop3A_442 : i32
        %parallel_loop3A_444 = vector.broadcast %parallel_loop3A_443 : i32 to vector<16xi32>
        %parallel_loop3A_445 = arith.select %parallel_loop3A_439, %get3A_36, %get3A_52 : vector<16xf32>
        %parallel_loop3A_446 = arith.select %parallel_loop3A_437, %get3A_20, %parallel_loop3A_445 : vector<16xf32>
        %parallel_loop3A_447 = arith.index_cast %parallel_loop3A_443 : i32 to index
        %parallel_loop3A_448 = arith.constant 0 : index
        %parallel_loop3A_449 = tpu.vector_load %arg10[%parallel_loop3A_447, %parallel_loop3A_448] {strides = array<i32>} : memref<256x64xf32, #tpu.memory_space<vmem>>, vector<16xf32>,
        %parallel_loop3A_450 = arith.addf %parallel_loop3A_449, %parallel_loop3A_446 : vector<16xf32>
        tpu.vector_store_idx %arg12[%add3A_5, %parallel_loop3A_444], %parallel_loop3A_450 : memref<64x264xf32, #tpu.memory_space<vmem>>[vector<16xi32>, vector<16xi32>], vector<16xf32>,
        %parallel_loop3A_451 = arith.select %parallel_loop3A_439, %get3A_40, %get3A_56 : vector<16xf32>
        %parallel_loop3A_452 = arith.select %parallel_loop3A_437, %get3A_24, %parallel_loop3A_451 : vector<16xf32>
        %parallel_loop3A_453 = arith.index_cast %parallel_loop3A_443 : i32 to index
        %parallel_loop3A_454 = arith.constant 16 : index
        %parallel_loop3A_455 = tpu.vector_load %arg10[%parallel_loop3A_453, %parallel_loop3A_454] {strides = array<i32>} : memref<256x64xf32, #tpu.memory_space<vmem>>, vector<16xf32>,
        %parallel_loop3A_456 = arith.addf %parallel_loop3A_455, %parallel_loop3A_452 : vector<16xf32>
        tpu.vector_store_idx %arg12[%add3A_9, %parallel_loop3A_444], %parallel_loop3A_456 : memref<64x264xf32, #tpu.memory_space<vmem>>[vector<16xi32>, vector<16xi32>], vector<16xf32>,
        %parallel_loop3A_457 = arith.select %parallel_loop3A_439, %get3A_44, %get3A_60 : vector<16xf32>
        %parallel_loop3A_458 = arith.select %parallel_loop3A_437, %get3A_28, %parallel_loop3A_457 : vector<16xf32>
        %parallel_loop3A_459 = arith.index_cast %parallel_loop3A_443 : i32 to index
        %parallel_loop3A_460 = arith.constant 32 : index
        %parallel_loop3A_461 = tpu.vector_load %arg10[%parallel_loop3A_459, %parallel_loop3A_460] {strides = array<i32>} : memref<256x64xf32, #tpu.memory_space<vmem>>, vector<16xf32>,
        %parallel_loop3A_462 = arith.addf %parallel_loop3A_461, %parallel_loop3A_458 : vector<16xf32>
        tpu.vector_store_idx %arg12[%add3A_13, %parallel_loop3A_444], %parallel_loop3A_462 : memref<64x264xf32, #tpu.memory_space<vmem>>[vector<16xi32>, vector<16xi32>], vector<16xf32>,
        %parallel_loop3A_463 = arith.select %parallel_loop3A_439, %get3A_48, %get3A_64 : vector<16xf32>
        %parallel_loop3A_464 = arith.select %parallel_loop3A_437, %get3A_32, %parallel_loop3A_463 : vector<16xf32>
        %parallel_loop3A_465 = arith.index_cast %parallel_loop3A_443 : i32 to index
        %parallel_loop3A_466 = arith.constant 48 : index
        %parallel_loop3A_467 = tpu.vector_load %arg10[%parallel_loop3A_465, %parallel_loop3A_466] {strides = array<i32>} : memref<256x64xf32, #tpu.memory_space<vmem>>, vector<16xf32>,
        %parallel_loop3A_468 = arith.addf %parallel_loop3A_467, %parallel_loop3A_464 : vector<16xf32>
        tpu.vector_store_idx %arg12[%add3A_17, %parallel_loop3A_444], %parallel_loop3A_468 : memref<64x264xf32, #tpu.memory_space<vmem>>[vector<16xi32>, vector<16xi32>], vector<16xf32>,
        %parallel_loop3A_469 = vector.extract_strided_slice %parallel_loop3A_258 {offsets = [6], sizes = [1], strides = [1]} : vector<16xi32> to vector<1xi32>
        %parallel_loop3A_470 = vector.extract %parallel_loop3A_469[0] : i32 from vector<1xi32>
        %parallel_loop3A_471 = arith.constant 0 : i32
        %parallel_loop3A_472 = arith.cmpi eq, %parallel_loop3A_470, %parallel_loop3A_471 : i32
        %parallel_loop3A_473 = arith.constant 1 : i32
        %parallel_loop3A_474 = arith.cmpi eq, %parallel_loop3A_470, %parallel_loop3A_473 : i32
        %parallel_loop3A_475 = arith.constant 16 : i32
        %parallel_loop3A_476 = arith.muli %parallel_loop3A_251, %parallel_loop3A_475 : i32
        %parallel_loop3A_477 = arith.constant 6 : i32
        %parallel_loop3A_478 = arith.addi %parallel_loop3A_476, %parallel_loop3A_477 : i32
        %parallel_loop3A_479 = vector.broadcast %parallel_loop3A_478 : i32 to vector<16xi32>
        %parallel_loop3A_480 = arith.select %parallel_loop3A_474, %get3A_36, %get3A_52 : vector<16xf32>
        %parallel_loop3A_481 = arith.select %parallel_loop3A_472, %get3A_20, %parallel_loop3A_480 : vector<16xf32>
        %parallel_loop3A_482 = arith.index_cast %parallel_loop3A_478 : i32 to index
        %parallel_loop3A_483 = arith.constant 0 : index
        %parallel_loop3A_484 = tpu.vector_load %arg10[%parallel_loop3A_482, %parallel_loop3A_483] {strides = array<i32>} : memref<256x64xf32, #tpu.memory_space<vmem>>, vector<16xf32>,
        %parallel_loop3A_485 = arith.addf %parallel_loop3A_484, %parallel_loop3A_481 : vector<16xf32>
        tpu.vector_store_idx %arg12[%add3A_5, %parallel_loop3A_479], %parallel_loop3A_485 : memref<64x264xf32, #tpu.memory_space<vmem>>[vector<16xi32>, vector<16xi32>], vector<16xf32>,
        %parallel_loop3A_486 = arith.select %parallel_loop3A_474, %get3A_40, %get3A_56 : vector<16xf32>
        %parallel_loop3A_487 = arith.select %parallel_loop3A_472, %get3A_24, %parallel_loop3A_486 : vector<16xf32>
        %parallel_loop3A_488 = arith.index_cast %parallel_loop3A_478 : i32 to index
        %parallel_loop3A_489 = arith.constant 16 : index
        %parallel_loop3A_490 = tpu.vector_load %arg10[%parallel_loop3A_488, %parallel_loop3A_489] {strides = array<i32>} : memref<256x64xf32, #tpu.memory_space<vmem>>, vector<16xf32>,
        %parallel_loop3A_491 = arith.addf %parallel_loop3A_490, %parallel_loop3A_487 : vector<16xf32>
        tpu.vector_store_idx %arg12[%add3A_9, %parallel_loop3A_479], %parallel_loop3A_491 : memref<64x264xf32, #tpu.memory_space<vmem>>[vector<16xi32>, vector<16xi32>], vector<16xf32>,
        %parallel_loop3A_492 = arith.select %parallel_loop3A_474, %get3A_44, %get3A_60 : vector<16xf32>
        %parallel_loop3A_493 = arith.select %parallel_loop3A_472, %get3A_28, %parallel_loop3A_492 : vector<16xf32>
        %parallel_loop3A_494 = arith.index_cast %parallel_loop3A_478 : i32 to index
        %parallel_loop3A_495 = arith.constant 32 : index
        %parallel_loop3A_496 = tpu.vector_load %arg10[%parallel_loop3A_494, %parallel_loop3A_495] {strides = array<i32>} : memref<256x64xf32, #tpu.memory_space<vmem>>, vector<16xf32>,
        %parallel_loop3A_497 = arith.addf %parallel_loop3A_496, %parallel_loop3A_493 : vector<16xf32>
        tpu.vector_store_idx %arg12[%add3A_13, %parallel_loop3A_479], %parallel_loop3A_497 : memref<64x264xf32, #tpu.memory_space<vmem>>[vector<16xi32>, vector<16xi32>], vector<16xf32>,
        %parallel_loop3A_498 = arith.select %parallel_loop3A_474, %get3A_48, %get3A_64 : vector<16xf32>
        %parallel_loop3A_499 = arith.select %parallel_loop3A_472, %get3A_32, %parallel_loop3A_498 : vector<16xf32>
        %parallel_loop3A_500 = arith.index_cast %parallel_loop3A_478 : i32 to index
        %parallel_loop3A_501 = arith.constant 48 : index
        %parallel_loop3A_502 = tpu.vector_load %arg10[%parallel_loop3A_500, %parallel_loop3A_501] {strides = array<i32>} : memref<256x64xf32, #tpu.memory_space<vmem>>, vector<16xf32>,
        %parallel_loop3A_503 = arith.addf %parallel_loop3A_502, %parallel_loop3A_499 : vector<16xf32>
        tpu.vector_store_idx %arg12[%add3A_17, %parallel_loop3A_479], %parallel_loop3A_503 : memref<64x264xf32, #tpu.memory_space<vmem>>[vector<16xi32>, vector<16xi32>], vector<16xf32>,
        %parallel_loop3A_504 = vector.extract_strided_slice %parallel_loop3A_258 {offsets = [7], sizes = [1], strides = [1]} : vector<16xi32> to vector<1xi32>
        %parallel_loop3A_505 = vector.extract %parallel_loop3A_504[0] : i32 from vector<1xi32>
        %parallel_loop3A_506 = arith.constant 0 : i32
        %parallel_loop3A_507 = arith.cmpi eq, %parallel_loop3A_505, %parallel_loop3A_506 : i32
        %parallel_loop3A_508 = arith.constant 1 : i32
        %parallel_loop3A_509 = arith.cmpi eq, %parallel_loop3A_505, %parallel_loop3A_508 : i32
        %parallel_loop3A_510 = arith.constant 16 : i32
        %parallel_loop3A_511 = arith.muli %parallel_loop3A_251, %parallel_loop3A_510 : i32
        %parallel_loop3A_512 = arith.constant 7 : i32
        %parallel_loop3A_513 = arith.addi %parallel_loop3A_511, %parallel_loop3A_512 : i32
        %parallel_loop3A_514 = vector.broadcast %parallel_loop3A_513 : i32 to vector<16xi32>
        %parallel_loop3A_515 = arith.select %parallel_loop3A_509, %get3A_36, %get3A_52 : vector<16xf32>
        %parallel_loop3A_516 = arith.select %parallel_loop3A_507, %get3A_20, %parallel_loop3A_515 : vector<16xf32>
        %parallel_loop3A_517 = arith.index_cast %parallel_loop3A_513 : i32 to index
        %parallel_loop3A_518 = arith.constant 0 : index
        %parallel_loop3A_519 = tpu.vector_load %arg10[%parallel_loop3A_517, %parallel_loop3A_518] {strides = array<i32>} : memref<256x64xf32, #tpu.memory_space<vmem>>, vector<16xf32>,
        %parallel_loop3A_520 = arith.addf %parallel_loop3A_519, %parallel_loop3A_516 : vector<16xf32>
        tpu.vector_store_idx %arg12[%add3A_5, %parallel_loop3A_514], %parallel_loop3A_520 : memref<64x264xf32, #tpu.memory_space<vmem>>[vector<16xi32>, vector<16xi32>], vector<16xf32>,
        %parallel_loop3A_521 = arith.select %parallel_loop3A_509, %get3A_40, %get3A_56 : vector<16xf32>
        %parallel_loop3A_522 = arith.select %parallel_loop3A_507, %get3A_24, %parallel_loop3A_521 : vector<16xf32>
        %parallel_loop3A_523 = arith.index_cast %parallel_loop3A_513 : i32 to index
        %parallel_loop3A_524 = arith.constant 16 : index
        %parallel_loop3A_525 = tpu.vector_load %arg10[%parallel_loop3A_523, %parallel_loop3A_524] {strides = array<i32>} : memref<256x64xf32, #tpu.memory_space<vmem>>, vector<16xf32>,
        %parallel_loop3A_526 = arith.addf %parallel_loop3A_525, %parallel_loop3A_522 : vector<16xf32>
        tpu.vector_store_idx %arg12[%add3A_9, %parallel_loop3A_514], %parallel_loop3A_526 : memref<64x264xf32, #tpu.memory_space<vmem>>[vector<16xi32>, vector<16xi32>], vector<16xf32>,
        %parallel_loop3A_527 = arith.select %parallel_loop3A_509, %get3A_44, %get3A_60 : vector<16xf32>
        %parallel_loop3A_528 = arith.select %parallel_loop3A_507, %get3A_28, %parallel_loop3A_527 : vector<16xf32>
        %parallel_loop3A_529 = arith.index_cast %parallel_loop3A_513 : i32 to index
        %parallel_loop3A_530 = arith.constant 32 : index
        %parallel_loop3A_531 = tpu.vector_load %arg10[%parallel_loop3A_529, %parallel_loop3A_530] {strides = array<i32>} : memref<256x64xf32, #tpu.memory_space<vmem>>, vector<16xf32>,
        %parallel_loop3A_532 = arith.addf %parallel_loop3A_531, %parallel_loop3A_528 : vector<16xf32>
        tpu.vector_store_idx %arg12[%add3A_13, %parallel_loop3A_514], %parallel_loop3A_532 : memref<64x264xf32, #tpu.memory_space<vmem>>[vector<16xi32>, vector<16xi32>], vector<16xf32>,
        %parallel_loop3A_533 = arith.select %parallel_loop3A_509, %get3A_48, %get3A_64 : vector<16xf32>
        %parallel_loop3A_534 = arith.select %parallel_loop3A_507, %get3A_32, %parallel_loop3A_533 : vector<16xf32>
        %parallel_loop3A_535 = arith.index_cast %parallel_loop3A_513 : i32 to index
        %parallel_loop3A_536 = arith.constant 48 : index
        %parallel_loop3A_537 = tpu.vector_load %arg10[%parallel_loop3A_535, %parallel_loop3A_536] {strides = array<i32>} : memref<256x64xf32, #tpu.memory_space<vmem>>, vector<16xf32>,
        %parallel_loop3A_538 = arith.addf %parallel_loop3A_537, %parallel_loop3A_534 : vector<16xf32>
        tpu.vector_store_idx %arg12[%add3A_17, %parallel_loop3A_514], %parallel_loop3A_538 : memref<64x264xf32, #tpu.memory_space<vmem>>[vector<16xi32>, vector<16xi32>], vector<16xf32>,
        %parallel_loop3A_539 = vector.extract_strided_slice %parallel_loop3A_258 {offsets = [8], sizes = [1], strides = [1]} : vector<16xi32> to vector<1xi32>
        %parallel_loop3A_540 = vector.extract %parallel_loop3A_539[0] : i32 from vector<1xi32>
        %parallel_loop3A_541 = arith.constant 0 : i32
        %parallel_loop3A_542 = arith.cmpi eq, %parallel_loop3A_540, %parallel_loop3A_541 : i32
        %parallel_loop3A_543 = arith.constant 1 : i32
        %parallel_loop3A_544 = arith.cmpi eq, %parallel_loop3A_540, %parallel_loop3A_543 : i32
        %parallel_loop3A_545 = arith.constant 16 : i32
        %parallel_loop3A_546 = arith.muli %parallel_loop3A_251, %parallel_loop3A_545 : i32
        %parallel_loop3A_547 = arith.constant 8 : i32
        %parallel_loop3A_548 = arith.addi %parallel_loop3A_546, %parallel_loop3A_547 : i32
        %parallel_loop3A_549 = vector.broadcast %parallel_loop3A_548 : i32 to vector<16xi32>
        %parallel_loop3A_550 = arith.select %parallel_loop3A_544, %get3A_36, %get3A_52 : vector<16xf32>
        %parallel_loop3A_551 = arith.select %parallel_loop3A_542, %get3A_20, %parallel_loop3A_550 : vector<16xf32>
        %parallel_loop3A_552 = arith.index_cast %parallel_loop3A_548 : i32 to index
        %parallel_loop3A_553 = arith.constant 0 : index
        %parallel_loop3A_554 = tpu.vector_load %arg10[%parallel_loop3A_552, %parallel_loop3A_553] {strides = array<i32>} : memref<256x64xf32, #tpu.memory_space<vmem>>, vector<16xf32>,
        %parallel_loop3A_555 = arith.addf %parallel_loop3A_554, %parallel_loop3A_551 : vector<16xf32>
        tpu.vector_store_idx %arg12[%add3A_5, %parallel_loop3A_549], %parallel_loop3A_555 : memref<64x264xf32, #tpu.memory_space<vmem>>[vector<16xi32>, vector<16xi32>], vector<16xf32>,
        %parallel_loop3A_556 = arith.select %parallel_loop3A_544, %get3A_40, %get3A_56 : vector<16xf32>
        %parallel_loop3A_557 = arith.select %parallel_loop3A_542, %get3A_24, %parallel_loop3A_556 : vector<16xf32>
        %parallel_loop3A_558 = arith.index_cast %parallel_loop3A_548 : i32 to index
        %parallel_loop3A_559 = arith.constant 16 : index
        %parallel_loop3A_560 = tpu.vector_load %arg10[%parallel_loop3A_558, %parallel_loop3A_559] {strides = array<i32>} : memref<256x64xf32, #tpu.memory_space<vmem>>, vector<16xf32>,
        %parallel_loop3A_561 = arith.addf %parallel_loop3A_560, %parallel_loop3A_557 : vector<16xf32>
        tpu.vector_store_idx %arg12[%add3A_9, %parallel_loop3A_549], %parallel_loop3A_561 : memref<64x264xf32, #tpu.memory_space<vmem>>[vector<16xi32>, vector<16xi32>], vector<16xf32>,
        %parallel_loop3A_562 = arith.select %parallel_loop3A_544, %get3A_44, %get3A_60 : vector<16xf32>
        %parallel_loop3A_563 = arith.select %parallel_loop3A_542, %get3A_28, %parallel_loop3A_562 : vector<16xf32>
        %parallel_loop3A_564 = arith.index_cast %parallel_loop3A_548 : i32 to index
        %parallel_loop3A_565 = arith.constant 32 : index
        %parallel_loop3A_566 = tpu.vector_load %arg10[%parallel_loop3A_564, %parallel_loop3A_565] {strides = array<i32>} : memref<256x64xf32, #tpu.memory_space<vmem>>, vector<16xf32>,
        %parallel_loop3A_567 = arith.addf %parallel_loop3A_566, %parallel_loop3A_563 : vector<16xf32>
        tpu.vector_store_idx %arg12[%add3A_13, %parallel_loop3A_549], %parallel_loop3A_567 : memref<64x264xf32, #tpu.memory_space<vmem>>[vector<16xi32>, vector<16xi32>], vector<16xf32>,
        %parallel_loop3A_568 = arith.select %parallel_loop3A_544, %get3A_48, %get3A_64 : vector<16xf32>
        %parallel_loop3A_569 = arith.select %parallel_loop3A_542, %get3A_32, %parallel_loop3A_568 : vector<16xf32>
        %parallel_loop3A_570 = arith.index_cast %parallel_loop3A_548 : i32 to index
        %parallel_loop3A_571 = arith.constant 48 : index
        %parallel_loop3A_572 = tpu.vector_load %arg10[%parallel_loop3A_570, %parallel_loop3A_571] {strides = array<i32>} : memref<256x64xf32, #tpu.memory_space<vmem>>, vector<16xf32>,
        %parallel_loop3A_573 = arith.addf %parallel_loop3A_572, %parallel_loop3A_569 : vector<16xf32>
        tpu.vector_store_idx %arg12[%add3A_17, %parallel_loop3A_549], %parallel_loop3A_573 : memref<64x264xf32, #tpu.memory_space<vmem>>[vector<16xi32>, vector<16xi32>], vector<16xf32>,
        %parallel_loop3A_574 = vector.extract_strided_slice %parallel_loop3A_258 {offsets = [9], sizes = [1], strides = [1]} : vector<16xi32> to vector<1xi32>
        %parallel_loop3A_575 = vector.extract %parallel_loop3A_574[0] : i32 from vector<1xi32>
        %parallel_loop3A_576 = arith.constant 0 : i32
        %parallel_loop3A_577 = arith.cmpi eq, %parallel_loop3A_575, %parallel_loop3A_576 : i32
        %parallel_loop3A_578 = arith.constant 1 : i32
        %parallel_loop3A_579 = arith.cmpi eq, %parallel_loop3A_575, %parallel_loop3A_578 : i32
        %parallel_loop3A_580 = arith.constant 16 : i32
        %parallel_loop3A_581 = arith.muli %parallel_loop3A_251, %parallel_loop3A_580 : i32
        %parallel_loop3A_582 = arith.constant 9 : i32
        %parallel_loop3A_583 = arith.addi %parallel_loop3A_581, %parallel_loop3A_582 : i32
        %parallel_loop3A_584 = vector.broadcast %parallel_loop3A_583 : i32 to vector<16xi32>
        %parallel_loop3A_585 = arith.select %parallel_loop3A_579, %get3A_36, %get3A_52 : vector<16xf32>
        %parallel_loop3A_586 = arith.select %parallel_loop3A_577, %get3A_20, %parallel_loop3A_585 : vector<16xf32>
        %parallel_loop3A_587 = arith.index_cast %parallel_loop3A_583 : i32 to index
        %parallel_loop3A_588 = arith.constant 0 : index
        %parallel_loop3A_589 = tpu.vector_load %arg10[%parallel_loop3A_587, %parallel_loop3A_588] {strides = array<i32>} : memref<256x64xf32, #tpu.memory_space<vmem>>, vector<16xf32>,
        %parallel_loop3A_590 = arith.addf %parallel_loop3A_589, %parallel_loop3A_586 : vector<16xf32>
        tpu.vector_store_idx %arg12[%add3A_5, %parallel_loop3A_584], %parallel_loop3A_590 : memref<64x264xf32, #tpu.memory_space<vmem>>[vector<16xi32>, vector<16xi32>], vector<16xf32>,
        %parallel_loop3A_591 = arith.select %parallel_loop3A_579, %get3A_40, %get3A_56 : vector<16xf32>
        %parallel_loop3A_592 = arith.select %parallel_loop3A_577, %get3A_24, %parallel_loop3A_591 : vector<16xf32>
        %parallel_loop3A_593 = arith.index_cast %parallel_loop3A_583 : i32 to index
        %parallel_loop3A_594 = arith.constant 16 : index
        %parallel_loop3A_595 = tpu.vector_load %arg10[%parallel_loop3A_593, %parallel_loop3A_594] {strides = array<i32>} : memref<256x64xf32, #tpu.memory_space<vmem>>, vector<16xf32>,
        %parallel_loop3A_596 = arith.addf %parallel_loop3A_595, %parallel_loop3A_592 : vector<16xf32>
        tpu.vector_store_idx %arg12[%add3A_9, %parallel_loop3A_584], %parallel_loop3A_596 : memref<64x264xf32, #tpu.memory_space<vmem>>[vector<16xi32>, vector<16xi32>], vector<16xf32>,
        %parallel_loop3A_597 = arith.select %parallel_loop3A_579, %get3A_44, %get3A_60 : vector<16xf32>
        %parallel_loop3A_598 = arith.select %parallel_loop3A_577, %get3A_28, %parallel_loop3A_597 : vector<16xf32>
        %parallel_loop3A_599 = arith.index_cast %parallel_loop3A_583 : i32 to index
        %parallel_loop3A_600 = arith.constant 32 : index
        %parallel_loop3A_601 = tpu.vector_load %arg10[%parallel_loop3A_599, %parallel_loop3A_600] {strides = array<i32>} : memref<256x64xf32, #tpu.memory_space<vmem>>, vector<16xf32>,
        %parallel_loop3A_602 = arith.addf %parallel_loop3A_601, %parallel_loop3A_598 : vector<16xf32>
        tpu.vector_store_idx %arg12[%add3A_13, %parallel_loop3A_584], %parallel_loop3A_602 : memref<64x264xf32, #tpu.memory_space<vmem>>[vector<16xi32>, vector<16xi32>], vector<16xf32>,
        %parallel_loop3A_603 = arith.select %parallel_loop3A_579, %get3A_48, %get3A_64 : vector<16xf32>
        %parallel_loop3A_604 = arith.select %parallel_loop3A_577, %get3A_32, %parallel_loop3A_603 : vector<16xf32>
        %parallel_loop3A_605 = arith.index_cast %parallel_loop3A_583 : i32 to index
        %parallel_loop3A_606 = arith.constant 48 : index
        %parallel_loop3A_607 = tpu.vector_load %arg10[%parallel_loop3A_605, %parallel_loop3A_606] {strides = array<i32>} : memref<256x64xf32, #tpu.memory_space<vmem>>, vector<16xf32>,
        %parallel_loop3A_608 = arith.addf %parallel_loop3A_607, %parallel_loop3A_604 : vector<16xf32>
        tpu.vector_store_idx %arg12[%add3A_17, %parallel_loop3A_584], %parallel_loop3A_608 : memref<64x264xf32, #tpu.memory_space<vmem>>[vector<16xi32>, vector<16xi32>], vector<16xf32>,
        %parallel_loop3A_609 = vector.extract_strided_slice %parallel_loop3A_258 {offsets = [10], sizes = [1], strides = [1]} : vector<16xi32> to vector<1xi32>
        %parallel_loop3A_610 = vector.extract %parallel_loop3A_609[0] : i32 from vector<1xi32>
        %parallel_loop3A_611 = arith.constant 0 : i32
        %parallel_loop3A_612 = arith.cmpi eq, %parallel_loop3A_610, %parallel_loop3A_611 : i32
        %parallel_loop3A_613 = arith.constant 1 : i32
        %parallel_loop3A_614 = arith.cmpi eq, %parallel_loop3A_610, %parallel_loop3A_613 : i32
        %parallel_loop3A_615 = arith.constant 16 : i32
        %parallel_loop3A_616 = arith.muli %parallel_loop3A_251, %parallel_loop3A_615 : i32
        %parallel_loop3A_617 = arith.constant 10 : i32
        %parallel_loop3A_618 = arith.addi %parallel_loop3A_616, %parallel_loop3A_617 : i32
        %parallel_loop3A_619 = vector.broadcast %parallel_loop3A_618 : i32 to vector<16xi32>
        %parallel_loop3A_620 = arith.select %parallel_loop3A_614, %get3A_36, %get3A_52 : vector<16xf32>
        %parallel_loop3A_621 = arith.select %parallel_loop3A_612, %get3A_20, %parallel_loop3A_620 : vector<16xf32>
        %parallel_loop3A_622 = arith.index_cast %parallel_loop3A_618 : i32 to index
        %parallel_loop3A_623 = arith.constant 0 : index
        %parallel_loop3A_624 = tpu.vector_load %arg10[%parallel_loop3A_622, %parallel_loop3A_623] {strides = array<i32>} : memref<256x64xf32, #tpu.memory_space<vmem>>, vector<16xf32>,
        %parallel_loop3A_625 = arith.addf %parallel_loop3A_624, %parallel_loop3A_621 : vector<16xf32>
        tpu.vector_store_idx %arg12[%add3A_5, %parallel_loop3A_619], %parallel_loop3A_625 : memref<64x264xf32, #tpu.memory_space<vmem>>[vector<16xi32>, vector<16xi32>], vector<16xf32>,
        %parallel_loop3A_626 = arith.select %parallel_loop3A_614, %get3A_40, %get3A_56 : vector<16xf32>
        %parallel_loop3A_627 = arith.select %parallel_loop3A_612, %get3A_24, %parallel_loop3A_626 : vector<16xf32>
        %parallel_loop3A_628 = arith.index_cast %parallel_loop3A_618 : i32 to index
        %parallel_loop3A_629 = arith.constant 16 : index
        %parallel_loop3A_630 = tpu.vector_load %arg10[%parallel_loop3A_628, %parallel_loop3A_629] {strides = array<i32>} : memref<256x64xf32, #tpu.memory_space<vmem>>, vector<16xf32>,
        %parallel_loop3A_631 = arith.addf %parallel_loop3A_630, %parallel_loop3A_627 : vector<16xf32>
        tpu.vector_store_idx %arg12[%add3A_9, %parallel_loop3A_619], %parallel_loop3A_631 : memref<64x264xf32, #tpu.memory_space<vmem>>[vector<16xi32>, vector<16xi32>], vector<16xf32>,
        %parallel_loop3A_632 = arith.select %parallel_loop3A_614, %get3A_44, %get3A_60 : vector<16xf32>
        %parallel_loop3A_633 = arith.select %parallel_loop3A_612, %get3A_28, %parallel_loop3A_632 : vector<16xf32>
        %parallel_loop3A_634 = arith.index_cast %parallel_loop3A_618 : i32 to index
        %parallel_loop3A_635 = arith.constant 32 : index
        %parallel_loop3A_636 = tpu.vector_load %arg10[%parallel_loop3A_634, %parallel_loop3A_635] {strides = array<i32>} : memref<256x64xf32, #tpu.memory_space<vmem>>, vector<16xf32>,
        %parallel_loop3A_637 = arith.addf %parallel_loop3A_636, %parallel_loop3A_633 : vector<16xf32>
        tpu.vector_store_idx %arg12[%add3A_13, %parallel_loop3A_619], %parallel_loop3A_637 : memref<64x264xf32, #tpu.memory_space<vmem>>[vector<16xi32>, vector<16xi32>], vector<16xf32>,
        %parallel_loop3A_638 = arith.select %parallel_loop3A_614, %get3A_48, %get3A_64 : vector<16xf32>
        %parallel_loop3A_639 = arith.select %parallel_loop3A_612, %get3A_32, %parallel_loop3A_638 : vector<16xf32>
        %parallel_loop3A_640 = arith.index_cast %parallel_loop3A_618 : i32 to index
        %parallel_loop3A_641 = arith.constant 48 : index
        %parallel_loop3A_642 = tpu.vector_load %arg10[%parallel_loop3A_640, %parallel_loop3A_641] {strides = array<i32>} : memref<256x64xf32, #tpu.memory_space<vmem>>, vector<16xf32>,
        %parallel_loop3A_643 = arith.addf %parallel_loop3A_642, %parallel_loop3A_639 : vector<16xf32>
        tpu.vector_store_idx %arg12[%add3A_17, %parallel_loop3A_619], %parallel_loop3A_643 : memref<64x264xf32, #tpu.memory_space<vmem>>[vector<16xi32>, vector<16xi32>], vector<16xf32>,
        %parallel_loop3A_644 = vector.extract_strided_slice %parallel_loop3A_258 {offsets = [11], sizes = [1], strides = [1]} : vector<16xi32> to vector<1xi32>
        %parallel_loop3A_645 = vector.extract %parallel_loop3A_644[0] : i32 from vector<1xi32>
        %parallel_loop3A_646 = arith.constant 0 : i32
        %parallel_loop3A_647 = arith.cmpi eq, %parallel_loop3A_645, %parallel_loop3A_646 : i32
        %parallel_loop3A_648 = arith.constant 1 : i32
        %parallel_loop3A_649 = arith.cmpi eq, %parallel_loop3A_645, %parallel_loop3A_648 : i32
        %parallel_loop3A_650 = arith.constant 16 : i32
        %parallel_loop3A_651 = arith.muli %parallel_loop3A_251, %parallel_loop3A_650 : i32
        %parallel_loop3A_652 = arith.constant 11 : i32
        %parallel_loop3A_653 = arith.addi %parallel_loop3A_651, %parallel_loop3A_652 : i32
        %parallel_loop3A_654 = vector.broadcast %parallel_loop3A_653 : i32 to vector<16xi32>
        %parallel_loop3A_655 = arith.select %parallel_loop3A_649, %get3A_36, %get3A_52 : vector<16xf32>
        %parallel_loop3A_656 = arith.select %parallel_loop3A_647, %get3A_20, %parallel_loop3A_655 : vector<16xf32>
        %parallel_loop3A_657 = arith.index_cast %parallel_loop3A_653 : i32 to index
        %parallel_loop3A_658 = arith.constant 0 : index
        %parallel_loop3A_659 = tpu.vector_load %arg10[%parallel_loop3A_657, %parallel_loop3A_658] {strides = array<i32>} : memref<256x64xf32, #tpu.memory_space<vmem>>, vector<16xf32>,
        %parallel_loop3A_660 = arith.addf %parallel_loop3A_659, %parallel_loop3A_656 : vector<16xf32>
        tpu.vector_store_idx %arg12[%add3A_5, %parallel_loop3A_654], %parallel_loop3A_660 : memref<64x264xf32, #tpu.memory_space<vmem>>[vector<16xi32>, vector<16xi32>], vector<16xf32>,
        %parallel_loop3A_661 = arith.select %parallel_loop3A_649, %get3A_40, %get3A_56 : vector<16xf32>
        %parallel_loop3A_662 = arith.select %parallel_loop3A_647, %get3A_24, %parallel_loop3A_661 : vector<16xf32>
        %parallel_loop3A_663 = arith.index_cast %parallel_loop3A_653 : i32 to index
        %parallel_loop3A_664 = arith.constant 16 : index
        %parallel_loop3A_665 = tpu.vector_load %arg10[%parallel_loop3A_663, %parallel_loop3A_664] {strides = array<i32>} : memref<256x64xf32, #tpu.memory_space<vmem>>, vector<16xf32>,
        %parallel_loop3A_666 = arith.addf %parallel_loop3A_665, %parallel_loop3A_662 : vector<16xf32>
        tpu.vector_store_idx %arg12[%add3A_9, %parallel_loop3A_654], %parallel_loop3A_666 : memref<64x264xf32, #tpu.memory_space<vmem>>[vector<16xi32>, vector<16xi32>], vector<16xf32>,
        %parallel_loop3A_667 = arith.select %parallel_loop3A_649, %get3A_44, %get3A_60 : vector<16xf32>
        %parallel_loop3A_668 = arith.select %parallel_loop3A_647, %get3A_28, %parallel_loop3A_667 : vector<16xf32>
        %parallel_loop3A_669 = arith.index_cast %parallel_loop3A_653 : i32 to index
        %parallel_loop3A_670 = arith.constant 32 : index
        %parallel_loop3A_671 = tpu.vector_load %arg10[%parallel_loop3A_669, %parallel_loop3A_670] {strides = array<i32>} : memref<256x64xf32, #tpu.memory_space<vmem>>, vector<16xf32>,
        %parallel_loop3A_672 = arith.addf %parallel_loop3A_671, %parallel_loop3A_668 : vector<16xf32>
        tpu.vector_store_idx %arg12[%add3A_13, %parallel_loop3A_654], %parallel_loop3A_672 : memref<64x264xf32, #tpu.memory_space<vmem>>[vector<16xi32>, vector<16xi32>], vector<16xf32>,
        %parallel_loop3A_673 = arith.select %parallel_loop3A_649, %get3A_48, %get3A_64 : vector<16xf32>
        %parallel_loop3A_674 = arith.select %parallel_loop3A_647, %get3A_32, %parallel_loop3A_673 : vector<16xf32>
        %parallel_loop3A_675 = arith.index_cast %parallel_loop3A_653 : i32 to index
        %parallel_loop3A_676 = arith.constant 48 : index
        %parallel_loop3A_677 = tpu.vector_load %arg10[%parallel_loop3A_675, %parallel_loop3A_676] {strides = array<i32>} : memref<256x64xf32, #tpu.memory_space<vmem>>, vector<16xf32>,
        %parallel_loop3A_678 = arith.addf %parallel_loop3A_677, %parallel_loop3A_674 : vector<16xf32>
        tpu.vector_store_idx %arg12[%add3A_17, %parallel_loop3A_654], %parallel_loop3A_678 : memref<64x264xf32, #tpu.memory_space<vmem>>[vector<16xi32>, vector<16xi32>], vector<16xf32>,
        %parallel_loop3A_679 = vector.extract_strided_slice %parallel_loop3A_258 {offsets = [12], sizes = [1], strides = [1]} : vector<16xi32> to vector<1xi32>
        %parallel_loop3A_680 = vector.extract %parallel_loop3A_679[0] : i32 from vector<1xi32>
        %parallel_loop3A_681 = arith.constant 0 : i32
        %parallel_loop3A_682 = arith.cmpi eq, %parallel_loop3A_680, %parallel_loop3A_681 : i32
        %parallel_loop3A_683 = arith.constant 1 : i32
        %parallel_loop3A_684 = arith.cmpi eq, %parallel_loop3A_680, %parallel_loop3A_683 : i32
        %parallel_loop3A_685 = arith.constant 16 : i32
        %parallel_loop3A_686 = arith.muli %parallel_loop3A_251, %parallel_loop3A_685 : i32
        %parallel_loop3A_687 = arith.constant 12 : i32
        %parallel_loop3A_688 = arith.addi %parallel_loop3A_686, %parallel_loop3A_687 : i32
        %parallel_loop3A_689 = vector.broadcast %parallel_loop3A_688 : i32 to vector<16xi32>
        %parallel_loop3A_690 = arith.select %parallel_loop3A_684, %get3A_36, %get3A_52 : vector<16xf32>
        %parallel_loop3A_691 = arith.select %parallel_loop3A_682, %get3A_20, %parallel_loop3A_690 : vector<16xf32>
        %parallel_loop3A_692 = arith.index_cast %parallel_loop3A_688 : i32 to index
        %parallel_loop3A_693 = arith.constant 0 : index
        %parallel_loop3A_694 = tpu.vector_load %arg10[%parallel_loop3A_692, %parallel_loop3A_693] {strides = array<i32>} : memref<256x64xf32, #tpu.memory_space<vmem>>, vector<16xf32>,
        %parallel_loop3A_695 = arith.addf %parallel_loop3A_694, %parallel_loop3A_691 : vector<16xf32>
        tpu.vector_store_idx %arg12[%add3A_5, %parallel_loop3A_689], %parallel_loop3A_695 : memref<64x264xf32, #tpu.memory_space<vmem>>[vector<16xi32>, vector<16xi32>], vector<16xf32>,
        %parallel_loop3A_696 = arith.select %parallel_loop3A_684, %get3A_40, %get3A_56 : vector<16xf32>
        %parallel_loop3A_697 = arith.select %parallel_loop3A_682, %get3A_24, %parallel_loop3A_696 : vector<16xf32>
        %parallel_loop3A_698 = arith.index_cast %parallel_loop3A_688 : i32 to index
        %parallel_loop3A_699 = arith.constant 16 : index
        %parallel_loop3A_700 = tpu.vector_load %arg10[%parallel_loop3A_698, %parallel_loop3A_699] {strides = array<i32>} : memref<256x64xf32, #tpu.memory_space<vmem>>, vector<16xf32>,
        %parallel_loop3A_701 = arith.addf %parallel_loop3A_700, %parallel_loop3A_697 : vector<16xf32>
        tpu.vector_store_idx %arg12[%add3A_9, %parallel_loop3A_689], %parallel_loop3A_701 : memref<64x264xf32, #tpu.memory_space<vmem>>[vector<16xi32>, vector<16xi32>], vector<16xf32>,
        %parallel_loop3A_702 = arith.select %parallel_loop3A_684, %get3A_44, %get3A_60 : vector<16xf32>
        %parallel_loop3A_703 = arith.select %parallel_loop3A_682, %get3A_28, %parallel_loop3A_702 : vector<16xf32>
        %parallel_loop3A_704 = arith.index_cast %parallel_loop3A_688 : i32 to index
        %parallel_loop3A_705 = arith.constant 32 : index
        %parallel_loop3A_706 = tpu.vector_load %arg10[%parallel_loop3A_704, %parallel_loop3A_705] {strides = array<i32>} : memref<256x64xf32, #tpu.memory_space<vmem>>, vector<16xf32>,
        %parallel_loop3A_707 = arith.addf %parallel_loop3A_706, %parallel_loop3A_703 : vector<16xf32>
        tpu.vector_store_idx %arg12[%add3A_13, %parallel_loop3A_689], %parallel_loop3A_707 : memref<64x264xf32, #tpu.memory_space<vmem>>[vector<16xi32>, vector<16xi32>], vector<16xf32>,
        %parallel_loop3A_708 = arith.select %parallel_loop3A_684, %get3A_48, %get3A_64 : vector<16xf32>
        %parallel_loop3A_709 = arith.select %parallel_loop3A_682, %get3A_32, %parallel_loop3A_708 : vector<16xf32>
        %parallel_loop3A_710 = arith.index_cast %parallel_loop3A_688 : i32 to index
        %parallel_loop3A_711 = arith.constant 48 : index
        %parallel_loop3A_712 = tpu.vector_load %arg10[%parallel_loop3A_710, %parallel_loop3A_711] {strides = array<i32>} : memref<256x64xf32, #tpu.memory_space<vmem>>, vector<16xf32>,
        %parallel_loop3A_713 = arith.addf %parallel_loop3A_712, %parallel_loop3A_709 : vector<16xf32>
        tpu.vector_store_idx %arg12[%add3A_17, %parallel_loop3A_689], %parallel_loop3A_713 : memref<64x264xf32, #tpu.memory_space<vmem>>[vector<16xi32>, vector<16xi32>], vector<16xf32>,
        %parallel_loop3A_714 = vector.extract_strided_slice %parallel_loop3A_258 {offsets = [13], sizes = [1], strides = [1]} : vector<16xi32> to vector<1xi32>
        %parallel_loop3A_715 = vector.extract %parallel_loop3A_714[0] : i32 from vector<1xi32>
        %parallel_loop3A_716 = arith.constant 0 : i32
        %parallel_loop3A_717 = arith.cmpi eq, %parallel_loop3A_715, %parallel_loop3A_716 : i32
        %parallel_loop3A_718 = arith.constant 1 : i32
        %parallel_loop3A_719 = arith.cmpi eq, %parallel_loop3A_715, %parallel_loop3A_718 : i32
        %parallel_loop3A_720 = arith.constant 16 : i32
        %parallel_loop3A_721 = arith.muli %parallel_loop3A_251, %parallel_loop3A_720 : i32
        %parallel_loop3A_722 = arith.constant 13 : i32
        %parallel_loop3A_723 = arith.addi %parallel_loop3A_721, %parallel_loop3A_722 : i32
        %parallel_loop3A_724 = vector.broadcast %parallel_loop3A_723 : i32 to vector<16xi32>
        %parallel_loop3A_725 = arith.select %parallel_loop3A_719, %get3A_36, %get3A_52 : vector<16xf32>
        %parallel_loop3A_726 = arith.select %parallel_loop3A_717, %get3A_20, %parallel_loop3A_725 : vector<16xf32>
        %parallel_loop3A_727 = arith.index_cast %parallel_loop3A_723 : i32 to index
        %parallel_loop3A_728 = arith.constant 0 : index
        %parallel_loop3A_729 = tpu.vector_load %arg10[%parallel_loop3A_727, %parallel_loop3A_728] {strides = array<i32>} : memref<256x64xf32, #tpu.memory_space<vmem>>, vector<16xf32>,
        %parallel_loop3A_730 = arith.addf %parallel_loop3A_729, %parallel_loop3A_726 : vector<16xf32>
        tpu.vector_store_idx %arg12[%add3A_5, %parallel_loop3A_724], %parallel_loop3A_730 : memref<64x264xf32, #tpu.memory_space<vmem>>[vector<16xi32>, vector<16xi32>], vector<16xf32>,
        %parallel_loop3A_731 = arith.select %parallel_loop3A_719, %get3A_40, %get3A_56 : vector<16xf32>
        %parallel_loop3A_732 = arith.select %parallel_loop3A_717, %get3A_24, %parallel_loop3A_731 : vector<16xf32>
        %parallel_loop3A_733 = arith.index_cast %parallel_loop3A_723 : i32 to index
        %parallel_loop3A_734 = arith.constant 16 : index
        %parallel_loop3A_735 = tpu.vector_load %arg10[%parallel_loop3A_733, %parallel_loop3A_734] {strides = array<i32>} : memref<256x64xf32, #tpu.memory_space<vmem>>, vector<16xf32>,
        %parallel_loop3A_736 = arith.addf %parallel_loop3A_735, %parallel_loop3A_732 : vector<16xf32>
        tpu.vector_store_idx %arg12[%add3A_9, %parallel_loop3A_724], %parallel_loop3A_736 : memref<64x264xf32, #tpu.memory_space<vmem>>[vector<16xi32>, vector<16xi32>], vector<16xf32>,
        %parallel_loop3A_737 = arith.select %parallel_loop3A_719, %get3A_44, %get3A_60 : vector<16xf32>
        %parallel_loop3A_738 = arith.select %parallel_loop3A_717, %get3A_28, %parallel_loop3A_737 : vector<16xf32>
        %parallel_loop3A_739 = arith.index_cast %parallel_loop3A_723 : i32 to index
        %parallel_loop3A_740 = arith.constant 32 : index
        %parallel_loop3A_741 = tpu.vector_load %arg10[%parallel_loop3A_739, %parallel_loop3A_740] {strides = array<i32>} : memref<256x64xf32, #tpu.memory_space<vmem>>, vector<16xf32>,
        %parallel_loop3A_742 = arith.addf %parallel_loop3A_741, %parallel_loop3A_738 : vector<16xf32>
        tpu.vector_store_idx %arg12[%add3A_13, %parallel_loop3A_724], %parallel_loop3A_742 : memref<64x264xf32, #tpu.memory_space<vmem>>[vector<16xi32>, vector<16xi32>], vector<16xf32>,
        %parallel_loop3A_743 = arith.select %parallel_loop3A_719, %get3A_48, %get3A_64 : vector<16xf32>
        %parallel_loop3A_744 = arith.select %parallel_loop3A_717, %get3A_32, %parallel_loop3A_743 : vector<16xf32>
        %parallel_loop3A_745 = arith.index_cast %parallel_loop3A_723 : i32 to index
        %parallel_loop3A_746 = arith.constant 48 : index
        %parallel_loop3A_747 = tpu.vector_load %arg10[%parallel_loop3A_745, %parallel_loop3A_746] {strides = array<i32>} : memref<256x64xf32, #tpu.memory_space<vmem>>, vector<16xf32>,
        %parallel_loop3A_748 = arith.addf %parallel_loop3A_747, %parallel_loop3A_744 : vector<16xf32>
        tpu.vector_store_idx %arg12[%add3A_17, %parallel_loop3A_724], %parallel_loop3A_748 : memref<64x264xf32, #tpu.memory_space<vmem>>[vector<16xi32>, vector<16xi32>], vector<16xf32>,
        %parallel_loop3A_749 = vector.extract_strided_slice %parallel_loop3A_258 {offsets = [14], sizes = [1], strides = [1]} : vector<16xi32> to vector<1xi32>
        %parallel_loop3A_750 = vector.extract %parallel_loop3A_749[0] : i32 from vector<1xi32>
        %parallel_loop3A_751 = arith.constant 0 : i32
        %parallel_loop3A_752 = arith.cmpi eq, %parallel_loop3A_750, %parallel_loop3A_751 : i32
        %parallel_loop3A_753 = arith.constant 1 : i32
        %parallel_loop3A_754 = arith.cmpi eq, %parallel_loop3A_750, %parallel_loop3A_753 : i32
        %parallel_loop3A_755 = arith.constant 16 : i32
        %parallel_loop3A_756 = arith.muli %parallel_loop3A_251, %parallel_loop3A_755 : i32
        %parallel_loop3A_757 = arith.constant 14 : i32
        %parallel_loop3A_758 = arith.addi %parallel_loop3A_756, %parallel_loop3A_757 : i32
        %parallel_loop3A_759 = vector.broadcast %parallel_loop3A_758 : i32 to vector<16xi32>
        %parallel_loop3A_760 = arith.select %parallel_loop3A_754, %get3A_36, %get3A_52 : vector<16xf32>
        %parallel_loop3A_761 = arith.select %parallel_loop3A_752, %get3A_20, %parallel_loop3A_760 : vector<16xf32>
        %parallel_loop3A_762 = arith.index_cast %parallel_loop3A_758 : i32 to index
        %parallel_loop3A_763 = arith.constant 0 : index
        %parallel_loop3A_764 = tpu.vector_load %arg10[%parallel_loop3A_762, %parallel_loop3A_763] {strides = array<i32>} : memref<256x64xf32, #tpu.memory_space<vmem>>, vector<16xf32>,
        %parallel_loop3A_765 = arith.addf %parallel_loop3A_764, %parallel_loop3A_761 : vector<16xf32>
        tpu.vector_store_idx %arg12[%add3A_5, %parallel_loop3A_759], %parallel_loop3A_765 : memref<64x264xf32, #tpu.memory_space<vmem>>[vector<16xi32>, vector<16xi32>], vector<16xf32>,
        %parallel_loop3A_766 = arith.select %parallel_loop3A_754, %get3A_40, %get3A_56 : vector<16xf32>
        %parallel_loop3A_767 = arith.select %parallel_loop3A_752, %get3A_24, %parallel_loop3A_766 : vector<16xf32>
        %parallel_loop3A_768 = arith.index_cast %parallel_loop3A_758 : i32 to index
        %parallel_loop3A_769 = arith.constant 16 : index
        %parallel_loop3A_770 = tpu.vector_load %arg10[%parallel_loop3A_768, %parallel_loop3A_769] {strides = array<i32>} : memref<256x64xf32, #tpu.memory_space<vmem>>, vector<16xf32>,
        %parallel_loop3A_771 = arith.addf %parallel_loop3A_770, %parallel_loop3A_767 : vector<16xf32>
        tpu.vector_store_idx %arg12[%add3A_9, %parallel_loop3A_759], %parallel_loop3A_771 : memref<64x264xf32, #tpu.memory_space<vmem>>[vector<16xi32>, vector<16xi32>], vector<16xf32>,
        %parallel_loop3A_772 = arith.select %parallel_loop3A_754, %get3A_44, %get3A_60 : vector<16xf32>
        %parallel_loop3A_773 = arith.select %parallel_loop3A_752, %get3A_28, %parallel_loop3A_772 : vector<16xf32>
        %parallel_loop3A_774 = arith.index_cast %parallel_loop3A_758 : i32 to index
        %parallel_loop3A_775 = arith.constant 32 : index
        %parallel_loop3A_776 = tpu.vector_load %arg10[%parallel_loop3A_774, %parallel_loop3A_775] {strides = array<i32>} : memref<256x64xf32, #tpu.memory_space<vmem>>, vector<16xf32>,
        %parallel_loop3A_777 = arith.addf %parallel_loop3A_776, %parallel_loop3A_773 : vector<16xf32>
        tpu.vector_store_idx %arg12[%add3A_13, %parallel_loop3A_759], %parallel_loop3A_777 : memref<64x264xf32, #tpu.memory_space<vmem>>[vector<16xi32>, vector<16xi32>], vector<16xf32>,
        %parallel_loop3A_778 = arith.select %parallel_loop3A_754, %get3A_48, %get3A_64 : vector<16xf32>
        %parallel_loop3A_779 = arith.select %parallel_loop3A_752, %get3A_32, %parallel_loop3A_778 : vector<16xf32>
        %parallel_loop3A_780 = arith.index_cast %parallel_loop3A_758 : i32 to index
        %parallel_loop3A_781 = arith.constant 48 : index
        %parallel_loop3A_782 = tpu.vector_load %arg10[%parallel_loop3A_780, %parallel_loop3A_781] {strides = array<i32>} : memref<256x64xf32, #tpu.memory_space<vmem>>, vector<16xf32>,
        %parallel_loop3A_783 = arith.addf %parallel_loop3A_782, %parallel_loop3A_779 : vector<16xf32>
        tpu.vector_store_idx %arg12[%add3A_17, %parallel_loop3A_759], %parallel_loop3A_783 : memref<64x264xf32, #tpu.memory_space<vmem>>[vector<16xi32>, vector<16xi32>], vector<16xf32>,
        %parallel_loop3A_784 = vector.extract_strided_slice %parallel_loop3A_258 {offsets = [15], sizes = [1], strides = [1]} : vector<16xi32> to vector<1xi32>
        %parallel_loop3A_785 = vector.extract %parallel_loop3A_784[0] : i32 from vector<1xi32>
        %parallel_loop3A_786 = arith.constant 0 : i32
        %parallel_loop3A_787 = arith.cmpi eq, %parallel_loop3A_785, %parallel_loop3A_786 : i32
        %parallel_loop3A_788 = arith.constant 1 : i32
        %parallel_loop3A_789 = arith.cmpi eq, %parallel_loop3A_785, %parallel_loop3A_788 : i32
        %parallel_loop3A_790 = arith.constant 16 : i32
        %parallel_loop3A_791 = arith.muli %parallel_loop3A_251, %parallel_loop3A_790 : i32
        %parallel_loop3A_792 = arith.constant 15 : i32
        %parallel_loop3A_793 = arith.addi %parallel_loop3A_791, %parallel_loop3A_792 : i32
        %parallel_loop3A_794 = vector.broadcast %parallel_loop3A_793 : i32 to vector<16xi32>
        %parallel_loop3A_795 = arith.select %parallel_loop3A_789, %get3A_36, %get3A_52 : vector<16xf32>
        %parallel_loop3A_796 = arith.select %parallel_loop3A_787, %get3A_20, %parallel_loop3A_795 : vector<16xf32>
        %parallel_loop3A_797 = arith.index_cast %parallel_loop3A_793 : i32 to index
        %parallel_loop3A_798 = arith.constant 0 : index
        %parallel_loop3A_799 = tpu.vector_load %arg10[%parallel_loop3A_797, %parallel_loop3A_798] {strides = array<i32>} : memref<256x64xf32, #tpu.memory_space<vmem>>, vector<16xf32>,
        %parallel_loop3A_800 = arith.addf %parallel_loop3A_799, %parallel_loop3A_796 : vector<16xf32>
        tpu.vector_store_idx %arg12[%add3A_5, %parallel_loop3A_794], %parallel_loop3A_800 : memref<64x264xf32, #tpu.memory_space<vmem>>[vector<16xi32>, vector<16xi32>], vector<16xf32>,
        %parallel_loop3A_801 = arith.select %parallel_loop3A_789, %get3A_40, %get3A_56 : vector<16xf32>
        %parallel_loop3A_802 = arith.select %parallel_loop3A_787, %get3A_24, %parallel_loop3A_801 : vector<16xf32>
        %parallel_loop3A_803 = arith.index_cast %parallel_loop3A_793 : i32 to index
        %parallel_loop3A_804 = arith.constant 16 : index
        %parallel_loop3A_805 = tpu.vector_load %arg10[%parallel_loop3A_803, %parallel_loop3A_804] {strides = array<i32>} : memref<256x64xf32, #tpu.memory_space<vmem>>, vector<16xf32>,
        %parallel_loop3A_806 = arith.addf %parallel_loop3A_805, %parallel_loop3A_802 : vector<16xf32>
        tpu.vector_store_idx %arg12[%add3A_9, %parallel_loop3A_794], %parallel_loop3A_806 : memref<64x264xf32, #tpu.memory_space<vmem>>[vector<16xi32>, vector<16xi32>], vector<16xf32>,
        %parallel_loop3A_807 = arith.select %parallel_loop3A_789, %get3A_44, %get3A_60 : vector<16xf32>
        %parallel_loop3A_808 = arith.select %parallel_loop3A_787, %get3A_28, %parallel_loop3A_807 : vector<16xf32>
        %parallel_loop3A_809 = arith.index_cast %parallel_loop3A_793 : i32 to index
        %parallel_loop3A_810 = arith.constant 32 : index
        %parallel_loop3A_811 = tpu.vector_load %arg10[%parallel_loop3A_809, %parallel_loop3A_810] {strides = array<i32>} : memref<256x64xf32, #tpu.memory_space<vmem>>, vector<16xf32>,
        %parallel_loop3A_812 = arith.addf %parallel_loop3A_811, %parallel_loop3A_808 : vector<16xf32>
        tpu.vector_store_idx %arg12[%add3A_13, %parallel_loop3A_794], %parallel_loop3A_812 : memref<64x264xf32, #tpu.memory_space<vmem>>[vector<16xi32>, vector<16xi32>], vector<16xf32>,
        %parallel_loop3A_813 = arith.select %parallel_loop3A_789, %get3A_48, %get3A_64 : vector<16xf32>
        %parallel_loop3A_814 = arith.select %parallel_loop3A_787, %get3A_32, %parallel_loop3A_813 : vector<16xf32>
        %parallel_loop3A_815 = arith.index_cast %parallel_loop3A_793 : i32 to index
        %parallel_loop3A_816 = arith.constant 48 : index
        %parallel_loop3A_817 = tpu.vector_load %arg10[%parallel_loop3A_815, %parallel_loop3A_816] {strides = array<i32>} : memref<256x64xf32, #tpu.memory_space<vmem>>, vector<16xf32>,
        %parallel_loop3A_818 = arith.addf %parallel_loop3A_817, %parallel_loop3A_814 : vector<16xf32>
        tpu.vector_store_idx %arg12[%add3A_17, %parallel_loop3A_794], %parallel_loop3A_818 : memref<64x264xf32, #tpu.memory_space<vmem>>[vector<16xi32>, vector<16xi32>], vector<16xf32>,
      } {sc.loop_unroll_factor = 2 : i64, sc.parallel_access}
      %add3A_180 = arith.constant 1 : i32
      %add3A_181 = arith.addi %scan3A_156, %add3A_180 : i32
      %min3A = arith.constant 49 : i32
      %min3A_182 = arith.minsi %add3A_181, %min3A : i32
      %dma_start3A_183 = arith.constant 0 : i32
      %dma_start3A_184 = tpu.memref_slice %arg7[%min3A_182, %dma_start3A_183] : memref<50x512xi32, #tpu.memory_space<vmem>> -> memref<1x256xi32, #tpu.memory_space<vmem>>
      %dma_start3A_185 = tpu.memref_squeeze %dma_start3A_184 : memref<1x256xi32, #tpu.memory_space<vmem>> -> memref<256xi32, #tpu.memory_space<vmem>>
      %dma_start3A_186 = arith.constant 0 : i32
      %dma_start3A_187 = arith.constant 0 : i32
      %dma_start3A_188 = tpu.memref_slice %arg4[%dma_start3A_186, %dma_start3A_187] : memref<100001x64xf32, #tpu.memory_space<hbm>> -> memref<100001x64xf32, #tpu.memory_space<hbm>>
      tpu.enqueue_indirect_dma source(%dma_start3A_188 : memref<100001x64xf32, #tpu.memory_space<hbm>>) target(%arg10 : memref<256x64xf32, #tpu.memory_space<vmem>>) offsets(%dma_start3A_185 : memref<256xi32, #tpu.memory_space<vmem>>) semaphore(%arg14 : memref<!tpu.dma_semaphore, #tpu.memory_space<semaphore_mem>>)
      %add3A_189 = arith.constant 0 : i32
      %add3A_190 = arith.addi %mul3A_2, %add3A_189 : i32
      %dma_start3A_191 = arith.constant 0 : i32
      %dma_start3A_192 = arith.constant 0 : i32
      %dma_start3A_193 = tpu.memref_slice %arg12[%dma_start3A_191, %dma_start3A_192] : memref<64x264xf32, #tpu.memory_space<vmem>> -> memref<64x256xf32, #tpu.memory_space<vmem>>
      %dma_start3A_194 = arith.constant 0 : i32
      %dma_start3A_195 = tpu.memref_slice %arg6[%scan3A_156, %dma_start3A_194, %add3A_190] : memref<50x64x16384xf32, #tpu.memory_space<hbm>> -> memref<1x64x256xf32, #tpu.memory_space<hbm>>
      %dma_start3A_196 = tpu.memref_squeeze %dma_start3A_195 : memref<1x64x256xf32, #tpu.memory_space<hbm>> -> memref<64x256xf32, #tpu.memory_space<hbm>>
      %dma_start3A_197 = arith.constant 0 : i32
      %dma_start3A_198 = tpu.memref_slice %arg6[%scan3A_156, %dma_start3A_197, %add3A_190] : memref<50x64x16384xf32, #tpu.memory_space<hbm>> -> memref<1x64x256xf32, #tpu.memory_space<hbm>>
      %dma_start3A_199 = tpu.memref_squeeze %dma_start3A_198 : memref<1x64x256xf32, #tpu.memory_space<hbm>> -> memref<64x256xf32, #tpu.memory_space<hbm>>
      %dma_start3A_200 = arith.constant 0 : i32
      %dma_start3A_201 = arith.constant 0 : i32
      %dma_start3A_202 = tpu.memref_slice %arg12[%dma_start3A_200, %dma_start3A_201] : memref<64x264xf32, #tpu.memory_space<vmem>> -> memref<64x256xf32, #tpu.memory_space<vmem>>
      tpu.enqueue_dma source(%dma_start3A_202 : memref<64x256xf32, #tpu.memory_space<vmem>>) target(%dma_start3A_199 : memref<64x256xf32, #tpu.memory_space<hbm>>) target_semaphore(%arg16 : memref<!tpu.dma_semaphore, #tpu.memory_space<semaphore_mem>>)
      %dma_wait3A_203 = arith.constant 256 : i32
      %dma_wait3A_204 = tpu.memref_slice %arg7[%scan3A_156, %dma_wait3A_203] : memref<50x512xi32, #tpu.memory_space<vmem>> -> memref<1x256xi32, #tpu.memory_space<vmem>>
      %dma_wait3A_205 = tpu.memref_squeeze %dma_wait3A_204 : memref<1x256xi32, #tpu.memory_space<vmem>> -> memref<256xi32, #tpu.memory_space<vmem>>
      %dma_wait3A_206 = arith.constant 0 : i32
      %dma_wait3A_207 = arith.constant 0 : i32
      %dma_wait3A_208 = tpu.memref_slice %arg4[%dma_wait3A_206, %dma_wait3A_207] : memref<100001x64xf32, #tpu.memory_space<hbm>> -> memref<100001x64xf32, #tpu.memory_space<hbm>>
      tpu.wait_indirect_dma semaphore(%arg15 : memref<!tpu.dma_semaphore, #tpu.memory_space<semaphore_mem>>) src(%dma_wait3A_208 : memref<100001x64xf32, #tpu.memory_space<hbm>>) dst(%arg11 : memref<256x64xf32, #tpu.memory_space<vmem>>)
      %add3A_209 = arith.constant 256 : i32
      %add3A_210 = arith.addi %mul3A_2, %add3A_209 : i32
      %dma_wait3A_211 = arith.constant 49 : i32
      %dma_wait3A_212 = arith.constant 0 : i32
      %dma_wait3A_213 = arith.constant 0 : i32
      %dma_wait3A_214 = tpu.memref_slice %arg13[%dma_wait3A_212, %dma_wait3A_213] : memref<64x264xf32, #tpu.memory_space<vmem>> -> memref<64x256xf32, #tpu.memory_space<vmem>>
      %dma_wait3A_215 = arith.constant 0 : i32
      %dma_wait3A_216 = tpu.memref_slice %arg6[%dma_wait3A_211, %dma_wait3A_215, %add3A_210] : memref<50x64x16384xf32, #tpu.memory_space<hbm>> -> memref<1x64x256xf32, #tpu.memory_space<hbm>>
      %dma_wait3A_217 = tpu.memref_squeeze %dma_wait3A_216 : memref<1x64x256xf32, #tpu.memory_space<hbm>> -> memref<64x256xf32, #tpu.memory_space<hbm>>
      %dma_wait3A_218 = arith.constant 0 : i32
      %dma_wait3A_219 = tpu.memref_slice %arg6[%dma_wait3A_211, %dma_wait3A_218, %add3A_210] : memref<50x64x16384xf32, #tpu.memory_space<hbm>> -> memref<1x64x256xf32, #tpu.memory_space<hbm>>
      %dma_wait3A_220 = tpu.memref_squeeze %dma_wait3A_219 : memref<1x64x256xf32, #tpu.memory_space<hbm>> -> memref<64x256xf32, #tpu.memory_space<hbm>>
      %dma_wait3A_221 = arith.constant 0 : i32
      %dma_wait3A_222 = arith.constant 0 : i32
      %dma_wait3A_223 = tpu.memref_slice %arg13[%dma_wait3A_221, %dma_wait3A_222] : memref<64x264xf32, #tpu.memory_space<vmem>> -> memref<64x256xf32, #tpu.memory_space<vmem>>
      tpu.wait_dma2 semaphore(%arg17 : memref<!tpu.dma_semaphore, #tpu.memory_space<semaphore_mem>>) src(%dma_wait3A_223 : memref<64x256xf32, #tpu.memory_space<vmem>>) dst(%dma_wait3A_220 : memref<64x256xf32, #tpu.memory_space<hbm>>)
      %parallel_loop3A_224 = arith.constant 0 : i32
      %parallel_loop3A_225 = arith.constant 16 : i32
      %parallel_loop3A_226 = arith.constant 1 : i32
      scf.for %parallel_loop3A_251 = %parallel_loop3A_224 to %parallel_loop3A_225 step %parallel_loop3A_226  : i32 {
        %parallel_loop3A_252 = arith.constant 16 : i32
        %parallel_loop3A_253 = arith.muli %parallel_loop3A_251, %parallel_loop3A_252 : i32
        %parallel_loop3A_254 = arith.constant 256 : i32
        %parallel_loop3A_255 = arith.addi %parallel_loop3A_254, %parallel_loop3A_253 : i32
        %parallel_loop3A_256 = arith.index_cast %scan3A_156 : i32 to index
        %parallel_loop3A_257 = arith.index_cast %parallel_loop3A_255 : i32 to index
        %parallel_loop3A_258 = tpu.vector_load %arg8[%parallel_loop3A_256, %parallel_loop3A_257] {strides = array<i32>} : memref<50x512xi32, #tpu.memory_space<vmem>>, vector<16xi32>,
        %parallel_loop3A_259 = vector.extract_strided_slice %parallel_loop3A_258 {offsets = [0], sizes = [1], strides = [1]} : vector<16xi32> to vector<1xi32>
        %parallel_loop3A_260 = vector.extract %parallel_loop3A_259[0] : i32 from vector<1xi32>
        %parallel_loop3A_261 = arith.constant 0 : i32
        %parallel_loop3A_262 = arith.cmpi eq, %parallel_loop3A_260, %parallel_loop3A_261 : i32
        %parallel_loop3A_263 = arith.constant 1 : i32
        %parallel_loop3A_264 = arith.cmpi eq, %parallel_loop3A_260, %parallel_loop3A_263 : i32
        %parallel_loop3A_265 = arith.constant 16 : i32
        %parallel_loop3A_266 = arith.muli %parallel_loop3A_251, %parallel_loop3A_265 : i32
        %parallel_loop3A_267 = arith.constant 0 : i32
        %parallel_loop3A_268 = arith.addi %parallel_loop3A_266, %parallel_loop3A_267 : i32
        %parallel_loop3A_269 = vector.broadcast %parallel_loop3A_268 : i32 to vector<16xi32>
        %parallel_loop3A_270 = arith.select %parallel_loop3A_264, %get3A_36, %get3A_52 : vector<16xf32>
        %parallel_loop3A_271 = arith.select %parallel_loop3A_262, %get3A_20, %parallel_loop3A_270 : vector<16xf32>
        %parallel_loop3A_272 = arith.index_cast %parallel_loop3A_268 : i32 to index
        %parallel_loop3A_273 = arith.constant 0 : index
        %parallel_loop3A_274 = tpu.vector_load %arg11[%parallel_loop3A_272, %parallel_loop3A_273] {strides = array<i32>} : memref<256x64xf32, #tpu.memory_space<vmem>>, vector<16xf32>,
        %parallel_loop3A_275 = arith.addf %parallel_loop3A_274, %parallel_loop3A_271 : vector<16xf32>
        tpu.vector_store_idx %arg13[%add3A_5, %parallel_loop3A_269], %parallel_loop3A_275 : memref<64x264xf32, #tpu.memory_space<vmem>>[vector<16xi32>, vector<16xi32>], vector<16xf32>,
        %parallel_loop3A_276 = arith.select %parallel_loop3A_264, %get3A_40, %get3A_56 : vector<16xf32>
        %parallel_loop3A_277 = arith.select %parallel_loop3A_262, %get3A_24, %parallel_loop3A_276 : vector<16xf32>
        %parallel_loop3A_278 = arith.index_cast %parallel_loop3A_268 : i32 to index
        %parallel_loop3A_279 = arith.constant 16 : index
        %parallel_loop3A_280 = tpu.vector_load %arg11[%parallel_loop3A_278, %parallel_loop3A_279] {strides = array<i32>} : memref<256x64xf32, #tpu.memory_space<vmem>>, vector<16xf32>,
        %parallel_loop3A_281 = arith.addf %parallel_loop3A_280, %parallel_loop3A_277 : vector<16xf32>
        tpu.vector_store_idx %arg13[%add3A_9, %parallel_loop3A_269], %parallel_loop3A_281 : memref<64x264xf32, #tpu.memory_space<vmem>>[vector<16xi32>, vector<16xi32>], vector<16xf32>,
        %parallel_loop3A_282 = arith.select %parallel_loop3A_264, %get3A_44, %get3A_60 : vector<16xf32>
        %parallel_loop3A_283 = arith.select %parallel_loop3A_262, %get3A_28, %parallel_loop3A_282 : vector<16xf32>
        %parallel_loop3A_284 = arith.index_cast %parallel_loop3A_268 : i32 to index
        %parallel_loop3A_285 = arith.constant 32 : index
        %parallel_loop3A_286 = tpu.vector_load %arg11[%parallel_loop3A_284, %parallel_loop3A_285] {strides = array<i32>} : memref<256x64xf32, #tpu.memory_space<vmem>>, vector<16xf32>,
        %parallel_loop3A_287 = arith.addf %parallel_loop3A_286, %parallel_loop3A_283 : vector<16xf32>
        tpu.vector_store_idx %arg13[%add3A_13, %parallel_loop3A_269], %parallel_loop3A_287 : memref<64x264xf32, #tpu.memory_space<vmem>>[vector<16xi32>, vector<16xi32>], vector<16xf32>,
        %parallel_loop3A_288 = arith.select %parallel_loop3A_264, %get3A_48, %get3A_64 : vector<16xf32>
        %parallel_loop3A_289 = arith.select %parallel_loop3A_262, %get3A_32, %parallel_loop3A_288 : vector<16xf32>
        %parallel_loop3A_290 = arith.index_cast %parallel_loop3A_268 : i32 to index
        %parallel_loop3A_291 = arith.constant 48 : index
        %parallel_loop3A_292 = tpu.vector_load %arg11[%parallel_loop3A_290, %parallel_loop3A_291] {strides = array<i32>} : memref<256x64xf32, #tpu.memory_space<vmem>>, vector<16xf32>,
        %parallel_loop3A_293 = arith.addf %parallel_loop3A_292, %parallel_loop3A_289 : vector<16xf32>
        tpu.vector_store_idx %arg13[%add3A_17, %parallel_loop3A_269], %parallel_loop3A_293 : memref<64x264xf32, #tpu.memory_space<vmem>>[vector<16xi32>, vector<16xi32>], vector<16xf32>,
        %parallel_loop3A_294 = vector.extract_strided_slice %parallel_loop3A_258 {offsets = [1], sizes = [1], strides = [1]} : vector<16xi32> to vector<1xi32>
        %parallel_loop3A_295 = vector.extract %parallel_loop3A_294[0] : i32 from vector<1xi32>
        %parallel_loop3A_296 = arith.constant 0 : i32
        %parallel_loop3A_297 = arith.cmpi eq, %parallel_loop3A_295, %parallel_loop3A_296 : i32
        %parallel_loop3A_298 = arith.constant 1 : i32
        %parallel_loop3A_299 = arith.cmpi eq, %parallel_loop3A_295, %parallel_loop3A_298 : i32
        %parallel_loop3A_300 = arith.constant 16 : i32
        %parallel_loop3A_301 = arith.muli %parallel_loop3A_251, %parallel_loop3A_300 : i32
        %parallel_loop3A_302 = arith.constant 1 : i32
        %parallel_loop3A_303 = arith.addi %parallel_loop3A_301, %parallel_loop3A_302 : i32
        %parallel_loop3A_304 = vector.broadcast %parallel_loop3A_303 : i32 to vector<16xi32>
        %parallel_loop3A_305 = arith.select %parallel_loop3A_299, %get3A_36, %get3A_52 : vector<16xf32>
        %parallel_loop3A_306 = arith.select %parallel_loop3A_297, %get3A_20, %parallel_loop3A_305 : vector<16xf32>
        %parallel_loop3A_307 = arith.index_cast %parallel_loop3A_303 : i32 to index
        %parallel_loop3A_308 = arith.constant 0 : index
        %parallel_loop3A_309 = tpu.vector_load %arg11[%parallel_loop3A_307, %parallel_loop3A_308] {strides = array<i32>} : memref<256x64xf32, #tpu.memory_space<vmem>>, vector<16xf32>,
        %parallel_loop3A_310 = arith.addf %parallel_loop3A_309, %parallel_loop3A_306 : vector<16xf32>
        tpu.vector_store_idx %arg13[%add3A_5, %parallel_loop3A_304], %parallel_loop3A_310 : memref<64x264xf32, #tpu.memory_space<vmem>>[vector<16xi32>, vector<16xi32>], vector<16xf32>,
        %parallel_loop3A_311 = arith.select %parallel_loop3A_299, %get3A_40, %get3A_56 : vector<16xf32>
        %parallel_loop3A_312 = arith.select %parallel_loop3A_297, %get3A_24, %parallel_loop3A_311 : vector<16xf32>
        %parallel_loop3A_313 = arith.index_cast %parallel_loop3A_303 : i32 to index
        %parallel_loop3A_314 = arith.constant 16 : index
        %parallel_loop3A_315 = tpu.vector_load %arg11[%parallel_loop3A_313, %parallel_loop3A_314] {strides = array<i32>} : memref<256x64xf32, #tpu.memory_space<vmem>>, vector<16xf32>,
        %parallel_loop3A_316 = arith.addf %parallel_loop3A_315, %parallel_loop3A_312 : vector<16xf32>
        tpu.vector_store_idx %arg13[%add3A_9, %parallel_loop3A_304], %parallel_loop3A_316 : memref<64x264xf32, #tpu.memory_space<vmem>>[vector<16xi32>, vector<16xi32>], vector<16xf32>,
        %parallel_loop3A_317 = arith.select %parallel_loop3A_299, %get3A_44, %get3A_60 : vector<16xf32>
        %parallel_loop3A_318 = arith.select %parallel_loop3A_297, %get3A_28, %parallel_loop3A_317 : vector<16xf32>
        %parallel_loop3A_319 = arith.index_cast %parallel_loop3A_303 : i32 to index
        %parallel_loop3A_320 = arith.constant 32 : index
        %parallel_loop3A_321 = tpu.vector_load %arg11[%parallel_loop3A_319, %parallel_loop3A_320] {strides = array<i32>} : memref<256x64xf32, #tpu.memory_space<vmem>>, vector<16xf32>,
        %parallel_loop3A_322 = arith.addf %parallel_loop3A_321, %parallel_loop3A_318 : vector<16xf32>
        tpu.vector_store_idx %arg13[%add3A_13, %parallel_loop3A_304], %parallel_loop3A_322 : memref<64x264xf32, #tpu.memory_space<vmem>>[vector<16xi32>, vector<16xi32>], vector<16xf32>,
        %parallel_loop3A_323 = arith.select %parallel_loop3A_299, %get3A_48, %get3A_64 : vector<16xf32>
        %parallel_loop3A_324 = arith.select %parallel_loop3A_297, %get3A_32, %parallel_loop3A_323 : vector<16xf32>
        %parallel_loop3A_325 = arith.index_cast %parallel_loop3A_303 : i32 to index
        %parallel_loop3A_326 = arith.constant 48 : index
        %parallel_loop3A_327 = tpu.vector_load %arg11[%parallel_loop3A_325, %parallel_loop3A_326] {strides = array<i32>} : memref<256x64xf32, #tpu.memory_space<vmem>>, vector<16xf32>,
        %parallel_loop3A_328 = arith.addf %parallel_loop3A_327, %parallel_loop3A_324 : vector<16xf32>
        tpu.vector_store_idx %arg13[%add3A_17, %parallel_loop3A_304], %parallel_loop3A_328 : memref<64x264xf32, #tpu.memory_space<vmem>>[vector<16xi32>, vector<16xi32>], vector<16xf32>,
        %parallel_loop3A_329 = vector.extract_strided_slice %parallel_loop3A_258 {offsets = [2], sizes = [1], strides = [1]} : vector<16xi32> to vector<1xi32>
        %parallel_loop3A_330 = vector.extract %parallel_loop3A_329[0] : i32 from vector<1xi32>
        %parallel_loop3A_331 = arith.constant 0 : i32
        %parallel_loop3A_332 = arith.cmpi eq, %parallel_loop3A_330, %parallel_loop3A_331 : i32
        %parallel_loop3A_333 = arith.constant 1 : i32
        %parallel_loop3A_334 = arith.cmpi eq, %parallel_loop3A_330, %parallel_loop3A_333 : i32
        %parallel_loop3A_335 = arith.constant 16 : i32
        %parallel_loop3A_336 = arith.muli %parallel_loop3A_251, %parallel_loop3A_335 : i32
        %parallel_loop3A_337 = arith.constant 2 : i32
        %parallel_loop3A_338 = arith.addi %parallel_loop3A_336, %parallel_loop3A_337 : i32
        %parallel_loop3A_339 = vector.broadcast %parallel_loop3A_338 : i32 to vector<16xi32>
        %parallel_loop3A_340 = arith.select %parallel_loop3A_334, %get3A_36, %get3A_52 : vector<16xf32>
        %parallel_loop3A_341 = arith.select %parallel_loop3A_332, %get3A_20, %parallel_loop3A_340 : vector<16xf32>
        %parallel_loop3A_342 = arith.index_cast %parallel_loop3A_338 : i32 to index
        %parallel_loop3A_343 = arith.constant 0 : index
        %parallel_loop3A_344 = tpu.vector_load %arg11[%parallel_loop3A_342, %parallel_loop3A_343] {strides = array<i32>} : memref<256x64xf32, #tpu.memory_space<vmem>>, vector<16xf32>,
        %parallel_loop3A_345 = arith.addf %parallel_loop3A_344, %parallel_loop3A_341 : vector<16xf32>
        tpu.vector_store_idx %arg13[%add3A_5, %parallel_loop3A_339], %parallel_loop3A_345 : memref<64x264xf32, #tpu.memory_space<vmem>>[vector<16xi32>, vector<16xi32>], vector<16xf32>,
        %parallel_loop3A_346 = arith.select %parallel_loop3A_334, %get3A_40, %get3A_56 : vector<16xf32>
        %parallel_loop3A_347 = arith.select %parallel_loop3A_332, %get3A_24, %parallel_loop3A_346 : vector<16xf32>
        %parallel_loop3A_348 = arith.index_cast %parallel_loop3A_338 : i32 to index
        %parallel_loop3A_349 = arith.constant 16 : index
        %parallel_loop3A_350 = tpu.vector_load %arg11[%parallel_loop3A_348, %parallel_loop3A_349] {strides = array<i32>} : memref<256x64xf32, #tpu.memory_space<vmem>>, vector<16xf32>,
        %parallel_loop3A_351 = arith.addf %parallel_loop3A_350, %parallel_loop3A_347 : vector<16xf32>
        tpu.vector_store_idx %arg13[%add3A_9, %parallel_loop3A_339], %parallel_loop3A_351 : memref<64x264xf32, #tpu.memory_space<vmem>>[vector<16xi32>, vector<16xi32>], vector<16xf32>,
        %parallel_loop3A_352 = arith.select %parallel_loop3A_334, %get3A_44, %get3A_60 : vector<16xf32>
        %parallel_loop3A_353 = arith.select %parallel_loop3A_332, %get3A_28, %parallel_loop3A_352 : vector<16xf32>
        %parallel_loop3A_354 = arith.index_cast %parallel_loop3A_338 : i32 to index
        %parallel_loop3A_355 = arith.constant 32 : index
        %parallel_loop3A_356 = tpu.vector_load %arg11[%parallel_loop3A_354, %parallel_loop3A_355] {strides = array<i32>} : memref<256x64xf32, #tpu.memory_space<vmem>>, vector<16xf32>,
        %parallel_loop3A_357 = arith.addf %parallel_loop3A_356, %parallel_loop3A_353 : vector<16xf32>
        tpu.vector_store_idx %arg13[%add3A_13, %parallel_loop3A_339], %parallel_loop3A_357 : memref<64x264xf32, #tpu.memory_space<vmem>>[vector<16xi32>, vector<16xi32>], vector<16xf32>,
        %parallel_loop3A_358 = arith.select %parallel_loop3A_334, %get3A_48, %get3A_64 : vector<16xf32>
        %parallel_loop3A_359 = arith.select %parallel_loop3A_332, %get3A_32, %parallel_loop3A_358 : vector<16xf32>
        %parallel_loop3A_360 = arith.index_cast %parallel_loop3A_338 : i32 to index
        %parallel_loop3A_361 = arith.constant 48 : index
        %parallel_loop3A_362 = tpu.vector_load %arg11[%parallel_loop3A_360, %parallel_loop3A_361] {strides = array<i32>} : memref<256x64xf32, #tpu.memory_space<vmem>>, vector<16xf32>,
        %parallel_loop3A_363 = arith.addf %parallel_loop3A_362, %parallel_loop3A_359 : vector<16xf32>
        tpu.vector_store_idx %arg13[%add3A_17, %parallel_loop3A_339], %parallel_loop3A_363 : memref<64x264xf32, #tpu.memory_space<vmem>>[vector<16xi32>, vector<16xi32>], vector<16xf32>,
        %parallel_loop3A_364 = vector.extract_strided_slice %parallel_loop3A_258 {offsets = [3], sizes = [1], strides = [1]} : vector<16xi32> to vector<1xi32>
        %parallel_loop3A_365 = vector.extract %parallel_loop3A_364[0] : i32 from vector<1xi32>
        %parallel_loop3A_366 = arith.constant 0 : i32
        %parallel_loop3A_367 = arith.cmpi eq, %parallel_loop3A_365, %parallel_loop3A_366 : i32
        %parallel_loop3A_368 = arith.constant 1 : i32
        %parallel_loop3A_369 = arith.cmpi eq, %parallel_loop3A_365, %parallel_loop3A_368 : i32
        %parallel_loop3A_370 = arith.constant 16 : i32
        %parallel_loop3A_371 = arith.muli %parallel_loop3A_251, %parallel_loop3A_370 : i32
        %parallel_loop3A_372 = arith.constant 3 : i32
        %parallel_loop3A_373 = arith.addi %parallel_loop3A_371, %parallel_loop3A_372 : i32
        %parallel_loop3A_374 = vector.broadcast %parallel_loop3A_373 : i32 to vector<16xi32>
        %parallel_loop3A_375 = arith.select %parallel_loop3A_369, %get3A_36, %get3A_52 : vector<16xf32>
        %parallel_loop3A_376 = arith.select %parallel_loop3A_367, %get3A_20, %parallel_loop3A_375 : vector<16xf32>
        %parallel_loop3A_377 = arith.index_cast %parallel_loop3A_373 : i32 to index
        %parallel_loop3A_378 = arith.constant 0 : index
        %parallel_loop3A_379 = tpu.vector_load %arg11[%parallel_loop3A_377, %parallel_loop3A_378] {strides = array<i32>} : memref<256x64xf32, #tpu.memory_space<vmem>>, vector<16xf32>,
        %parallel_loop3A_380 = arith.addf %parallel_loop3A_379, %parallel_loop3A_376 : vector<16xf32>
        tpu.vector_store_idx %arg13[%add3A_5, %parallel_loop3A_374], %parallel_loop3A_380 : memref<64x264xf32, #tpu.memory_space<vmem>>[vector<16xi32>, vector<16xi32>], vector<16xf32>,
        %parallel_loop3A_381 = arith.select %parallel_loop3A_369, %get3A_40, %get3A_56 : vector<16xf32>
        %parallel_loop3A_382 = arith.select %parallel_loop3A_367, %get3A_24, %parallel_loop3A_381 : vector<16xf32>
        %parallel_loop3A_383 = arith.index_cast %parallel_loop3A_373 : i32 to index
        %parallel_loop3A_384 = arith.constant 16 : index
        %parallel_loop3A_385 = tpu.vector_load %arg11[%parallel_loop3A_383, %parallel_loop3A_384] {strides = array<i32>} : memref<256x64xf32, #tpu.memory_space<vmem>>, vector<16xf32>,
        %parallel_loop3A_386 = arith.addf %parallel_loop3A_385, %parallel_loop3A_382 : vector<16xf32>
        tpu.vector_store_idx %arg13[%add3A_9, %parallel_loop3A_374], %parallel_loop3A_386 : memref<64x264xf32, #tpu.memory_space<vmem>>[vector<16xi32>, vector<16xi32>], vector<16xf32>,
        %parallel_loop3A_387 = arith.select %parallel_loop3A_369, %get3A_44, %get3A_60 : vector<16xf32>
        %parallel_loop3A_388 = arith.select %parallel_loop3A_367, %get3A_28, %parallel_loop3A_387 : vector<16xf32>
        %parallel_loop3A_389 = arith.index_cast %parallel_loop3A_373 : i32 to index
        %parallel_loop3A_390 = arith.constant 32 : index
        %parallel_loop3A_391 = tpu.vector_load %arg11[%parallel_loop3A_389, %parallel_loop3A_390] {strides = array<i32>} : memref<256x64xf32, #tpu.memory_space<vmem>>, vector<16xf32>,
        %parallel_loop3A_392 = arith.addf %parallel_loop3A_391, %parallel_loop3A_388 : vector<16xf32>
        tpu.vector_store_idx %arg13[%add3A_13, %parallel_loop3A_374], %parallel_loop3A_392 : memref<64x264xf32, #tpu.memory_space<vmem>>[vector<16xi32>, vector<16xi32>], vector<16xf32>,
        %parallel_loop3A_393 = arith.select %parallel_loop3A_369, %get3A_48, %get3A_64 : vector<16xf32>
        %parallel_loop3A_394 = arith.select %parallel_loop3A_367, %get3A_32, %parallel_loop3A_393 : vector<16xf32>
        %parallel_loop3A_395 = arith.index_cast %parallel_loop3A_373 : i32 to index
        %parallel_loop3A_396 = arith.constant 48 : index
        %parallel_loop3A_397 = tpu.vector_load %arg11[%parallel_loop3A_395, %parallel_loop3A_396] {strides = array<i32>} : memref<256x64xf32, #tpu.memory_space<vmem>>, vector<16xf32>,
        %parallel_loop3A_398 = arith.addf %parallel_loop3A_397, %parallel_loop3A_394 : vector<16xf32>
        tpu.vector_store_idx %arg13[%add3A_17, %parallel_loop3A_374], %parallel_loop3A_398 : memref<64x264xf32, #tpu.memory_space<vmem>>[vector<16xi32>, vector<16xi32>], vector<16xf32>,
        %parallel_loop3A_399 = vector.extract_strided_slice %parallel_loop3A_258 {offsets = [4], sizes = [1], strides = [1]} : vector<16xi32> to vector<1xi32>
        %parallel_loop3A_400 = vector.extract %parallel_loop3A_399[0] : i32 from vector<1xi32>
        %parallel_loop3A_401 = arith.constant 0 : i32
        %parallel_loop3A_402 = arith.cmpi eq, %parallel_loop3A_400, %parallel_loop3A_401 : i32
        %parallel_loop3A_403 = arith.constant 1 : i32
        %parallel_loop3A_404 = arith.cmpi eq, %parallel_loop3A_400, %parallel_loop3A_403 : i32
        %parallel_loop3A_405 = arith.constant 16 : i32
        %parallel_loop3A_406 = arith.muli %parallel_loop3A_251, %parallel_loop3A_405 : i32
        %parallel_loop3A_407 = arith.constant 4 : i32
        %parallel_loop3A_408 = arith.addi %parallel_loop3A_406, %parallel_loop3A_407 : i32
        %parallel_loop3A_409 = vector.broadcast %parallel_loop3A_408 : i32 to vector<16xi32>
        %parallel_loop3A_410 = arith.select %parallel_loop3A_404, %get3A_36, %get3A_52 : vector<16xf32>
        %parallel_loop3A_411 = arith.select %parallel_loop3A_402, %get3A_20, %parallel_loop3A_410 : vector<16xf32>
        %parallel_loop3A_412 = arith.index_cast %parallel_loop3A_408 : i32 to index
        %parallel_loop3A_413 = arith.constant 0 : index
        %parallel_loop3A_414 = tpu.vector_load %arg11[%parallel_loop3A_412, %parallel_loop3A_413] {strides = array<i32>} : memref<256x64xf32, #tpu.memory_space<vmem>>, vector<16xf32>,
        %parallel_loop3A_415 = arith.addf %parallel_loop3A_414, %parallel_loop3A_411 : vector<16xf32>
        tpu.vector_store_idx %arg13[%add3A_5, %parallel_loop3A_409], %parallel_loop3A_415 : memref<64x264xf32, #tpu.memory_space<vmem>>[vector<16xi32>, vector<16xi32>], vector<16xf32>,
        %parallel_loop3A_416 = arith.select %parallel_loop3A_404, %get3A_40, %get3A_56 : vector<16xf32>
        %parallel_loop3A_417 = arith.select %parallel_loop3A_402, %get3A_24, %parallel_loop3A_416 : vector<16xf32>
        %parallel_loop3A_418 = arith.index_cast %parallel_loop3A_408 : i32 to index
        %parallel_loop3A_419 = arith.constant 16 : index
        %parallel_loop3A_420 = tpu.vector_load %arg11[%parallel_loop3A_418, %parallel_loop3A_419] {strides = array<i32>} : memref<256x64xf32, #tpu.memory_space<vmem>>, vector<16xf32>,
        %parallel_loop3A_421 = arith.addf %parallel_loop3A_420, %parallel_loop3A_417 : vector<16xf32>
        tpu.vector_store_idx %arg13[%add3A_9, %parallel_loop3A_409], %parallel_loop3A_421 : memref<64x264xf32, #tpu.memory_space<vmem>>[vector<16xi32>, vector<16xi32>], vector<16xf32>,
        %parallel_loop3A_422 = arith.select %parallel_loop3A_404, %get3A_44, %get3A_60 : vector<16xf32>
        %parallel_loop3A_423 = arith.select %parallel_loop3A_402, %get3A_28, %parallel_loop3A_422 : vector<16xf32>
        %parallel_loop3A_424 = arith.index_cast %parallel_loop3A_408 : i32 to index
        %parallel_loop3A_425 = arith.constant 32 : index
        %parallel_loop3A_426 = tpu.vector_load %arg11[%parallel_loop3A_424, %parallel_loop3A_425] {strides = array<i32>} : memref<256x64xf32, #tpu.memory_space<vmem>>, vector<16xf32>,
        %parallel_loop3A_427 = arith.addf %parallel_loop3A_426, %parallel_loop3A_423 : vector<16xf32>
        tpu.vector_store_idx %arg13[%add3A_13, %parallel_loop3A_409], %parallel_loop3A_427 : memref<64x264xf32, #tpu.memory_space<vmem>>[vector<16xi32>, vector<16xi32>], vector<16xf32>,
        %parallel_loop3A_428 = arith.select %parallel_loop3A_404, %get3A_48, %get3A_64 : vector<16xf32>
        %parallel_loop3A_429 = arith.select %parallel_loop3A_402, %get3A_32, %parallel_loop3A_428 : vector<16xf32>
        %parallel_loop3A_430 = arith.index_cast %parallel_loop3A_408 : i32 to index
        %parallel_loop3A_431 = arith.constant 48 : index
        %parallel_loop3A_432 = tpu.vector_load %arg11[%parallel_loop3A_430, %parallel_loop3A_431] {strides = array<i32>} : memref<256x64xf32, #tpu.memory_space<vmem>>, vector<16xf32>,
        %parallel_loop3A_433 = arith.addf %parallel_loop3A_432, %parallel_loop3A_429 : vector<16xf32>
        tpu.vector_store_idx %arg13[%add3A_17, %parallel_loop3A_409], %parallel_loop3A_433 : memref<64x264xf32, #tpu.memory_space<vmem>>[vector<16xi32>, vector<16xi32>], vector<16xf32>,
        %parallel_loop3A_434 = vector.extract_strided_slice %parallel_loop3A_258 {offsets = [5], sizes = [1], strides = [1]} : vector<16xi32> to vector<1xi32>
        %parallel_loop3A_435 = vector.extract %parallel_loop3A_434[0] : i32 from vector<1xi32>
        %parallel_loop3A_436 = arith.constant 0 : i32
        %parallel_loop3A_437 = arith.cmpi eq, %parallel_loop3A_435, %parallel_loop3A_436 : i32
        %parallel_loop3A_438 = arith.constant 1 : i32
        %parallel_loop3A_439 = arith.cmpi eq, %parallel_loop3A_435, %parallel_loop3A_438 : i32
        %parallel_loop3A_440 = arith.constant 16 : i32
        %parallel_loop3A_441 = arith.muli %parallel_loop3A_251, %parallel_loop3A_440 : i32
        %parallel_loop3A_442 = arith.constant 5 : i32
        %parallel_loop3A_443 = arith.addi %parallel_loop3A_441, %parallel_loop3A_442 : i32
        %parallel_loop3A_444 = vector.broadcast %parallel_loop3A_443 : i32 to vector<16xi32>
        %parallel_loop3A_445 = arith.select %parallel_loop3A_439, %get3A_36, %get3A_52 : vector<16xf32>
        %parallel_loop3A_446 = arith.select %parallel_loop3A_437, %get3A_20, %parallel_loop3A_445 : vector<16xf32>
        %parallel_loop3A_447 = arith.index_cast %parallel_loop3A_443 : i32 to index
        %parallel_loop3A_448 = arith.constant 0 : index
        %parallel_loop3A_449 = tpu.vector_load %arg11[%parallel_loop3A_447, %parallel_loop3A_448] {strides = array<i32>} : memref<256x64xf32, #tpu.memory_space<vmem>>, vector<16xf32>,
        %parallel_loop3A_450 = arith.addf %parallel_loop3A_449, %parallel_loop3A_446 : vector<16xf32>
        tpu.vector_store_idx %arg13[%add3A_5, %parallel_loop3A_444], %parallel_loop3A_450 : memref<64x264xf32, #tpu.memory_space<vmem>>[vector<16xi32>, vector<16xi32>], vector<16xf32>,
        %parallel_loop3A_451 = arith.select %parallel_loop3A_439, %get3A_40, %get3A_56 : vector<16xf32>
        %parallel_loop3A_452 = arith.select %parallel_loop3A_437, %get3A_24, %parallel_loop3A_451 : vector<16xf32>
        %parallel_loop3A_453 = arith.index_cast %parallel_loop3A_443 : i32 to index
        %parallel_loop3A_454 = arith.constant 16 : index
        %parallel_loop3A_455 = tpu.vector_load %arg11[%parallel_loop3A_453, %parallel_loop3A_454] {strides = array<i32>} : memref<256x64xf32, #tpu.memory_space<vmem>>, vector<16xf32>,
        %parallel_loop3A_456 = arith.addf %parallel_loop3A_455, %parallel_loop3A_452 : vector<16xf32>
        tpu.vector_store_idx %arg13[%add3A_9, %parallel_loop3A_444], %parallel_loop3A_456 : memref<64x264xf32, #tpu.memory_space<vmem>>[vector<16xi32>, vector<16xi32>], vector<16xf32>,
        %parallel_loop3A_457 = arith.select %parallel_loop3A_439, %get3A_44, %get3A_60 : vector<16xf32>
        %parallel_loop3A_458 = arith.select %parallel_loop3A_437, %get3A_28, %parallel_loop3A_457 : vector<16xf32>
        %parallel_loop3A_459 = arith.index_cast %parallel_loop3A_443 : i32 to index
        %parallel_loop3A_460 = arith.constant 32 : index
        %parallel_loop3A_461 = tpu.vector_load %arg11[%parallel_loop3A_459, %parallel_loop3A_460] {strides = array<i32>} : memref<256x64xf32, #tpu.memory_space<vmem>>, vector<16xf32>,
        %parallel_loop3A_462 = arith.addf %parallel_loop3A_461, %parallel_loop3A_458 : vector<16xf32>
        tpu.vector_store_idx %arg13[%add3A_13, %parallel_loop3A_444], %parallel_loop3A_462 : memref<64x264xf32, #tpu.memory_space<vmem>>[vector<16xi32>, vector<16xi32>], vector<16xf32>,
        %parallel_loop3A_463 = arith.select %parallel_loop3A_439, %get3A_48, %get3A_64 : vector<16xf32>
        %parallel_loop3A_464 = arith.select %parallel_loop3A_437, %get3A_32, %parallel_loop3A_463 : vector<16xf32>
        %parallel_loop3A_465 = arith.index_cast %parallel_loop3A_443 : i32 to index
        %parallel_loop3A_466 = arith.constant 48 : index
        %parallel_loop3A_467 = tpu.vector_load %arg11[%parallel_loop3A_465, %parallel_loop3A_466] {strides = array<i32>} : memref<256x64xf32, #tpu.memory_space<vmem>>, vector<16xf32>,
        %parallel_loop3A_468 = arith.addf %parallel_loop3A_467, %parallel_loop3A_464 : vector<16xf32>
        tpu.vector_store_idx %arg13[%add3A_17, %parallel_loop3A_444], %parallel_loop3A_468 : memref<64x264xf32, #tpu.memory_space<vmem>>[vector<16xi32>, vector<16xi32>], vector<16xf32>,
        %parallel_loop3A_469 = vector.extract_strided_slice %parallel_loop3A_258 {offsets = [6], sizes = [1], strides = [1]} : vector<16xi32> to vector<1xi32>
        %parallel_loop3A_470 = vector.extract %parallel_loop3A_469[0] : i32 from vector<1xi32>
        %parallel_loop3A_471 = arith.constant 0 : i32
        %parallel_loop3A_472 = arith.cmpi eq, %parallel_loop3A_470, %parallel_loop3A_471 : i32
        %parallel_loop3A_473 = arith.constant 1 : i32
        %parallel_loop3A_474 = arith.cmpi eq, %parallel_loop3A_470, %parallel_loop3A_473 : i32
        %parallel_loop3A_475 = arith.constant 16 : i32
        %parallel_loop3A_476 = arith.muli %parallel_loop3A_251, %parallel_loop3A_475 : i32
        %parallel_loop3A_477 = arith.constant 6 : i32
        %parallel_loop3A_478 = arith.addi %parallel_loop3A_476, %parallel_loop3A_477 : i32
        %parallel_loop3A_479 = vector.broadcast %parallel_loop3A_478 : i32 to vector<16xi32>
        %parallel_loop3A_480 = arith.select %parallel_loop3A_474, %get3A_36, %get3A_52 : vector<16xf32>
        %parallel_loop3A_481 = arith.select %parallel_loop3A_472, %get3A_20, %parallel_loop3A_480 : vector<16xf32>
        %parallel_loop3A_482 = arith.index_cast %parallel_loop3A_478 : i32 to index
        %parallel_loop3A_483 = arith.constant 0 : index
        %parallel_loop3A_484 = tpu.vector_load %arg11[%parallel_loop3A_482, %parallel_loop3A_483] {strides = array<i32>} : memref<256x64xf32, #tpu.memory_space<vmem>>, vector<16xf32>,
        %parallel_loop3A_485 = arith.addf %parallel_loop3A_484, %parallel_loop3A_481 : vector<16xf32>
        tpu.vector_store_idx %arg13[%add3A_5, %parallel_loop3A_479], %parallel_loop3A_485 : memref<64x264xf32, #tpu.memory_space<vmem>>[vector<16xi32>, vector<16xi32>], vector<16xf32>,
        %parallel_loop3A_486 = arith.select %parallel_loop3A_474, %get3A_40, %get3A_56 : vector<16xf32>
        %parallel_loop3A_487 = arith.select %parallel_loop3A_472, %get3A_24, %parallel_loop3A_486 : vector<16xf32>
        %parallel_loop3A_488 = arith.index_cast %parallel_loop3A_478 : i32 to index
        %parallel_loop3A_489 = arith.constant 16 : index
        %parallel_loop3A_490 = tpu.vector_load %arg11[%parallel_loop3A_488, %parallel_loop3A_489] {strides = array<i32>} : memref<256x64xf32, #tpu.memory_space<vmem>>, vector<16xf32>,
        %parallel_loop3A_491 = arith.addf %parallel_loop3A_490, %parallel_loop3A_487 : vector<16xf32>
        tpu.vector_store_idx %arg13[%add3A_9, %parallel_loop3A_479], %parallel_loop3A_491 : memref<64x264xf32, #tpu.memory_space<vmem>>[vector<16xi32>, vector<16xi32>], vector<16xf32>,
        %parallel_loop3A_492 = arith.select %parallel_loop3A_474, %get3A_44, %get3A_60 : vector<16xf32>
        %parallel_loop3A_493 = arith.select %parallel_loop3A_472, %get3A_28, %parallel_loop3A_492 : vector<16xf32>
        %parallel_loop3A_494 = arith.index_cast %parallel_loop3A_478 : i32 to index
        %parallel_loop3A_495 = arith.constant 32 : index
        %parallel_loop3A_496 = tpu.vector_load %arg11[%parallel_loop3A_494, %parallel_loop3A_495] {strides = array<i32>} : memref<256x64xf32, #tpu.memory_space<vmem>>, vector<16xf32>,
        %parallel_loop3A_497 = arith.addf %parallel_loop3A_496, %parallel_loop3A_493 : vector<16xf32>
        tpu.vector_store_idx %arg13[%add3A_13, %parallel_loop3A_479], %parallel_loop3A_497 : memref<64x264xf32, #tpu.memory_space<vmem>>[vector<16xi32>, vector<16xi32>], vector<16xf32>,
        %parallel_loop3A_498 = arith.select %parallel_loop3A_474, %get3A_48, %get3A_64 : vector<16xf32>
        %parallel_loop3A_499 = arith.select %parallel_loop3A_472, %get3A_32, %parallel_loop3A_498 : vector<16xf32>
        %parallel_loop3A_500 = arith.index_cast %parallel_loop3A_478 : i32 to index
        %parallel_loop3A_501 = arith.constant 48 : index
        %parallel_loop3A_502 = tpu.vector_load %arg11[%parallel_loop3A_500, %parallel_loop3A_501] {strides = array<i32>} : memref<256x64xf32, #tpu.memory_space<vmem>>, vector<16xf32>,
        %parallel_loop3A_503 = arith.addf %parallel_loop3A_502, %parallel_loop3A_499 : vector<16xf32>
        tpu.vector_store_idx %arg13[%add3A_17, %parallel_loop3A_479], %parallel_loop3A_503 : memref<64x264xf32, #tpu.memory_space<vmem>>[vector<16xi32>, vector<16xi32>], vector<16xf32>,
        %parallel_loop3A_504 = vector.extract_strided_slice %parallel_loop3A_258 {offsets = [7], sizes = [1], strides = [1]} : vector<16xi32> to vector<1xi32>
        %parallel_loop3A_505 = vector.extract %parallel_loop3A_504[0] : i32 from vector<1xi32>
        %parallel_loop3A_506 = arith.constant 0 : i32
        %parallel_loop3A_507 = arith.cmpi eq, %parallel_loop3A_505, %parallel_loop3A_506 : i32
        %parallel_loop3A_508 = arith.constant 1 : i32
        %parallel_loop3A_509 = arith.cmpi eq, %parallel_loop3A_505, %parallel_loop3A_508 : i32
        %parallel_loop3A_510 = arith.constant 16 : i32
        %parallel_loop3A_511 = arith.muli %parallel_loop3A_251, %parallel_loop3A_510 : i32
        %parallel_loop3A_512 = arith.constant 7 : i32
        %parallel_loop3A_513 = arith.addi %parallel_loop3A_511, %parallel_loop3A_512 : i32
        %parallel_loop3A_514 = vector.broadcast %parallel_loop3A_513 : i32 to vector<16xi32>
        %parallel_loop3A_515 = arith.select %parallel_loop3A_509, %get3A_36, %get3A_52 : vector<16xf32>
        %parallel_loop3A_516 = arith.select %parallel_loop3A_507, %get3A_20, %parallel_loop3A_515 : vector<16xf32>
        %parallel_loop3A_517 = arith.index_cast %parallel_loop3A_513 : i32 to index
        %parallel_loop3A_518 = arith.constant 0 : index
        %parallel_loop3A_519 = tpu.vector_load %arg11[%parallel_loop3A_517, %parallel_loop3A_518] {strides = array<i32>} : memref<256x64xf32, #tpu.memory_space<vmem>>, vector<16xf32>,
        %parallel_loop3A_520 = arith.addf %parallel_loop3A_519, %parallel_loop3A_516 : vector<16xf32>
        tpu.vector_store_idx %arg13[%add3A_5, %parallel_loop3A_514], %parallel_loop3A_520 : memref<64x264xf32, #tpu.memory_space<vmem>>[vector<16xi32>, vector<16xi32>], vector<16xf32>,
        %parallel_loop3A_521 = arith.select %parallel_loop3A_509, %get3A_40, %get3A_56 : vector<16xf32>
        %parallel_loop3A_522 = arith.select %parallel_loop3A_507, %get3A_24, %parallel_loop3A_521 : vector<16xf32>
        %parallel_loop3A_523 = arith.index_cast %parallel_loop3A_513 : i32 to index
        %parallel_loop3A_524 = arith.constant 16 : index
        %parallel_loop3A_525 = tpu.vector_load %arg11[%parallel_loop3A_523, %parallel_loop3A_524] {strides = array<i32>} : memref<256x64xf32, #tpu.memory_space<vmem>>, vector<16xf32>,
        %parallel_loop3A_526 = arith.addf %parallel_loop3A_525, %parallel_loop3A_522 : vector<16xf32>
        tpu.vector_store_idx %arg13[%add3A_9, %parallel_loop3A_514], %parallel_loop3A_526 : memref<64x264xf32, #tpu.memory_space<vmem>>[vector<16xi32>, vector<16xi32>], vector<16xf32>,
        %parallel_loop3A_527 = arith.select %parallel_loop3A_509, %get3A_44, %get3A_60 : vector<16xf32>
        %parallel_loop3A_528 = arith.select %parallel_loop3A_507, %get3A_28, %parallel_loop3A_527 : vector<16xf32>
        %parallel_loop3A_529 = arith.index_cast %parallel_loop3A_513 : i32 to index
        %parallel_loop3A_530 = arith.constant 32 : index
        %parallel_loop3A_531 = tpu.vector_load %arg11[%parallel_loop3A_529, %parallel_loop3A_530] {strides = array<i32>} : memref<256x64xf32, #tpu.memory_space<vmem>>, vector<16xf32>,
        %parallel_loop3A_532 = arith.addf %parallel_loop3A_531, %parallel_loop3A_528 : vector<16xf32>
        tpu.vector_store_idx %arg13[%add3A_13, %parallel_loop3A_514], %parallel_loop3A_532 : memref<64x264xf32, #tpu.memory_space<vmem>>[vector<16xi32>, vector<16xi32>], vector<16xf32>,
        %parallel_loop3A_533 = arith.select %parallel_loop3A_509, %get3A_48, %get3A_64 : vector<16xf32>
        %parallel_loop3A_534 = arith.select %parallel_loop3A_507, %get3A_32, %parallel_loop3A_533 : vector<16xf32>
        %parallel_loop3A_535 = arith.index_cast %parallel_loop3A_513 : i32 to index
        %parallel_loop3A_536 = arith.constant 48 : index
        %parallel_loop3A_537 = tpu.vector_load %arg11[%parallel_loop3A_535, %parallel_loop3A_536] {strides = array<i32>} : memref<256x64xf32, #tpu.memory_space<vmem>>, vector<16xf32>,
        %parallel_loop3A_538 = arith.addf %parallel_loop3A_537, %parallel_loop3A_534 : vector<16xf32>
        tpu.vector_store_idx %arg13[%add3A_17, %parallel_loop3A_514], %parallel_loop3A_538 : memref<64x264xf32, #tpu.memory_space<vmem>>[vector<16xi32>, vector<16xi32>], vector<16xf32>,
        %parallel_loop3A_539 = vector.extract_strided_slice %parallel_loop3A_258 {offsets = [8], sizes = [1], strides = [1]} : vector<16xi32> to vector<1xi32>
        %parallel_loop3A_540 = vector.extract %parallel_loop3A_539[0] : i32 from vector<1xi32>
        %parallel_loop3A_541 = arith.constant 0 : i32
        %parallel_loop3A_542 = arith.cmpi eq, %parallel_loop3A_540, %parallel_loop3A_541 : i32
        %parallel_loop3A_543 = arith.constant 1 : i32
        %parallel_loop3A_544 = arith.cmpi eq, %parallel_loop3A_540, %parallel_loop3A_543 : i32
        %parallel_loop3A_545 = arith.constant 16 : i32
        %parallel_loop3A_546 = arith.muli %parallel_loop3A_251, %parallel_loop3A_545 : i32
        %parallel_loop3A_547 = arith.constant 8 : i32
        %parallel_loop3A_548 = arith.addi %parallel_loop3A_546, %parallel_loop3A_547 : i32
        %parallel_loop3A_549 = vector.broadcast %parallel_loop3A_548 : i32 to vector<16xi32>
        %parallel_loop3A_550 = arith.select %parallel_loop3A_544, %get3A_36, %get3A_52 : vector<16xf32>
        %parallel_loop3A_551 = arith.select %parallel_loop3A_542, %get3A_20, %parallel_loop3A_550 : vector<16xf32>
        %parallel_loop3A_552 = arith.index_cast %parallel_loop3A_548 : i32 to index
        %parallel_loop3A_553 = arith.constant 0 : index
        %parallel_loop3A_554 = tpu.vector_load %arg11[%parallel_loop3A_552, %parallel_loop3A_553] {strides = array<i32>} : memref<256x64xf32, #tpu.memory_space<vmem>>, vector<16xf32>,
        %parallel_loop3A_555 = arith.addf %parallel_loop3A_554, %parallel_loop3A_551 : vector<16xf32>
        tpu.vector_store_idx %arg13[%add3A_5, %parallel_loop3A_549], %parallel_loop3A_555 : memref<64x264xf32, #tpu.memory_space<vmem>>[vector<16xi32>, vector<16xi32>], vector<16xf32>,
        %parallel_loop3A_556 = arith.select %parallel_loop3A_544, %get3A_40, %get3A_56 : vector<16xf32>
        %parallel_loop3A_557 = arith.select %parallel_loop3A_542, %get3A_24, %parallel_loop3A_556 : vector<16xf32>
        %parallel_loop3A_558 = arith.index_cast %parallel_loop3A_548 : i32 to index
        %parallel_loop3A_559 = arith.constant 16 : index
        %parallel_loop3A_560 = tpu.vector_load %arg11[%parallel_loop3A_558, %parallel_loop3A_559] {strides = array<i32>} : memref<256x64xf32, #tpu.memory_space<vmem>>, vector<16xf32>,
        %parallel_loop3A_561 = arith.addf %parallel_loop3A_560, %parallel_loop3A_557 : vector<16xf32>
        tpu.vector_store_idx %arg13[%add3A_9, %parallel_loop3A_549], %parallel_loop3A_561 : memref<64x264xf32, #tpu.memory_space<vmem>>[vector<16xi32>, vector<16xi32>], vector<16xf32>,
        %parallel_loop3A_562 = arith.select %parallel_loop3A_544, %get3A_44, %get3A_60 : vector<16xf32>
        %parallel_loop3A_563 = arith.select %parallel_loop3A_542, %get3A_28, %parallel_loop3A_562 : vector<16xf32>
        %parallel_loop3A_564 = arith.index_cast %parallel_loop3A_548 : i32 to index
        %parallel_loop3A_565 = arith.constant 32 : index
        %parallel_loop3A_566 = tpu.vector_load %arg11[%parallel_loop3A_564, %parallel_loop3A_565] {strides = array<i32>} : memref<256x64xf32, #tpu.memory_space<vmem>>, vector<16xf32>,
        %parallel_loop3A_567 = arith.addf %parallel_loop3A_566, %parallel_loop3A_563 : vector<16xf32>
        tpu.vector_store_idx %arg13[%add3A_13, %parallel_loop3A_549], %parallel_loop3A_567 : memref<64x264xf32, #tpu.memory_space<vmem>>[vector<16xi32>, vector<16xi32>], vector<16xf32>,
        %parallel_loop3A_568 = arith.select %parallel_loop3A_544, %get3A_48, %get3A_64 : vector<16xf32>
        %parallel_loop3A_569 = arith.select %parallel_loop3A_542, %get3A_32, %parallel_loop3A_568 : vector<16xf32>
        %parallel_loop3A_570 = arith.index_cast %parallel_loop3A_548 : i32 to index
        %parallel_loop3A_571 = arith.constant 48 : index
        %parallel_loop3A_572 = tpu.vector_load %arg11[%parallel_loop3A_570, %parallel_loop3A_571] {strides = array<i32>} : memref<256x64xf32, #tpu.memory_space<vmem>>, vector<16xf32>,
        %parallel_loop3A_573 = arith.addf %parallel_loop3A_572, %parallel_loop3A_569 : vector<16xf32>
        tpu.vector_store_idx %arg13[%add3A_17, %parallel_loop3A_549], %parallel_loop3A_573 : memref<64x264xf32, #tpu.memory_space<vmem>>[vector<16xi32>, vector<16xi32>], vector<16xf32>,
        %parallel_loop3A_574 = vector.extract_strided_slice %parallel_loop3A_258 {offsets = [9], sizes = [1], strides = [1]} : vector<16xi32> to vector<1xi32>
        %parallel_loop3A_575 = vector.extract %parallel_loop3A_574[0] : i32 from vector<1xi32>
        %parallel_loop3A_576 = arith.constant 0 : i32
        %parallel_loop3A_577 = arith.cmpi eq, %parallel_loop3A_575, %parallel_loop3A_576 : i32
        %parallel_loop3A_578 = arith.constant 1 : i32
        %parallel_loop3A_579 = arith.cmpi eq, %parallel_loop3A_575, %parallel_loop3A_578 : i32
        %parallel_loop3A_580 = arith.constant 16 : i32
        %parallel_loop3A_581 = arith.muli %parallel_loop3A_251, %parallel_loop3A_580 : i32
        %parallel_loop3A_582 = arith.constant 9 : i32
        %parallel_loop3A_583 = arith.addi %parallel_loop3A_581, %parallel_loop3A_582 : i32
        %parallel_loop3A_584 = vector.broadcast %parallel_loop3A_583 : i32 to vector<16xi32>
        %parallel_loop3A_585 = arith.select %parallel_loop3A_579, %get3A_36, %get3A_52 : vector<16xf32>
        %parallel_loop3A_586 = arith.select %parallel_loop3A_577, %get3A_20, %parallel_loop3A_585 : vector<16xf32>
        %parallel_loop3A_587 = arith.index_cast %parallel_loop3A_583 : i32 to index
        %parallel_loop3A_588 = arith.constant 0 : index
        %parallel_loop3A_589 = tpu.vector_load %arg11[%parallel_loop3A_587, %parallel_loop3A_588] {strides = array<i32>} : memref<256x64xf32, #tpu.memory_space<vmem>>, vector<16xf32>,
        %parallel_loop3A_590 = arith.addf %parallel_loop3A_589, %parallel_loop3A_586 : vector<16xf32>
        tpu.vector_store_idx %arg13[%add3A_5, %parallel_loop3A_584], %parallel_loop3A_590 : memref<64x264xf32, #tpu.memory_space<vmem>>[vector<16xi32>, vector<16xi32>], vector<16xf32>,
        %parallel_loop3A_591 = arith.select %parallel_loop3A_579, %get3A_40, %get3A_56 : vector<16xf32>
        %parallel_loop3A_592 = arith.select %parallel_loop3A_577, %get3A_24, %parallel_loop3A_591 : vector<16xf32>
        %parallel_loop3A_593 = arith.index_cast %parallel_loop3A_583 : i32 to index
        %parallel_loop3A_594 = arith.constant 16 : index
        %parallel_loop3A_595 = tpu.vector_load %arg11[%parallel_loop3A_593, %parallel_loop3A_594] {strides = array<i32>} : memref<256x64xf32, #tpu.memory_space<vmem>>, vector<16xf32>,
        %parallel_loop3A_596 = arith.addf %parallel_loop3A_595, %parallel_loop3A_592 : vector<16xf32>
        tpu.vector_store_idx %arg13[%add3A_9, %parallel_loop3A_584], %parallel_loop3A_596 : memref<64x264xf32, #tpu.memory_space<vmem>>[vector<16xi32>, vector<16xi32>], vector<16xf32>,
        %parallel_loop3A_597 = arith.select %parallel_loop3A_579, %get3A_44, %get3A_60 : vector<16xf32>
        %parallel_loop3A_598 = arith.select %parallel_loop3A_577, %get3A_28, %parallel_loop3A_597 : vector<16xf32>
        %parallel_loop3A_599 = arith.index_cast %parallel_loop3A_583 : i32 to index
        %parallel_loop3A_600 = arith.constant 32 : index
        %parallel_loop3A_601 = tpu.vector_load %arg11[%parallel_loop3A_599, %parallel_loop3A_600] {strides = array<i32>} : memref<256x64xf32, #tpu.memory_space<vmem>>, vector<16xf32>,
        %parallel_loop3A_602 = arith.addf %parallel_loop3A_601, %parallel_loop3A_598 : vector<16xf32>
        tpu.vector_store_idx %arg13[%add3A_13, %parallel_loop3A_584], %parallel_loop3A_602 : memref<64x264xf32, #tpu.memory_space<vmem>>[vector<16xi32>, vector<16xi32>], vector<16xf32>,
        %parallel_loop3A_603 = arith.select %parallel_loop3A_579, %get3A_48, %get3A_64 : vector<16xf32>
        %parallel_loop3A_604 = arith.select %parallel_loop3A_577, %get3A_32, %parallel_loop3A_603 : vector<16xf32>
        %parallel_loop3A_605 = arith.index_cast %parallel_loop3A_583 : i32 to index
        %parallel_loop3A_606 = arith.constant 48 : index
        %parallel_loop3A_607 = tpu.vector_load %arg11[%parallel_loop3A_605, %parallel_loop3A_606] {strides = array<i32>} : memref<256x64xf32, #tpu.memory_space<vmem>>, vector<16xf32>,
        %parallel_loop3A_608 = arith.addf %parallel_loop3A_607, %parallel_loop3A_604 : vector<16xf32>
        tpu.vector_store_idx %arg13[%add3A_17, %parallel_loop3A_584], %parallel_loop3A_608 : memref<64x264xf32, #tpu.memory_space<vmem>>[vector<16xi32>, vector<16xi32>], vector<16xf32>,
        %parallel_loop3A_609 = vector.extract_strided_slice %parallel_loop3A_258 {offsets = [10], sizes = [1], strides = [1]} : vector<16xi32> to vector<1xi32>
        %parallel_loop3A_610 = vector.extract %parallel_loop3A_609[0] : i32 from vector<1xi32>
        %parallel_loop3A_611 = arith.constant 0 : i32
        %parallel_loop3A_612 = arith.cmpi eq, %parallel_loop3A_610, %parallel_loop3A_611 : i32
        %parallel_loop3A_613 = arith.constant 1 : i32
        %parallel_loop3A_614 = arith.cmpi eq, %parallel_loop3A_610, %parallel_loop3A_613 : i32
        %parallel_loop3A_615 = arith.constant 16 : i32
        %parallel_loop3A_616 = arith.muli %parallel_loop3A_251, %parallel_loop3A_615 : i32
        %parallel_loop3A_617 = arith.constant 10 : i32
        %parallel_loop3A_618 = arith.addi %parallel_loop3A_616, %parallel_loop3A_617 : i32
        %parallel_loop3A_619 = vector.broadcast %parallel_loop3A_618 : i32 to vector<16xi32>
        %parallel_loop3A_620 = arith.select %parallel_loop3A_614, %get3A_36, %get3A_52 : vector<16xf32>
        %parallel_loop3A_621 = arith.select %parallel_loop3A_612, %get3A_20, %parallel_loop3A_620 : vector<16xf32>
        %parallel_loop3A_622 = arith.index_cast %parallel_loop3A_618 : i32 to index
        %parallel_loop3A_623 = arith.constant 0 : index
        %parallel_loop3A_624 = tpu.vector_load %arg11[%parallel_loop3A_622, %parallel_loop3A_623] {strides = array<i32>} : memref<256x64xf32, #tpu.memory_space<vmem>>, vector<16xf32>,
        %parallel_loop3A_625 = arith.addf %parallel_loop3A_624, %parallel_loop3A_621 : vector<16xf32>
        tpu.vector_store_idx %arg13[%add3A_5, %parallel_loop3A_619], %parallel_loop3A_625 : memref<64x264xf32, #tpu.memory_space<vmem>>[vector<16xi32>, vector<16xi32>], vector<16xf32>,
        %parallel_loop3A_626 = arith.select %parallel_loop3A_614, %get3A_40, %get3A_56 : vector<16xf32>
        %parallel_loop3A_627 = arith.select %parallel_loop3A_612, %get3A_24, %parallel_loop3A_626 : vector<16xf32>
        %parallel_loop3A_628 = arith.index_cast %parallel_loop3A_618 : i32 to index
        %parallel_loop3A_629 = arith.constant 16 : index
        %parallel_loop3A_630 = tpu.vector_load %arg11[%parallel_loop3A_628, %parallel_loop3A_629] {strides = array<i32>} : memref<256x64xf32, #tpu.memory_space<vmem>>, vector<16xf32>,
        %parallel_loop3A_631 = arith.addf %parallel_loop3A_630, %parallel_loop3A_627 : vector<16xf32>
        tpu.vector_store_idx %arg13[%add3A_9, %parallel_loop3A_619], %parallel_loop3A_631 : memref<64x264xf32, #tpu.memory_space<vmem>>[vector<16xi32>, vector<16xi32>], vector<16xf32>,
        %parallel_loop3A_632 = arith.select %parallel_loop3A_614, %get3A_44, %get3A_60 : vector<16xf32>
        %parallel_loop3A_633 = arith.select %parallel_loop3A_612, %get3A_28, %parallel_loop3A_632 : vector<16xf32>
        %parallel_loop3A_634 = arith.index_cast %parallel_loop3A_618 : i32 to index
        %parallel_loop3A_635 = arith.constant 32 : index
        %parallel_loop3A_636 = tpu.vector_load %arg11[%parallel_loop3A_634, %parallel_loop3A_635] {strides = array<i32>} : memref<256x64xf32, #tpu.memory_space<vmem>>, vector<16xf32>,
        %parallel_loop3A_637 = arith.addf %parallel_loop3A_636, %parallel_loop3A_633 : vector<16xf32>
        tpu.vector_store_idx %arg13[%add3A_13, %parallel_loop3A_619], %parallel_loop3A_637 : memref<64x264xf32, #tpu.memory_space<vmem>>[vector<16xi32>, vector<16xi32>], vector<16xf32>,
        %parallel_loop3A_638 = arith.select %parallel_loop3A_614, %get3A_48, %get3A_64 : vector<16xf32>
        %parallel_loop3A_639 = arith.select %parallel_loop3A_612, %get3A_32, %parallel_loop3A_638 : vector<16xf32>
        %parallel_loop3A_640 = arith.index_cast %parallel_loop3A_618 : i32 to index
        %parallel_loop3A_641 = arith.constant 48 : index
        %parallel_loop3A_642 = tpu.vector_load %arg11[%parallel_loop3A_640, %parallel_loop3A_641] {strides = array<i32>} : memref<256x64xf32, #tpu.memory_space<vmem>>, vector<16xf32>,
        %parallel_loop3A_643 = arith.addf %parallel_loop3A_642, %parallel_loop3A_639 : vector<16xf32>
        tpu.vector_store_idx %arg13[%add3A_17, %parallel_loop3A_619], %parallel_loop3A_643 : memref<64x264xf32, #tpu.memory_space<vmem>>[vector<16xi32>, vector<16xi32>], vector<16xf32>,
        %parallel_loop3A_644 = vector.extract_strided_slice %parallel_loop3A_258 {offsets = [11], sizes = [1], strides = [1]} : vector<16xi32> to vector<1xi32>
        %parallel_loop3A_645 = vector.extract %parallel_loop3A_644[0] : i32 from vector<1xi32>
        %parallel_loop3A_646 = arith.constant 0 : i32
        %parallel_loop3A_647 = arith.cmpi eq, %parallel_loop3A_645, %parallel_loop3A_646 : i32
        %parallel_loop3A_648 = arith.constant 1 : i32
        %parallel_loop3A_649 = arith.cmpi eq, %parallel_loop3A_645, %parallel_loop3A_648 : i32
        %parallel_loop3A_650 = arith.constant 16 : i32
        %parallel_loop3A_651 = arith.muli %parallel_loop3A_251, %parallel_loop3A_650 : i32
        %parallel_loop3A_652 = arith.constant 11 : i32
        %parallel_loop3A_653 = arith.addi %parallel_loop3A_651, %parallel_loop3A_652 : i32
        %parallel_loop3A_654 = vector.broadcast %parallel_loop3A_653 : i32 to vector<16xi32>
        %parallel_loop3A_655 = arith.select %parallel_loop3A_649, %get3A_36, %get3A_52 : vector<16xf32>
        %parallel_loop3A_656 = arith.select %parallel_loop3A_647, %get3A_20, %parallel_loop3A_655 : vector<16xf32>
        %parallel_loop3A_657 = arith.index_cast %parallel_loop3A_653 : i32 to index
        %parallel_loop3A_658 = arith.constant 0 : index
        %parallel_loop3A_659 = tpu.vector_load %arg11[%parallel_loop3A_657, %parallel_loop3A_658] {strides = array<i32>} : memref<256x64xf32, #tpu.memory_space<vmem>>, vector<16xf32>,
        %parallel_loop3A_660 = arith.addf %parallel_loop3A_659, %parallel_loop3A_656 : vector<16xf32>
        tpu.vector_store_idx %arg13[%add3A_5, %parallel_loop3A_654], %parallel_loop3A_660 : memref<64x264xf32, #tpu.memory_space<vmem>>[vector<16xi32>, vector<16xi32>], vector<16xf32>,
        %parallel_loop3A_661 = arith.select %parallel_loop3A_649, %get3A_40, %get3A_56 : vector<16xf32>
        %parallel_loop3A_662 = arith.select %parallel_loop3A_647, %get3A_24, %parallel_loop3A_661 : vector<16xf32>
        %parallel_loop3A_663 = arith.index_cast %parallel_loop3A_653 : i32 to index
        %parallel_loop3A_664 = arith.constant 16 : index
        %parallel_loop3A_665 = tpu.vector_load %arg11[%parallel_loop3A_663, %parallel_loop3A_664] {strides = array<i32>} : memref<256x64xf32, #tpu.memory_space<vmem>>, vector<16xf32>,
        %parallel_loop3A_666 = arith.addf %parallel_loop3A_665, %parallel_loop3A_662 : vector<16xf32>
        tpu.vector_store_idx %arg13[%add3A_9, %parallel_loop3A_654], %parallel_loop3A_666 : memref<64x264xf32, #tpu.memory_space<vmem>>[vector<16xi32>, vector<16xi32>], vector<16xf32>,
        %parallel_loop3A_667 = arith.select %parallel_loop3A_649, %get3A_44, %get3A_60 : vector<16xf32>
        %parallel_loop3A_668 = arith.select %parallel_loop3A_647, %get3A_28, %parallel_loop3A_667 : vector<16xf32>
        %parallel_loop3A_669 = arith.index_cast %parallel_loop3A_653 : i32 to index
        %parallel_loop3A_670 = arith.constant 32 : index
        %parallel_loop3A_671 = tpu.vector_load %arg11[%parallel_loop3A_669, %parallel_loop3A_670] {strides = array<i32>} : memref<256x64xf32, #tpu.memory_space<vmem>>, vector<16xf32>,
        %parallel_loop3A_672 = arith.addf %parallel_loop3A_671, %parallel_loop3A_668 : vector<16xf32>
        tpu.vector_store_idx %arg13[%add3A_13, %parallel_loop3A_654], %parallel_loop3A_672 : memref<64x264xf32, #tpu.memory_space<vmem>>[vector<16xi32>, vector<16xi32>], vector<16xf32>,
        %parallel_loop3A_673 = arith.select %parallel_loop3A_649, %get3A_48, %get3A_64 : vector<16xf32>
        %parallel_loop3A_674 = arith.select %parallel_loop3A_647, %get3A_32, %parallel_loop3A_673 : vector<16xf32>
        %parallel_loop3A_675 = arith.index_cast %parallel_loop3A_653 : i32 to index
        %parallel_loop3A_676 = arith.constant 48 : index
        %parallel_loop3A_677 = tpu.vector_load %arg11[%parallel_loop3A_675, %parallel_loop3A_676] {strides = array<i32>} : memref<256x64xf32, #tpu.memory_space<vmem>>, vector<16xf32>,
        %parallel_loop3A_678 = arith.addf %parallel_loop3A_677, %parallel_loop3A_674 : vector<16xf32>
        tpu.vector_store_idx %arg13[%add3A_17, %parallel_loop3A_654], %parallel_loop3A_678 : memref<64x264xf32, #tpu.memory_space<vmem>>[vector<16xi32>, vector<16xi32>], vector<16xf32>,
        %parallel_loop3A_679 = vector.extract_strided_slice %parallel_loop3A_258 {offsets = [12], sizes = [1], strides = [1]} : vector<16xi32> to vector<1xi32>
        %parallel_loop3A_680 = vector.extract %parallel_loop3A_679[0] : i32 from vector<1xi32>
        %parallel_loop3A_681 = arith.constant 0 : i32
        %parallel_loop3A_682 = arith.cmpi eq, %parallel_loop3A_680, %parallel_loop3A_681 : i32
        %parallel_loop3A_683 = arith.constant 1 : i32
        %parallel_loop3A_684 = arith.cmpi eq, %parallel_loop3A_680, %parallel_loop3A_683 : i32
        %parallel_loop3A_685 = arith.constant 16 : i32
        %parallel_loop3A_686 = arith.muli %parallel_loop3A_251, %parallel_loop3A_685 : i32
        %parallel_loop3A_687 = arith.constant 12 : i32
        %parallel_loop3A_688 = arith.addi %parallel_loop3A_686, %parallel_loop3A_687 : i32
        %parallel_loop3A_689 = vector.broadcast %parallel_loop3A_688 : i32 to vector<16xi32>
        %parallel_loop3A_690 = arith.select %parallel_loop3A_684, %get3A_36, %get3A_52 : vector<16xf32>
        %parallel_loop3A_691 = arith.select %parallel_loop3A_682, %get3A_20, %parallel_loop3A_690 : vector<16xf32>
        %parallel_loop3A_692 = arith.index_cast %parallel_loop3A_688 : i32 to index
        %parallel_loop3A_693 = arith.constant 0 : index
        %parallel_loop3A_694 = tpu.vector_load %arg11[%parallel_loop3A_692, %parallel_loop3A_693] {strides = array<i32>} : memref<256x64xf32, #tpu.memory_space<vmem>>, vector<16xf32>,
        %parallel_loop3A_695 = arith.addf %parallel_loop3A_694, %parallel_loop3A_691 : vector<16xf32>
        tpu.vector_store_idx %arg13[%add3A_5, %parallel_loop3A_689], %parallel_loop3A_695 : memref<64x264xf32, #tpu.memory_space<vmem>>[vector<16xi32>, vector<16xi32>], vector<16xf32>,
        %parallel_loop3A_696 = arith.select %parallel_loop3A_684, %get3A_40, %get3A_56 : vector<16xf32>
        %parallel_loop3A_697 = arith.select %parallel_loop3A_682, %get3A_24, %parallel_loop3A_696 : vector<16xf32>
        %parallel_loop3A_698 = arith.index_cast %parallel_loop3A_688 : i32 to index
        %parallel_loop3A_699 = arith.constant 16 : index
        %parallel_loop3A_700 = tpu.vector_load %arg11[%parallel_loop3A_698, %parallel_loop3A_699] {strides = array<i32>} : memref<256x64xf32, #tpu.memory_space<vmem>>, vector<16xf32>,
        %parallel_loop3A_701 = arith.addf %parallel_loop3A_700, %parallel_loop3A_697 : vector<16xf32>
        tpu.vector_store_idx %arg13[%add3A_9, %parallel_loop3A_689], %parallel_loop3A_701 : memref<64x264xf32, #tpu.memory_space<vmem>>[vector<16xi32>, vector<16xi32>], vector<16xf32>,
        %parallel_loop3A_702 = arith.select %parallel_loop3A_684, %get3A_44, %get3A_60 : vector<16xf32>
        %parallel_loop3A_703 = arith.select %parallel_loop3A_682, %get3A_28, %parallel_loop3A_702 : vector<16xf32>
        %parallel_loop3A_704 = arith.index_cast %parallel_loop3A_688 : i32 to index
        %parallel_loop3A_705 = arith.constant 32 : index
        %parallel_loop3A_706 = tpu.vector_load %arg11[%parallel_loop3A_704, %parallel_loop3A_705] {strides = array<i32>} : memref<256x64xf32, #tpu.memory_space<vmem>>, vector<16xf32>,
        %parallel_loop3A_707 = arith.addf %parallel_loop3A_706, %parallel_loop3A_703 : vector<16xf32>
        tpu.vector_store_idx %arg13[%add3A_13, %parallel_loop3A_689], %parallel_loop3A_707 : memref<64x264xf32, #tpu.memory_space<vmem>>[vector<16xi32>, vector<16xi32>], vector<16xf32>,
        %parallel_loop3A_708 = arith.select %parallel_loop3A_684, %get3A_48, %get3A_64 : vector<16xf32>
        %parallel_loop3A_709 = arith.select %parallel_loop3A_682, %get3A_32, %parallel_loop3A_708 : vector<16xf32>
        %parallel_loop3A_710 = arith.index_cast %parallel_loop3A_688 : i32 to index
        %parallel_loop3A_711 = arith.constant 48 : index
        %parallel_loop3A_712 = tpu.vector_load %arg11[%parallel_loop3A_710, %parallel_loop3A_711] {strides = array<i32>} : memref<256x64xf32, #tpu.memory_space<vmem>>, vector<16xf32>,
        %parallel_loop3A_713 = arith.addf %parallel_loop3A_712, %parallel_loop3A_709 : vector<16xf32>
        tpu.vector_store_idx %arg13[%add3A_17, %parallel_loop3A_689], %parallel_loop3A_713 : memref<64x264xf32, #tpu.memory_space<vmem>>[vector<16xi32>, vector<16xi32>], vector<16xf32>,
        %parallel_loop3A_714 = vector.extract_strided_slice %parallel_loop3A_258 {offsets = [13], sizes = [1], strides = [1]} : vector<16xi32> to vector<1xi32>
        %parallel_loop3A_715 = vector.extract %parallel_loop3A_714[0] : i32 from vector<1xi32>
        %parallel_loop3A_716 = arith.constant 0 : i32
        %parallel_loop3A_717 = arith.cmpi eq, %parallel_loop3A_715, %parallel_loop3A_716 : i32
        %parallel_loop3A_718 = arith.constant 1 : i32
        %parallel_loop3A_719 = arith.cmpi eq, %parallel_loop3A_715, %parallel_loop3A_718 : i32
        %parallel_loop3A_720 = arith.constant 16 : i32
        %parallel_loop3A_721 = arith.muli %parallel_loop3A_251, %parallel_loop3A_720 : i32
        %parallel_loop3A_722 = arith.constant 13 : i32
        %parallel_loop3A_723 = arith.addi %parallel_loop3A_721, %parallel_loop3A_722 : i32
        %parallel_loop3A_724 = vector.broadcast %parallel_loop3A_723 : i32 to vector<16xi32>
        %parallel_loop3A_725 = arith.select %parallel_loop3A_719, %get3A_36, %get3A_52 : vector<16xf32>
        %parallel_loop3A_726 = arith.select %parallel_loop3A_717, %get3A_20, %parallel_loop3A_725 : vector<16xf32>
        %parallel_loop3A_727 = arith.index_cast %parallel_loop3A_723 : i32 to index
        %parallel_loop3A_728 = arith.constant 0 : index
        %parallel_loop3A_729 = tpu.vector_load %arg11[%parallel_loop3A_727, %parallel_loop3A_728] {strides = array<i32>} : memref<256x64xf32, #tpu.memory_space<vmem>>, vector<16xf32>,
        %parallel_loop3A_730 = arith.addf %parallel_loop3A_729, %parallel_loop3A_726 : vector<16xf32>
        tpu.vector_store_idx %arg13[%add3A_5, %parallel_loop3A_724], %parallel_loop3A_730 : memref<64x264xf32, #tpu.memory_space<vmem>>[vector<16xi32>, vector<16xi32>], vector<16xf32>,
        %parallel_loop3A_731 = arith.select %parallel_loop3A_719, %get3A_40, %get3A_56 : vector<16xf32>
        %parallel_loop3A_732 = arith.select %parallel_loop3A_717, %get3A_24, %parallel_loop3A_731 : vector<16xf32>
        %parallel_loop3A_733 = arith.index_cast %parallel_loop3A_723 : i32 to index
        %parallel_loop3A_734 = arith.constant 16 : index
        %parallel_loop3A_735 = tpu.vector_load %arg11[%parallel_loop3A_733, %parallel_loop3A_734] {strides = array<i32>} : memref<256x64xf32, #tpu.memory_space<vmem>>, vector<16xf32>,
        %parallel_loop3A_736 = arith.addf %parallel_loop3A_735, %parallel_loop3A_732 : vector<16xf32>
        tpu.vector_store_idx %arg13[%add3A_9, %parallel_loop3A_724], %parallel_loop3A_736 : memref<64x264xf32, #tpu.memory_space<vmem>>[vector<16xi32>, vector<16xi32>], vector<16xf32>,
        %parallel_loop3A_737 = arith.select %parallel_loop3A_719, %get3A_44, %get3A_60 : vector<16xf32>
        %parallel_loop3A_738 = arith.select %parallel_loop3A_717, %get3A_28, %parallel_loop3A_737 : vector<16xf32>
        %parallel_loop3A_739 = arith.index_cast %parallel_loop3A_723 : i32 to index
        %parallel_loop3A_740 = arith.constant 32 : index
        %parallel_loop3A_741 = tpu.vector_load %arg11[%parallel_loop3A_739, %parallel_loop3A_740] {strides = array<i32>} : memref<256x64xf32, #tpu.memory_space<vmem>>, vector<16xf32>,
        %parallel_loop3A_742 = arith.addf %parallel_loop3A_741, %parallel_loop3A_738 : vector<16xf32>
        tpu.vector_store_idx %arg13[%add3A_13, %parallel_loop3A_724], %parallel_loop3A_742 : memref<64x264xf32, #tpu.memory_space<vmem>>[vector<16xi32>, vector<16xi32>], vector<16xf32>,
        %parallel_loop3A_743 = arith.select %parallel_loop3A_719, %get3A_48, %get3A_64 : vector<16xf32>
        %parallel_loop3A_744 = arith.select %parallel_loop3A_717, %get3A_32, %parallel_loop3A_743 : vector<16xf32>
        %parallel_loop3A_745 = arith.index_cast %parallel_loop3A_723 : i32 to index
        %parallel_loop3A_746 = arith.constant 48 : index
        %parallel_loop3A_747 = tpu.vector_load %arg11[%parallel_loop3A_745, %parallel_loop3A_746] {strides = array<i32>} : memref<256x64xf32, #tpu.memory_space<vmem>>, vector<16xf32>,
        %parallel_loop3A_748 = arith.addf %parallel_loop3A_747, %parallel_loop3A_744 : vector<16xf32>
        tpu.vector_store_idx %arg13[%add3A_17, %parallel_loop3A_724], %parallel_loop3A_748 : memref<64x264xf32, #tpu.memory_space<vmem>>[vector<16xi32>, vector<16xi32>], vector<16xf32>,
        %parallel_loop3A_749 = vector.extract_strided_slice %parallel_loop3A_258 {offsets = [14], sizes = [1], strides = [1]} : vector<16xi32> to vector<1xi32>
        %parallel_loop3A_750 = vector.extract %parallel_loop3A_749[0] : i32 from vector<1xi32>
        %parallel_loop3A_751 = arith.constant 0 : i32
        %parallel_loop3A_752 = arith.cmpi eq, %parallel_loop3A_750, %parallel_loop3A_751 : i32
        %parallel_loop3A_753 = arith.constant 1 : i32
        %parallel_loop3A_754 = arith.cmpi eq, %parallel_loop3A_750, %parallel_loop3A_753 : i32
        %parallel_loop3A_755 = arith.constant 16 : i32
        %parallel_loop3A_756 = arith.muli %parallel_loop3A_251, %parallel_loop3A_755 : i32
        %parallel_loop3A_757 = arith.constant 14 : i32
        %parallel_loop3A_758 = arith.addi %parallel_loop3A_756, %parallel_loop3A_757 : i32
        %parallel_loop3A_759 = vector.broadcast %parallel_loop3A_758 : i32 to vector<16xi32>
        %parallel_loop3A_760 = arith.select %parallel_loop3A_754, %get3A_36, %get3A_52 : vector<16xf32>
        %parallel_loop3A_761 = arith.select %parallel_loop3A_752, %get3A_20, %parallel_loop3A_760 : vector<16xf32>
        %parallel_loop3A_762 = arith.index_cast %parallel_loop3A_758 : i32 to index
        %parallel_loop3A_763 = arith.constant 0 : index
        %parallel_loop3A_764 = tpu.vector_load %arg11[%parallel_loop3A_762, %parallel_loop3A_763] {strides = array<i32>} : memref<256x64xf32, #tpu.memory_space<vmem>>, vector<16xf32>,
        %parallel_loop3A_765 = arith.addf %parallel_loop3A_764, %parallel_loop3A_761 : vector<16xf32>
        tpu.vector_store_idx %arg13[%add3A_5, %parallel_loop3A_759], %parallel_loop3A_765 : memref<64x264xf32, #tpu.memory_space<vmem>>[vector<16xi32>, vector<16xi32>], vector<16xf32>,
        %parallel_loop3A_766 = arith.select %parallel_loop3A_754, %get3A_40, %get3A_56 : vector<16xf32>
        %parallel_loop3A_767 = arith.select %parallel_loop3A_752, %get3A_24, %parallel_loop3A_766 : vector<16xf32>
        %parallel_loop3A_768 = arith.index_cast %parallel_loop3A_758 : i32 to index
        %parallel_loop3A_769 = arith.constant 16 : index
        %parallel_loop3A_770 = tpu.vector_load %arg11[%parallel_loop3A_768, %parallel_loop3A_769] {strides = array<i32>} : memref<256x64xf32, #tpu.memory_space<vmem>>, vector<16xf32>,
        %parallel_loop3A_771 = arith.addf %parallel_loop3A_770, %parallel_loop3A_767 : vector<16xf32>
        tpu.vector_store_idx %arg13[%add3A_9, %parallel_loop3A_759], %parallel_loop3A_771 : memref<64x264xf32, #tpu.memory_space<vmem>>[vector<16xi32>, vector<16xi32>], vector<16xf32>,
        %parallel_loop3A_772 = arith.select %parallel_loop3A_754, %get3A_44, %get3A_60 : vector<16xf32>
        %parallel_loop3A_773 = arith.select %parallel_loop3A_752, %get3A_28, %parallel_loop3A_772 : vector<16xf32>
        %parallel_loop3A_774 = arith.index_cast %parallel_loop3A_758 : i32 to index
        %parallel_loop3A_775 = arith.constant 32 : index
        %parallel_loop3A_776 = tpu.vector_load %arg11[%parallel_loop3A_774, %parallel_loop3A_775] {strides = array<i32>} : memref<256x64xf32, #tpu.memory_space<vmem>>, vector<16xf32>,
        %parallel_loop3A_777 = arith.addf %parallel_loop3A_776, %parallel_loop3A_773 : vector<16xf32>
        tpu.vector_store_idx %arg13[%add3A_13, %parallel_loop3A_759], %parallel_loop3A_777 : memref<64x264xf32, #tpu.memory_space<vmem>>[vector<16xi32>, vector<16xi32>], vector<16xf32>,
        %parallel_loop3A_778 = arith.select %parallel_loop3A_754, %get3A_48, %get3A_64 : vector<16xf32>
        %parallel_loop3A_779 = arith.select %parallel_loop3A_752, %get3A_32, %parallel_loop3A_778 : vector<16xf32>
        %parallel_loop3A_780 = arith.index_cast %parallel_loop3A_758 : i32 to index
        %parallel_loop3A_781 = arith.constant 48 : index
        %parallel_loop3A_782 = tpu.vector_load %arg11[%parallel_loop3A_780, %parallel_loop3A_781] {strides = array<i32>} : memref<256x64xf32, #tpu.memory_space<vmem>>, vector<16xf32>,
        %parallel_loop3A_783 = arith.addf %parallel_loop3A_782, %parallel_loop3A_779 : vector<16xf32>
        tpu.vector_store_idx %arg13[%add3A_17, %parallel_loop3A_759], %parallel_loop3A_783 : memref<64x264xf32, #tpu.memory_space<vmem>>[vector<16xi32>, vector<16xi32>], vector<16xf32>,
        %parallel_loop3A_784 = vector.extract_strided_slice %parallel_loop3A_258 {offsets = [15], sizes = [1], strides = [1]} : vector<16xi32> to vector<1xi32>
        %parallel_loop3A_785 = vector.extract %parallel_loop3A_784[0] : i32 from vector<1xi32>
        %parallel_loop3A_786 = arith.constant 0 : i32
        %parallel_loop3A_787 = arith.cmpi eq, %parallel_loop3A_785, %parallel_loop3A_786 : i32
        %parallel_loop3A_788 = arith.constant 1 : i32
        %parallel_loop3A_789 = arith.cmpi eq, %parallel_loop3A_785, %parallel_loop3A_788 : i32
        %parallel_loop3A_790 = arith.constant 16 : i32
        %parallel_loop3A_791 = arith.muli %parallel_loop3A_251, %parallel_loop3A_790 : i32
        %parallel_loop3A_792 = arith.constant 15 : i32
        %parallel_loop3A_793 = arith.addi %parallel_loop3A_791, %parallel_loop3A_792 : i32
        %parallel_loop3A_794 = vector.broadcast %parallel_loop3A_793 : i32 to vector<16xi32>
        %parallel_loop3A_795 = arith.select %parallel_loop3A_789, %get3A_36, %get3A_52 : vector<16xf32>
        %parallel_loop3A_796 = arith.select %parallel_loop3A_787, %get3A_20, %parallel_loop3A_795 : vector<16xf32>
        %parallel_loop3A_797 = arith.index_cast %parallel_loop3A_793 : i32 to index
        %parallel_loop3A_798 = arith.constant 0 : index
        %parallel_loop3A_799 = tpu.vector_load %arg11[%parallel_loop3A_797, %parallel_loop3A_798] {strides = array<i32>} : memref<256x64xf32, #tpu.memory_space<vmem>>, vector<16xf32>,
        %parallel_loop3A_800 = arith.addf %parallel_loop3A_799, %parallel_loop3A_796 : vector<16xf32>
        tpu.vector_store_idx %arg13[%add3A_5, %parallel_loop3A_794], %parallel_loop3A_800 : memref<64x264xf32, #tpu.memory_space<vmem>>[vector<16xi32>, vector<16xi32>], vector<16xf32>,
        %parallel_loop3A_801 = arith.select %parallel_loop3A_789, %get3A_40, %get3A_56 : vector<16xf32>
        %parallel_loop3A_802 = arith.select %parallel_loop3A_787, %get3A_24, %parallel_loop3A_801 : vector<16xf32>
        %parallel_loop3A_803 = arith.index_cast %parallel_loop3A_793 : i32 to index
        %parallel_loop3A_804 = arith.constant 16 : index
        %parallel_loop3A_805 = tpu.vector_load %arg11[%parallel_loop3A_803, %parallel_loop3A_804] {strides = array<i32>} : memref<256x64xf32, #tpu.memory_space<vmem>>, vector<16xf32>,
        %parallel_loop3A_806 = arith.addf %parallel_loop3A_805, %parallel_loop3A_802 : vector<16xf32>
        tpu.vector_store_idx %arg13[%add3A_9, %parallel_loop3A_794], %parallel_loop3A_806 : memref<64x264xf32, #tpu.memory_space<vmem>>[vector<16xi32>, vector<16xi32>], vector<16xf32>,
        %parallel_loop3A_807 = arith.select %parallel_loop3A_789, %get3A_44, %get3A_60 : vector<16xf32>
        %parallel_loop3A_808 = arith.select %parallel_loop3A_787, %get3A_28, %parallel_loop3A_807 : vector<16xf32>
        %parallel_loop3A_809 = arith.index_cast %parallel_loop3A_793 : i32 to index
        %parallel_loop3A_810 = arith.constant 32 : index
        %parallel_loop3A_811 = tpu.vector_load %arg11[%parallel_loop3A_809, %parallel_loop3A_810] {strides = array<i32>} : memref<256x64xf32, #tpu.memory_space<vmem>>, vector<16xf32>,
        %parallel_loop3A_812 = arith.addf %parallel_loop3A_811, %parallel_loop3A_808 : vector<16xf32>
        tpu.vector_store_idx %arg13[%add3A_13, %parallel_loop3A_794], %parallel_loop3A_812 : memref<64x264xf32, #tpu.memory_space<vmem>>[vector<16xi32>, vector<16xi32>], vector<16xf32>,
        %parallel_loop3A_813 = arith.select %parallel_loop3A_789, %get3A_48, %get3A_64 : vector<16xf32>
        %parallel_loop3A_814 = arith.select %parallel_loop3A_787, %get3A_32, %parallel_loop3A_813 : vector<16xf32>
        %parallel_loop3A_815 = arith.index_cast %parallel_loop3A_793 : i32 to index
        %parallel_loop3A_816 = arith.constant 48 : index
        %parallel_loop3A_817 = tpu.vector_load %arg11[%parallel_loop3A_815, %parallel_loop3A_816] {strides = array<i32>} : memref<256x64xf32, #tpu.memory_space<vmem>>, vector<16xf32>,
        %parallel_loop3A_818 = arith.addf %parallel_loop3A_817, %parallel_loop3A_814 : vector<16xf32>
        tpu.vector_store_idx %arg13[%add3A_17, %parallel_loop3A_794], %parallel_loop3A_818 : memref<64x264xf32, #tpu.memory_space<vmem>>[vector<16xi32>, vector<16xi32>], vector<16xf32>,
      } {sc.loop_unroll_factor = 2 : i64, sc.parallel_access}
      %add3A_227 = arith.constant 1 : i32
      %add3A_228 = arith.addi %scan3A_156, %add3A_227 : i32
      %min3A_229 = arith.constant 49 : i32
      %min3A_230 = arith.minsi %add3A_228, %min3A_229 : i32
      %dma_start3A_231 = arith.constant 256 : i32
      %dma_start3A_232 = tpu.memref_slice %arg7[%min3A_230, %dma_start3A_231] : memref<50x512xi32, #tpu.memory_space<vmem>> -> memref<1x256xi32, #tpu.memory_space<vmem>>
      %dma_start3A_233 = tpu.memref_squeeze %dma_start3A_232 : memref<1x256xi32, #tpu.memory_space<vmem>> -> memref<256xi32, #tpu.memory_space<vmem>>
      %dma_start3A_234 = arith.constant 0 : i32
      %dma_start3A_235 = arith.constant 0 : i32
      %dma_start3A_236 = tpu.memref_slice %arg4[%dma_start3A_234, %dma_start3A_235] : memref<100001x64xf32, #tpu.memory_space<hbm>> -> memref<100001x64xf32, #tpu.memory_space<hbm>>
      tpu.enqueue_indirect_dma source(%dma_start3A_236 : memref<100001x64xf32, #tpu.memory_space<hbm>>) target(%arg11 : memref<256x64xf32, #tpu.memory_space<vmem>>) offsets(%dma_start3A_233 : memref<256xi32, #tpu.memory_space<vmem>>) semaphore(%arg15 : memref<!tpu.dma_semaphore, #tpu.memory_space<semaphore_mem>>)
      %add3A_237 = arith.constant 256 : i32
      %add3A_238 = arith.addi %mul3A_2, %add3A_237 : i32
      %dma_start3A_239 = arith.constant 0 : i32
      %dma_start3A_240 = arith.constant 0 : i32
      %dma_start3A_241 = tpu.memref_slice %arg13[%dma_start3A_239, %dma_start3A_240] : memref<64x264xf32, #tpu.memory_space<vmem>> -> memref<64x256xf32, #tpu.memory_space<vmem>>
      %dma_start3A_242 = arith.constant 0 : i32
      %dma_start3A_243 = tpu.memref_slice %arg6[%scan3A_156, %dma_start3A_242, %add3A_238] : memref<50x64x16384xf32, #tpu.memory_space<hbm>> -> memref<1x64x256xf32, #tpu.memory_space<hbm>>
      %dma_start3A_244 = tpu.memref_squeeze %dma_start3A_243 : memref<1x64x256xf32, #tpu.memory_space<hbm>> -> memref<64x256xf32, #tpu.memory_space<hbm>>
      %dma_start3A_245 = arith.constant 0 : i32
      %dma_start3A_246 = tpu.memref_slice %arg6[%scan3A_156, %dma_start3A_245, %add3A_238] : memref<50x64x16384xf32, #tpu.memory_space<hbm>> -> memref<1x64x256xf32, #tpu.memory_space<hbm>>
      %dma_start3A_247 = tpu.memref_squeeze %dma_start3A_246 : memref<1x64x256xf32, #tpu.memory_space<hbm>> -> memref<64x256xf32, #tpu.memory_space<hbm>>
      %dma_start3A_248 = arith.constant 0 : i32
      %dma_start3A_249 = arith.constant 0 : i32
      %dma_start3A_250 = tpu.memref_slice %arg13[%dma_start3A_248, %dma_start3A_249] : memref<64x264xf32, #tpu.memory_space<vmem>> -> memref<64x256xf32, #tpu.memory_space<vmem>>
      tpu.enqueue_dma source(%dma_start3A_250 : memref<64x256xf32, #tpu.memory_space<vmem>>) target(%dma_start3A_247 : memref<64x256xf32, #tpu.memory_space<hbm>>) target_semaphore(%arg17 : memref<!tpu.dma_semaphore, #tpu.memory_space<semaphore_mem>>)
    }
    %scan3A_112 = arith.constant 50 : i32
    %add3A_113 = arith.constant 0 : i32
    %add3A_114 = arith.addi %mul3A_2, %add3A_113 : i32
    %dma_wait3A = arith.constant 49 : i32
    %dma_wait3A_115 = arith.constant 0 : i32
    %dma_wait3A_116 = arith.constant 0 : i32
    %dma_wait3A_117 = tpu.memref_slice %arg12[%dma_wait3A_115, %dma_wait3A_116] : memref<64x264xf32, #tpu.memory_space<vmem>> -> memref<64x256xf32, #tpu.memory_space<vmem>>
    %dma_wait3A_118 = arith.constant 0 : i32
    %dma_wait3A_119 = tpu.memref_slice %arg6[%dma_wait3A, %dma_wait3A_118, %add3A_114] : memref<50x64x16384xf32, #tpu.memory_space<hbm>> -> memref<1x64x256xf32, #tpu.memory_space<hbm>>
    %dma_wait3A_120 = tpu.memref_squeeze %dma_wait3A_119 : memref<1x64x256xf32, #tpu.memory_space<hbm>> -> memref<64x256xf32, #tpu.memory_space<hbm>>
    %dma_wait3A_121 = arith.constant 0 : i32
    %dma_wait3A_122 = tpu.memref_slice %arg6[%dma_wait3A, %dma_wait3A_121, %add3A_114] : memref<50x64x16384xf32, #tpu.memory_space<hbm>> -> memref<1x64x256xf32, #tpu.memory_space<hbm>>
    %dma_wait3A_123 = tpu.memref_squeeze %dma_wait3A_122 : memref<1x64x256xf32, #tpu.memory_space<hbm>> -> memref<64x256xf32, #tpu.memory_space<hbm>>
    %dma_wait3A_124 = arith.constant 0 : i32
    %dma_wait3A_125 = arith.constant 0 : i32
    %dma_wait3A_126 = tpu.memref_slice %arg12[%dma_wait3A_124, %dma_wait3A_125] : memref<64x264xf32, #tpu.memory_space<vmem>> -> memref<64x256xf32, #tpu.memory_space<vmem>>
    tpu.wait_dma2 semaphore(%arg16 : memref<!tpu.dma_semaphore, #tpu.memory_space<semaphore_mem>>) src(%dma_wait3A_126 : memref<64x256xf32, #tpu.memory_space<vmem>>) dst(%dma_wait3A_123 : memref<64x256xf32, #tpu.memory_space<hbm>>)
    %add3A_127 = arith.constant 256 : i32
    %add3A_128 = arith.addi %mul3A_2, %add3A_127 : i32
    %dma_wait3A_129 = arith.constant 49 : i32
    %dma_wait3A_130 = arith.constant 0 : i32
    %dma_wait3A_131 = arith.constant 0 : i32
    %dma_wait3A_132 = tpu.memref_slice %arg13[%dma_wait3A_130, %dma_wait3A_131] : memref<64x264xf32, #tpu.memory_space<vmem>> -> memref<64x256xf32, #tpu.memory_space<vmem>>
    %dma_wait3A_133 = arith.constant 0 : i32
    %dma_wait3A_134 = tpu.memref_slice %arg6[%dma_wait3A_129, %dma_wait3A_133, %add3A_128] : memref<50x64x16384xf32, #tpu.memory_space<hbm>> -> memref<1x64x256xf32, #tpu.memory_space<hbm>>
    %dma_wait3A_135 = tpu.memref_squeeze %dma_wait3A_134 : memref<1x64x256xf32, #tpu.memory_space<hbm>> -> memref<64x256xf32, #tpu.memory_space<hbm>>
    %dma_wait3A_136 = arith.constant 0 : i32
    %dma_wait3A_137 = tpu.memref_slice %arg6[%dma_wait3A_129, %dma_wait3A_136, %add3A_128] : memref<50x64x16384xf32, #tpu.memory_space<hbm>> -> memref<1x64x256xf32, #tpu.memory_space<hbm>>
    %dma_wait3A_138 = tpu.memref_squeeze %dma_wait3A_137 : memref<1x64x256xf32, #tpu.memory_space<hbm>> -> memref<64x256xf32, #tpu.memory_space<hbm>>
    %dma_wait3A_139 = arith.constant 0 : i32
    %dma_wait3A_140 = arith.constant 0 : i32
    %dma_wait3A_141 = tpu.memref_slice %arg13[%dma_wait3A_139, %dma_wait3A_140] : memref<64x264xf32, #tpu.memory_space<vmem>> -> memref<64x256xf32, #tpu.memory_space<vmem>>
    tpu.wait_dma2 semaphore(%arg17 : memref<!tpu.dma_semaphore, #tpu.memory_space<semaphore_mem>>) src(%dma_wait3A_141 : memref<64x256xf32, #tpu.memory_space<vmem>>) dst(%dma_wait3A_138 : memref<64x256xf32, #tpu.memory_space<hbm>>)
    %dma_wait3A_142 = arith.constant 49 : i32
    %dma_wait3A_143 = arith.constant 0 : i32
    %dma_wait3A_144 = tpu.memref_slice %arg7[%dma_wait3A_142, %dma_wait3A_143] : memref<50x512xi32, #tpu.memory_space<vmem>> -> memref<1x256xi32, #tpu.memory_space<vmem>>
    %dma_wait3A_145 = tpu.memref_squeeze %dma_wait3A_144 : memref<1x256xi32, #tpu.memory_space<vmem>> -> memref<256xi32, #tpu.memory_space<vmem>>
    %dma_wait3A_146 = arith.constant 0 : i32
    %dma_wait3A_147 = arith.constant 0 : i32
    %dma_wait3A_148 = tpu.memref_slice %arg4[%dma_wait3A_146, %dma_wait3A_147] : memref<100001x64xf32, #tpu.memory_space<hbm>> -> memref<100001x64xf32, #tpu.memory_space<hbm>>
    tpu.wait_indirect_dma semaphore(%arg14 : memref<!tpu.dma_semaphore, #tpu.memory_space<semaphore_mem>>) src(%dma_wait3A_148 : memref<100001x64xf32, #tpu.memory_space<hbm>>) dst(%arg10 : memref<256x64xf32, #tpu.memory_space<vmem>>)
    %dma_wait3A_149 = arith.constant 49 : i32
    %dma_wait3A_150 = arith.constant 256 : i32
    %dma_wait3A_151 = tpu.memref_slice %arg7[%dma_wait3A_149, %dma_wait3A_150] : memref<50x512xi32, #tpu.memory_space<vmem>> -> memref<1x256xi32, #tpu.memory_space<vmem>>
    %dma_wait3A_152 = tpu.memref_squeeze %dma_wait3A_151 : memref<1x256xi32, #tpu.memory_space<vmem>> -> memref<256xi32, #tpu.memory_space<vmem>>
    %dma_wait3A_153 = arith.constant 0 : i32
    %dma_wait3A_154 = arith.constant 0 : i32
    %dma_wait3A_155 = tpu.memref_slice %arg4[%dma_wait3A_153, %dma_wait3A_154] : memref<100001x64xf32, #tpu.memory_space<hbm>> -> memref<100001x64xf32, #tpu.memory_space<hbm>>
    tpu.wait_indirect_dma semaphore(%arg15 : memref<!tpu.dma_semaphore, #tpu.memory_space<semaphore_mem>>) src(%dma_wait3A_155 : memref<100001x64xf32, #tpu.memory_space<hbm>>) dst(%arg11 : memref<256x64xf32, #tpu.memory_space<vmem>>)
    return
  }
}

</mosaic_0001>

<sc_bundles>
// kernel: kernel.3.cloned.1.call-start
scs
__scs_entry_jumppad:
0x0: {  	(pc) =	sbr.rel $0x88, $3  }
0x1: {  	(tag) =	ssettag $0x0;
	lr =	simm.s32 $0x1  }
0x2: {  	[smem:$0x3F9D] =	sst lr;
	_ =	strace $0xD0000000  }
0x3: {  	_ = 	snop  }
0x4: {  	_ = 	snop  }
0x5: {  	_ = 	snop  }
0x6: {  	_ = 	snop  }
0x7: {  	_ = 	snop  }
__scs_overlays_trampoline_lowered:
0x8: {  	[smem:$0x3FAC] =	sst s0  }
0x9: {  	[smem:$0x3FAD] =	sst s1  }
0xa: {  	[smem:$0x3FAE] =	sst s2  }
0xb: {  	[smem:$0x3FAF] =	sst s3  }
0xc: {  	[smem:$0x3FB0] =	sst s4  }
0xd: {  	[smem:$0x3FB1] =	sst s5  }
0xe: {  	[smem:$0x3FB2] =	sst s6  }
0xf: {  	[smem:$0x3FB3] =	sst s7  }
0x10: {  	[smem:$0x3FB4] =	sst s8  }
0x11: {  	[smem:$0x3FB5] =	sst s9;
	s0 =	simm.s32 @!p0 $0x0  }
0x12: {  	s1 =	sld [smem:$0x3F9B];
	s0 =	simm.s32 @p0 $0x1  }
0x13: {  	[smem:$0x3FB6] =	sst s0;
	s0 =	simm.s32 @!p1 $0x0  }
0x14: {  	s2 =	sld [smem:$0x3F9A];
	s0 =	simm.s32 @p1 $0x1  }
0x15: {  	[smem:$0x3FB7] =	sst s0;
	s0 =	simm.s32 @!p2 $0x0  }
0x16: {  	s3 =	sld [smem:$0x3FDB];
	s0 =	simm.s32 @p2 $0x1  }
0x17: {  	s4 =	simm.s32 $0x1BF5;
	[smem:$0x3FB9] =	sst s0  }
0x18: {  	s0 =	sld [smem:$0x3F9C];
	_ =	swait.ge [sflag:s4], $0x0  }
0x19: {  	s7 =	sld [smem:$0x3F9D]  }
0x1a: {  	s8 =	sadd.s32 $0xFFFFE003, lr  }
0x1b: {  	s9 =	sadd.s32 $0xFFFFFEF7, lr;
	s5 =	simm.s32 $0xFFFFFFFF;
	p2 =	slt.u32 s8, $0xFFFFF086  }
0x1c: {  	p1 =	slt.u32 s9, $0xF7A;
	s5 =	simm.s32 @!p2 $0x0  }
0x1d: {  	s5 =	simm.s32 @p1 $0x1;
	p0 =	seq.s32 s7, s2  }
0x1e: {  	s7 =	smul.u32 @!p0 $0xF7A, s2;
	p2 =	seq.s32 @!p0 s5, $0x0  }
0x1f: {  	s9 =	smul.u32 $0xF7A, s1;
	s8 =	simm.s32 @!p0 $0x1BF5;
	p2 =	por !p2, p0  }
0x20: {  	[sflag:s8] =	ssyncset.s32 @!p0 $0xFFFFF086;
	s6 =	sadd.s32 @!p0 s3, s7;
	s7 =	simm.s32 @!p0 $0x108  }
0x21: {  	s3 =	sadd.s32 s3, s9;
	s6 =	sadd.s32 @!p0 $0x88, s6;
	s7 =	simm.s32 @p2 $0x1082  }
0x22: {  	[simem:s7], [sflag:s8] =	dma.local @!p0 [hbm:s6], $0xF7A  }
0x23: {  	s9 =	sor.u32 $0xD0000000, s2;
	s6 =	simm.s32 $0x108;
	_ =	swait.ge @!p0 [sflag:s8], $0x0  }
0x24: {  	s3 =	sadd.s32 $0x88, s3;
	s6 =	simm.s32 @!p1 $0x1082;
	[sflag:s4] =	ssyncset.s32 $0xFFFFF086  }
0x25: {  	[simem:s6], [sflag:s4] =	dma.local [hbm:s3], $0xF7A  }
0x26: {  	[smem:$0x3F9D] =	sst s1;
	(tag) =	ssettag s2;
	_ =	strace s9  }
0x27: {  	s1 =	sld [smem:$0x3FAD]  }
0x28: {  	s2 =	sld [smem:$0x3FAE]  }
0x29: {  	s4 =	sld [smem:$0x3FB0]  }
0x2a: {  	p0 =	seq.s32 s5, $0x0;
	s5 =	sld [smem:$0x3FB1]  }
0x2b: {  	s6 =	sld [smem:$0x3FB2]  }
0x2c: {  	s7 =	sld [smem:$0x3FB3]  }
0x2d: {  	s3 =	simm.s32 $0x108;
	s8 =	sld [smem:$0x3FB4]  }
0x2e: {  	s3 =	simm.s32 @!p0 $0x1082;
	s9 =	sld [smem:$0x3FB5]  }
0x2f: {  	lr =	sadd.s32 s0, s3;
	s0 =	sld [smem:$0x3FAC]  }
0x30: {  	s3 =	sld [smem:$0x3FAF]  }
0x31: {  	[smem:$0x3FB8] =	sst s10  }
0x32: {  	s10 =	sld [smem:$0x3FB6];
	_ =	sdelay $0x3  }
0x33: {  	p0 =	seq.s32 s10, $0x1;
	s10 =	sld [smem:$0x3FB8];
	_ =	sdelay $0x3  }
0x34: {  	[smem:$0x3FB8] =	sst s10  }
0x35: {  	s10 =	sld [smem:$0x3FB7];
	_ =	sdelay $0x3  }
0x36: {  	p1 =	seq.s32 s10, $0x1;
	s10 =	sld [smem:$0x3FB8];
	_ =	sdelay $0x3  }
0x37: {  	[smem:$0x3FB8] =	sst s10  }
0x38: {  	s10 =	sld [smem:$0x3FB9]  }
0x39: {  	_ = 	snop;
	(pc) =	sbr.ind lr, $3  }
0x3a: {  	_ = 	snop  }
0x3b: {  	_ = 	snop  }
0x3c: {  	p2 =	seq.s32 s10, $0x1;
	s10 =	sld [smem:$0x3FB8]  }
0x3d: {  	_ =	shalt  }
0x3e: {  	_ =	shalt  }
0x3f: {  	_ =	shalt  }
0x40: {  	_ =	shalt  }
0x41: {  	_ =	shalt  }
0x42: {  	_ =	shalt  }
0x43: {  	_ =	shalt  }
0x44: {  	_ =	shalt  }
0x45: {  	_ =	shalt  }
0x46: {  	_ =	shalt  }
0x47: {  	_ =	shalt  }
0x48: {  	_ =	shalt  }
0x49: {  	_ =	shalt  }
0x4a: {  	_ =	shalt  }
0x4b: {  	_ =	shalt  }
0x4c: {  	_ =	shalt  }
0x4d: {  	_ =	shalt  }
0x4e: {  	_ =	shalt  }
0x4f: {  	_ =	shalt  }
0x50: {  	_ =	shalt  }
0x51: {  	_ =	shalt  }
0x52: {  	_ =	shalt  }
0x53: {  	_ =	shalt  }
0x54: {  	_ =	shalt  }
0x55: {  	_ =	shalt  }
0x56: {  	_ =	shalt  }
0x57: {  	_ =	shalt  }
0x58: {  	_ =	shalt  }
0x59: {  	_ =	shalt  }
0x5a: {  	_ =	shalt  }
0x5b: {  	_ =	shalt  }
0x5c: {  	_ =	shalt  }
0x5d: {  	_ =	shalt  }
0x5e: {  	_ =	shalt  }
0x5f: {  	_ =	shalt  }
0x60: {  	_ =	shalt  }
0x61: {  	_ =	shalt  }
0x62: {  	_ =	shalt  }
0x63: {  	_ =	shalt  }
0x64: {  	_ =	shalt  }
0x65: {  	_ =	shalt  }
0x66: {  	_ =	shalt  }
0x67: {  	_ =	shalt  }
0x68: {  	_ =	shalt  }
0x69: {  	_ =	shalt  }
0x6a: {  	_ =	shalt  }
0x6b: {  	_ =	shalt  }
0x6c: {  	_ =	shalt  }
0x6d: {  	_ =	shalt  }
0x6e: {  	_ =	shalt  }
0x6f: {  	_ =	shalt  }
0x70: {  	_ =	shalt  }
0x71: {  	_ =	shalt  }
0x72: {  	_ =	shalt  }
0x73: {  	_ =	shalt  }
0x74: {  	_ =	shalt  }
0x75: {  	_ =	shalt  }
0x76: {  	_ =	shalt  }
0x77: {  	_ =	shalt  }
0x78: {  	_ =	shalt  }
0x79: {  	_ =	shalt  }
0x7a: {  	_ =	shalt  }
0x7b: {  	_ =	shalt  }
0x7c: {  	_ =	shalt  }
0x7d: {  	_ =	shalt  }
0x7e: {  	_ =	shalt  }
0x7f: {  	_ =	shalt  }
0x80: {  	_ =	shalt  }
0x81: {  	_ =	shalt  }
0x82: {  	_ =	shalt  }
0x83: {  	_ =	shalt  }
0x84: {  	_ =	shalt  }
0x85: {  	_ =	shalt  }
0x86: {  	_ =	shalt  }
0x87: {  	_ =	shalt  }
.Lfunc_end0:
.L_simem_size_0:
called_computation_lowered:
.L_overlay_start_0:
0x88: {  	s2 =	sld [smem:$0x3FD9]  }
0x89: {  	s3 =	sld [smem:$0x3FFE];
	_ =	sdelay $0x1  }
0x8a: {  	s1 =	srdreg.scid  }
0x8b: {  	s0 =	sand.u32 $0x1, s1  }
0x8c: {  	s16 =	sshll.u32 s0, $0xA;
	s2 =	sadd.s32 s3, s2  }
0x8d: {  	s2 =	sadd.s32 s2, s16  }
0x8e: {  	[smem:$0x3FC4] =	sst s2  }
0x8f: {  	_ = 	snop  }
0x90: {  	(tm) =	ssettm $0x1  }
0x91: {  	s17 =	sld [smem:$0x3FFB];
	_ =	sdelay $0x3  }
0x92: {  	_ =	strace s17  }
0x93: {  	s2 =	sld [smem:$0x3FFC];
	_ =	sdelay $0x3  }
0x94: {  	_ =	strace s2  }
0x95: {  	s2 =	sld [smem:$0x3FFD];
	_ =	sdelay $0x3  }
0x96: {  	_ =	strace s2  }
0x97: {  	_ =	strace $0x8FFFFFFF  }
0x98: {  	s18 =	sld [smem:$0x3FDB];
	_ =	sdelay $0x1  }
0x99: {  	s19 =	simm.s32 $_scs_section_size  }
0x9a: {  	s4 =	simm.s32 $_size__tile_overlayer_lowered;
	s5 =	simm.s32 $_tile_overlayer_lowered  }
0x9b: {  	s22 =	simm.s32 $0x1BFF;
	s21 =	sshll.u32 s5, $0x1;
	s2 =	sadd.s32 s19, s18  }
0x9c: {  	s6 =	simm.s32 $0x0;
	s20 =	sshll.u32 s4, $0x1;
	s4 =	sadd.s32 s21, s2  }
0x9d: {  	[timem:s6], [sflag:s22] =	dma.local [hbm:s4], s20  }
0x9e: {  	_ =	swait.ge [sflag:s22], s20  }
0x9f: {  	s3 =	ssub.s32 $0x0, s20;
	[sflag:s22] =	ssyncset.done $0x0  }
0xa0: {  	[sflag:s22] =	ssyncadd.s32 s3;
	_ =	sdelay $0x1  }
0xa1: {  	s23 =	simm.s32 $0x1B8B  }
0xa2: {  	_ =	swait.ge [sflag:s23], $0x1  }
0xa3: {  	[sflag:s23] =	ssyncset.done $0x0  }
0xa4: {  	s25 =	simm.s32 $0x1B8E;
	s24 =	sld [smem:$0x3FFE];
	[sflag:s23] =	ssyncadd.s32 $0xFFFFFFFF  }
0xa5: {  	s26 =	simm.s32 $execute0_lowered;
	[smem:$0x3FD2] =	sst s25  }
0xa6: {  	s4 =	sshll.u32 s26, $0x1;
	_ =	strace $0x80000046;
	[dreg:$0x1] =	wrdreg $0xFFFFFFFF  }
0xa7: {  	s28 =	simm.s32 $_size_execute0_lowered;
	s2 =	sadd.s32 s2, s4;
	[dreg:$0x0] =	wrdreg $0x0  }
0xa8: {  	s4 =	sshll.u32 s28, $0x1;
	[dreg:$0x2] =	wrdreg s2  }
0xa9: {  	[dreg:$0x3] =	wrdreg s4  }
0xaa: {  	[dreg:$0x4] =	wrdreg $0xC0  }
0xab: {  	_ =	task [dreg:s6], $0x5FFFF  }
0xac: {  	[dreg:$0x1] =	wrdreg $0xFFFFFFFF  }
0xad: {  	[dreg:$0x0] =	wrdreg $0x60  }
0xae: {  	[dreg:$0x2] =	wrdreg s24  }
0xaf: {  	[dreg:$0x3] =	wrdreg $0x9  }
0xb0: {  	_ =	task.clear_ibuf [dreg:s6], $0x4FFFF;
	_ =	strace $0x90000046  }
0xb1: {  	s29 =	simm.s32 $0x9;
	_ =	strace $0x80000048  }
0xb2: {  	_ =	swait.ge [sflag:s29], $0x1  }
0xb3: {  	[sflag:s29] =	ssyncadd.s32 $0xFFFFFFFF  }
0xb4: {  	_ =	strace $0x90000048  }
0xb5: {  	_ =	sfence  }
0xb6: {  	s30 =	sld [smem:$0x0];
	_ =	sdelay $0x2  }
0xb7: {  	s31 =	sshll.u32 s1, $0xD;
	s1 =	sshrl.u32 s1, $0x2  }
0xb8: {  	s3 =	sand.u32 $0x4000, s31;
	s1 =	sadd.s32 s1, s30  }
0xb9: {  	s0 =	sor.u32 s3, s0;
	s1 =	sshll.u32 s1, $0x11  }
0xba: {  	s0 =	sor.u32 s1, s0  }
0xbb: {  	s0 =	sadd.s32 $0x8F2B, s0  }
0xbc: {  	[sflag:s0] =	ssyncadd.remote.s32 $0x1  }
0xbd: {  	_ =	sfence.sel $0xFFFF  }
0xbe: {  	[dreg:$0x0] =	wrdreg $0xFFFFFFFF;
	(pc) =	sbr.abs _section_cstart, $3  }
0xbf: {  	[dreg:$0x1] =	wrdreg $0xFFFFFFFF  }
0xc0: {  	_ =	task.clear_ibuf [dreg:s6], $0x2FFFF;
	_ =	strace $0x9FFFFFFF  }
0xc1: {  	(tm) =	ssettm $0x7FFFFFFF  }
tec
execute0_lowered:
.L_overlay_start_1:
0x0: {  	(tag) =	ssettag $0x1  }
0x1: {  	v0 =	vlaneseq.u32  }
0x2: {  	s0 =	rddreg [dreg:$0x0];
	v0 =	vmul.u32 $0x108, v0  }
0x3: {  	s1 =	srdreg.scid;
	s3 =	stileid.u32;
	v1 =	vimm.s32 $0x0;
	vm0 =	vcmask $0x300  }
0x4: {  	s2 =	simm.s32 $0x0;
	s1 =	sand.u32 $0x1, s1;
	s3 =	sshll.u32 s3, $0xA;
	v1 =	vsel vm0, $0x3, v1;
	v2 =	vadd.s32 $0x1080, v0  }
0x5: {  	[smem:$0x7FF] =	sst s2;
	s6 =	sadd.s32 $0x400, s0;
	s4 =	sshll.u32 s1, $0x9;
	v3 =	vadd.s32 $0x2100, v0;
	v4 =	vadd.s32 $0x3180, v0;
	v5 =	vor.u32 $0x1, v0  }
0x6: {  	_ =	strace $0x80000047;
	s1 =	ssub.s32 $0x2, s1;
	[dreg:$0x3] =	wrdreg s6;
	v6 =	vadd.s32 $0x1081, v0;
	v7 =	vadd.s32 $0x2101, v0;
	v8 =	vadd.s32 $0x3181, v0  }
0x7: {  	s6 =	sadd.s32 $0xF5C00, s0;
	s3 =	sor.u32 s4, s3;
	s7 =	sshrl.u32 s1, $0x1;
	v9 =	vor.u32 $0x2, v0;
	v10 =	vadd.s32 $0x1082, v0;
	v11 =	vadd.s32 $0x2102, v0  }
0x8: {  	v12 =	vadd.s32 $0x3182, v0;
	v13 =	vor.u32 $0x3, v0;
	v14 =	vadd.s32 $0x1083, v0;
	[dreg:$0x2] =	wrdreg s3;
	s3 =	sshrl.u32 s3, $0x3;
	s28 =	ssub.s32 s1, s7  }
0x9: {  	s4 =	sadd.s32 $0x32600, s0;
	v15 =	vadd.s32 $0x2103, v0;
	v16 =	vadd.s32 $0x3183, v0;
	v17 =	vor.u32 $0x4, v0;
	s5 =	sadd.s32 s3, s0;
	s0 =	smax.u32 s28, $0x1  }
0xa: {  	v18 =	vadd.s32 $0x1084, v0;
	v19 =	vadd.s32 $0x2104, v0;
	v20 =	vadd.s32 $0x3184, v0;
	s29 =	sadd.s32 $0x600, s5;
	[dreg:$0x8] =	wrdreg s0  }
0xb: {  	v21 =	vor.u32 $0x5, v0;
	v22 =	vadd.s32 $0x1085, v0;
	v23 =	vadd.s32 $0x2105, v0;
	s31 =	sadd.s32 s3, s6;
	s30 =	sadd.s32 $0x19600, s5;
	[dreg:$0x4] =	wrdreg s29  }
0xc: {  	s23 =	simm.s32 $0x100;
	v24 =	vadd.s32 $0x3185, v0;
	v25 =	vor.u32 $0x6, v0;
	v26 =	vadd.s32 $0x1086, v0;
	s3 =	sadd.s32 $0x620000, s31;
	[dreg:$0x5] =	wrdreg s30  }
0xd: {  	s22 =	simm.s32 $0x148C0;
	v27 =	vadd.s32 $0x2106, v0;
	v28 =	vadd.s32 $0x3186, v0;
	v29 =	vor.u32 $0x7, v0;
	s1 =	sadd.s32 $0x620020, s31;
	[dreg:$0x6] =	wrdreg s3  }
0xe: {  	s25 =	simm.s32 $0x18AC0;
	v30 =	vadd.s32 $0x1087, v0;
	v31 =	vadd.s32 $0x2107, v0;
	v32 =	vadd.s32 $0x3187, v0;
	[dreg:$0x7] =	wrdreg s1;
	s3 =	simm.s32 $0x0  }
.LBB2_1:
0xf: {  	[dreg:$0x9] =	wrdreg s3  }
0x10: {  	s0 =	rddreg [dreg:$0x4]  }
0x11: {  	s1 =	simm.s32 $0x200;
	s21 =	simm.s32 $0x4000;
	s5 =	simm.s32 $0x5  }
0x12: {  	[tilespmem:s2], [sflag:$0x5] =	stream.strided.gather [hbm4b:s0+s1], $0x6400, s21, s1, $0x38;
	[tilespmem:$0x1CCC0] =	vst v63  }
0x13: {  	_ =	swait.ge [sflag:s5], $0x6400  }
0x14: {  	[sflag:s5] =	ssyncset.done $0x0  }
0x15: {  	s7 =	simm.s32 $0x6400;
	s24 =	rddreg [dreg:$0x5];
	[sflag:s5] =	ssyncadd.s32 $0xFFFF9C00  }
0x16: {  	[tilespmem:s7], [sflag:$0x5] =	stream.strided.gather [hbm4b:s24+s1], $0x6400, s21, s1, $0x38;
	[tilespmem:$0x1CCC0] =	vst v63  }
0x17: {  	_ =	swait.ge [sflag:s5], $0x6400  }
0x18: {  	[sflag:s5] =	ssyncset.done $0x0  }
0x19: {  	s28 =	simm.s32 $0xC800;
	s26 =	rddreg [dreg:$0x3];
	[sflag:s5] =	ssyncadd.s32 $0xFFFF9C00  }
0x1a: {  	[tilespmem:s28], [sflag:$0x5] =	stream.linear.gather [hbm4b:s26+s2], $0xC0, $0x38;
	[tilespmem:$0x1CCC0] =	vst v63  }
0x1b: {  	_ =	swait.ge [sflag:s5], $0xC0  }
0x1c: {  	[sflag:s5] =	ssyncset.done $0x0  }
0x1d: {  	[sflag:s5] =	ssyncadd.s32 $0xFFFFFF40  }
0x1e: {  	v33 =	vld [tilespmem:$0xC800]  }
0x1f: {  	v34 =	vld [tilespmem:$0xC810]  }
0x20: {  	v35 =	vld [tilespmem:$0xC820]  }
0x21: {  	v36 =	vld [tilespmem:$0xC830]  }
0x22: {  	v37 =	vld [tilespmem:$0xC840]  }
0x23: {  	v38 =	vld [tilespmem:$0xC850]  }
0x24: {  	v39 =	vld [tilespmem:$0xC860]  }
0x25: {  	v40 =	vld [tilespmem:$0xC870]  }
0x26: {  	v41 =	vld [tilespmem:$0xC880]  }
0x27: {  	v42 =	vld [tilespmem:$0xC890]  }
0x28: {  	s29 =	simm.s32 $0xC8C0;
	v43 =	vld [tilespmem:$0xC8A0]  }
0x29: {  	v44 =	vld [tilespmem:$0xC8B0];
	[tilespmem:s29], [sflag:$0x1] =	stream.indirect.gather [hbm4b:s4+s23], $0x40, s2, s23, $0xb8  }
0x2a: {  	s30 =	simm.s32 $0x108C0  }
0x2b: {  	[tilespmem:s30], [sflag:$0x2] =	stream.indirect.gather [hbm4b:s4+s23], $0x40, s23, s23, $0xb8;
	[tilespmem:$0x1CCC0] =	vst v63  }
0x2c: {  	s31 =	simm.s32 $0x148C0;
	s0 =	simm.s32 $0x420;
	s1 =	rddreg [dreg:$0x6]  }
0x2d: {  	[hbm4b:s1+s2] =	stream.linear.scatter [tilespmem:s31], [sflag:$0x3], $0x100, $0x38;
	[tilespmem:$0x1CCC0] =	vst v63  }
.LBB2_2:
0x2e: {  	p0 =	sne.s32 s0, $0x103E0  }
.Ltmp0:
0x2f: {  	_ = 	snop;
	(pc) =	sbr.rel @p0 .LBB2_2-.Ltmp0, $4  }
0x30: {  	_ = 	snop  }
0x31: {  	s3 =	sshra.s32 s0, $0x2;
	s0 =	sadd.s32 $0x420, s0  }
0x32: {  	s1 =	sadd.s32 $0x800, s1;
	s3 =	sadd.s32 $0x148C0, s3  }
0x33: {  	[hbm4b:s1+s2] =	stream.linear.scatter [tilespmem:s3], [sflag:$0x3], $0x100, $0x38;
	[tilespmem:$0x1CCC0] =	vst v63  }
0x34: {  	s30 =	simm.s32 $0x0;
	s0 =	simm.s32 $0x0;
	s1 =	rddreg [dreg:$0x7]  }
.LBB2_4:
0x35: {  	p0 =	seq.s32 s0, $0x103E0  }
.Ltmp1:
0x36: {  	_ = 	snop;
	(pc) =	sbr.rel @!p0 .LBB2_4-.Ltmp1, $4  }
0x37: {  	s3 =	sshra.s32 s0, $0x2  }
0x38: {  	s3 =	sadd.s32 $0x18AC0, s3  }
0x39: {  	[hbm4b:s1+s30] =	stream.linear.scatter [tilespmem:s3], [sflag:$0x4], $0x100, $0x38;
	[tilespmem:$0x1CCC0] =	vst v63  }
0x3a: {  	s0 =	sadd.s32 $0x420, s0;
	s1 =	sadd.s32 $0x800, s1  }
0x3b: {  	s28 =	simm.s32 $0x6410;
	s12 =	simm.s32 $0x6510  }
.LBB2_7:
0x3c: {  	s0 =	simm.s32 $0x1  }
0x3d: {  	_ =	swait.ge [sflag:s0], $0x4000  }
0x3e: {  	[sflag:s0] =	ssyncset.done $0x0  }
0x3f: {  	s31 =	simm.s32 $0x3;
	[sflag:s0] =	ssyncadd.s32 $0xFFFFC000  }
0x40: {  	s1 =	simm.s32 $0x1F;
	_ =	swait.ge [sflag:s31], $0x4000  }
0x41: {  	s15 =	simm.s32 $0xCCC0;
	s16 =	smov.u32 s28;
	[sflag:s31] =	ssyncset.done $0x0  }
0x42: {  	s0 =	smov.u32 s30;
	s30 =	simm.s32 $0xFFFFFFFE;
	[sflag:s31] =	ssyncadd.s32 $0xFFFFC000  }
.LBB2_8:
0x43: {  	v46 =	vld [tilespmem:s16+$0xFFFFFFF0];
	_ =	sdelay $0x4  }
0x44: {  	(v2sf) =	vpush v46, $0x0  }
0x45: {  	(v2sf) =	vpush v46, $0x1  }
0x46: {  	(v2sf) =	vpush v46, $0x2  }
0x47: {  	(v2sf) =	vpush v46, $0x3  }
0x48: {  	(v2sf) =	vpush v46, $0x4  }
0x49: {  	(v2sf) =	vpush v46, $0x5  }
0x4a: {  	(v2sf) =	vpush v46, $0x6  }
0x4b: {  	(v2sf) =	vpush v46, $0x7  }
0x4c: {  	(v2sf) =	vpush v46, $0x8  }
0x4d: {  	(v2sf) =	vpush v46, $0x9  }
0x4e: {  	(v2sf) =	vpush v46, $0xA  }
0x4f: {  	v45 =	vld [tilespmem:s16+$0x0];
	(v2sf) =	vpush v46, $0xB  }
0x50: {  	(v2sf) =	vpush v46, $0xC  }
0x51: {  	(v2sf) =	vpush v46, $0xD  }
0x52: {  	(v2sf) =	vpush v46, $0xE  }
0x53: {  	s21 =	spop (v2sf);
	(v2sf) =	vpush v46, $0xF  }
0x54: {  	s20 =	spop (v2sf);
	(v2sf) =	vpush v45, $0x0  }
0x55: {  	s17 =	spop (v2sf)  }
0x56: {  	s3 =	spop (v2sf)  }
0x57: {  	s19 =	spop (v2sf)  }
0x58: {  	s18 =	spop (v2sf)  }
0x59: {  	s26 =	spop (v2sf)  }
0x5a: {  	s14 =	spop (v2sf)  }
0x5b: {  	s9 =	spop (v2sf)  }
0x5c: {  	s10 =	spop (v2sf)  }
0x5d: {  	s5 =	sadd.s32 $0xFFFFFFE1, s1;
	s11 =	spop (v2sf)  }
0x5e: {  	s29 =	sadd.s32 $0xFFFFFFF1, s1;
	v58 =	vmov s5;
	s8 =	spop (v2sf)  }
0x5f: {  	v47 =	vmov s29;
	v46 =	vshrl.u32 v58, $0x3;
	s7 =	spop (v2sf)  }
0x60: {  	v47 =	vshrl.u32 v47, $0x3;
	v46 =	vshll.u32 v46, v1;
	s5 =	spop (v2sf)  }
0x61: {  	v48 =	vld [tilespmem:s15+$0xFFFFFC00];
	v47 =	vshll.u32 v47, v1;
	v46 =	vbroadcast v46, $0x0;
	s13 =	spop (v2sf)  }
0x62: {  	v49 =	vld [tilespmem:s15+$0x0];
	v47 =	vbroadcast v47, $0x0;
	s29 =	spop (v2sf)  }
0x63: {  	p0 =	seq.s32 s21, $0x1;
	v50 =	vadd.s32 v0, v46;
	s31 =	spop (v2sf)  }
0x64: {  	v52 =	vadd.s32 v0, v47;
	p1 =	seq.s32 s21, $0x0;
	v51 =	vpsel p0, v37, v41;
	p3 =	seq.s32 s31, $0x1  }
0x65: {  	v51 =	vpsel p1, v33, v51;
	p2 =	seq.s32 s31, $0x0;
	v53 =	vpsel p3, v37, v41  }
0x66: {  	v48 =	vadd.f32 v51, v48;
	v59 =	vpsel p2, v33, v53  }
0x67: {  	v49 =	vadd.f32 v59, v49  }
0x68: {  	[tilespmem:v50+s22+$0x0] =	vst.idx.msk $0xffff, v48  }
0x69: {  	v48 =	vld [tilespmem:s15+$0xFFFFFC10];
	[tilespmem:v52+s22+$0x0] =	vst.idx.msk $0xffff, v49  }
0x6a: {  	v49 =	vld [tilespmem:s15+$0x10]  }
0x6b: {  	v60 =	vadd.s32 v2, v46  }
0x6c: {  	v62 =	vadd.s32 v2, v47;
	v61 =	vpsel p0, v38, v42  }
0x6d: {  	v51 =	vpsel p1, v34, v61;
	v63 =	vpsel p3, v38, v42  }
0x6e: {  	v48 =	vadd.f32 v51, v48;
	v56 =	vpsel p2, v34, v63  }
0x6f: {  	v49 =	vadd.f32 v56, v49  }
0x70: {  	[tilespmem:v60+s22+$0x0] =	vst.idx.msk $0xffff, v48  }
0x71: {  	v48 =	vld [tilespmem:s15+$0xFFFFFC20];
	[tilespmem:v62+s22+$0x0] =	vst.idx.msk $0xffff, v49  }
0x72: {  	v49 =	vld [tilespmem:s15+$0x20]  }
0x73: {  	v57 =	vadd.s32 v3, v46  }
0x74: {  	v58 =	vpsel p0, v39, v43;
	(v2sf) =	vpush v45, $0x1;
	v59 =	vadd.s32 v3, v47  }
0x75: {  	v51 =	vpsel p1, v35, v58;
	v60 =	vpsel p3, v39, v43  }
0x76: {  	v61 =	vpsel p2, v35, v60;
	v48 =	vadd.f32 v48, v51  }
0x77: {  	v49 =	vadd.f32 v49, v61  }
0x78: {  	[tilespmem:v57+s22+$0x0] =	vst.idx.msk $0xffff, v48  }
0x79: {  	v48 =	vld [tilespmem:s15+$0xFFFFFC30];
	[tilespmem:v59+s22+$0x0] =	vst.idx.msk $0xffff, v49  }
0x7a: {  	v49 =	vld [tilespmem:s15+$0x30]  }
0x7b: {  	v46 =	vadd.s32 v4, v46  }
0x7c: {  	v47 =	vadd.s32 v4, v47;
	v62 =	vpsel p0, v40, v44  }
0x7d: {  	s31 =	sadd.s32 $0xFFFFFFE2, s1;
	v63 =	vpsel p3, v40, v44;
	v50 =	vpsel p1, v36, v62  }
0x7e: {  	s24 =	sadd.s32 $0xFFFFFFF2, s1;
	v54 =	vmov s31;
	v51 =	vpsel p2, v36, v63;
	v48 =	vadd.f32 v48, v50  }
0x7f: {  	v55 =	vmov s24;
	v50 =	vshrl.u32 v54, $0x3;
	v49 =	vadd.f32 v49, v51  }
0x80: {  	v57 =	vshrl.u32 v55, $0x3;
	v56 =	vshll.u32 v50, v1;
	[tilespmem:v46+s22+$0x0] =	vst.idx.msk $0xffff, v48  }
0x81: {  	v46 =	vbroadcast v56, $0x0;
	v58 =	vld [tilespmem:s15+$0xFFFFFC40];
	v59 =	vshll.u32 v57, v1;
	[tilespmem:v47+s22+$0x0] =	vst.idx.msk $0xffff, v49  }
0x82: {  	v47 =	vbroadcast v59, $0x0;
	v60 =	vld [tilespmem:s15+$0x40]  }
0x83: {  	p3 =	seq.s32 s20, $0x1;
	s31 =	spop (v2sf);
	v61 =	vadd.s32 v5, v46  }
0x84: {  	p4 =	seq.s32 s20, $0x0;
	v62 =	vpsel p3, v37, v41;
	p5 =	seq.s32 s31, $0x1;
	v63 =	vadd.s32 v5, v47  }
0x85: {  	p6 =	seq.s32 s31, $0x0;
	v56 =	vpsel p5, v37, v41;
	v51 =	vpsel p4, v33, v62  }
0x86: {  	v57 =	vpsel p6, v33, v56;
	v50 =	vadd.f32 v58, v51  }
0x87: {  	v48 =	vadd.f32 v60, v57  }
0x88: {  	[tilespmem:v61+s22+$0x0] =	vst.idx.msk $0xffff, v50  }
0x89: {  	v49 =	vld [tilespmem:s15+$0xFFFFFC50];
	[tilespmem:v63+s22+$0x0] =	vst.idx.msk $0xffff, v48  }
0x8a: {  	v48 =	vld [tilespmem:s15+$0x50]  }
0x8b: {  	v58 =	vadd.s32 v6, v46  }
0x8c: {  	v59 =	vpsel p3, v38, v42;
	v60 =	vadd.s32 v6, v47  }
0x8d: {  	v51 =	vpsel p4, v34, v59;
	v61 =	vpsel p5, v38, v42  }
0x8e: {  	v62 =	vpsel p6, v34, v61;
	v49 =	vadd.f32 v49, v51  }
0x8f: {  	v48 =	vadd.f32 v48, v62  }
0x90: {  	[tilespmem:v58+s22+$0x0] =	vst.idx.msk $0xffff, v49  }
0x91: {  	v49 =	vld [tilespmem:s15+$0xFFFFFC60];
	[tilespmem:v60+s22+$0x0] =	vst.idx.msk $0xffff, v48  }
0x92: {  	v48 =	vld [tilespmem:s15+$0x60]  }
0x93: {  	v63 =	vadd.s32 v7, v46  }
0x94: {  	(v2sf) =	vpush v45, $0x2;
	v56 =	vpsel p3, v39, v43;
	v57 =	vadd.s32 v7, v47  }
0x95: {  	v51 =	vpsel p4, v35, v56;
	v58 =	vpsel p5, v39, v43  }
0x96: {  	v59 =	vpsel p6, v35, v58;
	v49 =	vadd.f32 v49, v51  }
0x97: {  	v48 =	vadd.f32 v48, v59  }
0x98: {  	[tilespmem:v63+s22+$0x0] =	vst.idx.msk $0xffff, v49  }
0x99: {  	v49 =	vld [tilespmem:s15+$0xFFFFFC70];
	[tilespmem:v57+s22+$0x0] =	vst.idx.msk $0xffff, v48  }
0x9a: {  	v48 =	vld [tilespmem:s15+$0x70]  }
0x9b: {  	v46 =	vadd.s32 v8, v46  }
0x9c: {  	v47 =	vadd.s32 v8, v47;
	v60 =	vpsel p3, v40, v44  }
0x9d: {  	s21 =	sadd.s32 $0xFFFFFFE3, s1;
	v61 =	vpsel p5, v40, v44;
	v50 =	vpsel p4, v36, v60  }
0x9e: {  	s24 =	sadd.s32 $0xFFFFFFF3, s1;
	v62 =	vmov s21;
	v51 =	vpsel p6, v36, v61;
	v49 =	vadd.f32 v49, v50  }
0x9f: {  	v63 =	vmov s24;
	v50 =	vshrl.u32 v62, $0x3;
	v48 =	vadd.f32 v48, v51  }
0xa0: {  	v55 =	vshrl.u32 v63, $0x3;
	v54 =	vshll.u32 v50, v1;
	[tilespmem:v46+s22+$0x0] =	vst.idx.msk $0xffff, v49  }
0xa1: {  	v57 =	vshll.u32 v55, v1;
	v46 =	vbroadcast v54, $0x0;
	v56 =	vld [tilespmem:s15+$0xFFFFFC80];
	[tilespmem:v47+s22+$0x0] =	vst.idx.msk $0xffff, v48  }
0xa2: {  	v47 =	vbroadcast v57, $0x0;
	v48 =	vld [tilespmem:s15+$0x80]  }
0xa3: {  	s31 =	spop (v2sf);
	p3 =	seq.s32 s17, $0x1;
	v58 =	vadd.s32 v9, v46  }
0xa4: {  	p5 =	seq.s32 s31, $0x1;
	p4 =	seq.s32 s17, $0x0;
	v59 =	vpsel p3, v37, v41;
	v60 =	vadd.s32 v9, v47  }
0xa5: {  	p6 =	seq.s32 s31, $0x0;
	v61 =	vpsel p5, v37, v41;
	v51 =	vpsel p4, v33, v59  }
0xa6: {  	v62 =	vpsel p6, v33, v61;
	v50 =	vadd.f32 v56, v51  }
0xa7: {  	v48 =	vadd.f32 v48, v62  }
0xa8: {  	[tilespmem:v58+s22+$0x0] =	vst.idx.msk $0xffff, v50  }
0xa9: {  	v49 =	vld [tilespmem:s15+$0xFFFFFC90];
	[tilespmem:v60+s22+$0x0] =	vst.idx.msk $0xffff, v48  }
0xaa: {  	v48 =	vld [tilespmem:s15+$0x90]  }
0xab: {  	v63 =	vadd.s32 v10, v46  }
0xac: {  	v56 =	vpsel p3, v38, v42;
	v57 =	vadd.s32 v10, v47  }
0xad: {  	v51 =	vpsel p4, v34, v56;
	v58 =	vpsel p5, v38, v42  }
0xae: {  	v59 =	vpsel p6, v34, v58;
	v49 =	vadd.f32 v49, v51  }
0xaf: {  	v48 =	vadd.f32 v48, v59  }
0xb0: {  	[tilespmem:v63+s22+$0x0] =	vst.idx.msk $0xffff, v49  }
0xb1: {  	v49 =	vld [tilespmem:s15+$0xFFFFFCA0];
	[tilespmem:v57+s22+$0x0] =	vst.idx.msk $0xffff, v48  }
0xb2: {  	v48 =	vld [tilespmem:s15+$0xA0]  }
0xb3: {  	v60 =	vadd.s32 v11, v46  }
0xb4: {  	(v2sf) =	vpush v45, $0x3;
	v61 =	vpsel p3, v39, v43;
	v62 =	vadd.s32 v11, v47  }
0xb5: {  	v51 =	vpsel p4, v35, v61;
	v63 =	vpsel p5, v39, v43  }
0xb6: {  	v56 =	vpsel p6, v35, v63;
	v49 =	vadd.f32 v49, v51  }
0xb7: {  	v48 =	vadd.f32 v48, v56  }
0xb8: {  	[tilespmem:v60+s22+$0x0] =	vst.idx.msk $0xffff, v49  }
0xb9: {  	v49 =	vld [tilespmem:s15+$0xFFFFFCB0];
	[tilespmem:v62+s22+$0x0] =	vst.idx.msk $0xffff, v48  }
0xba: {  	v48 =	vld [tilespmem:s15+$0xB0]  }
0xbb: {  	v46 =	vadd.s32 v12, v46  }
0xbc: {  	v47 =	vadd.s32 v12, v47;
	v57 =	vpsel p3, v40, v44  }
0xbd: {  	s20 =	sadd.s32 $0xFFFFFFE4, s1;
	v58 =	vpsel p5, v40, v44;
	v50 =	vpsel p4, v36, v57  }
0xbe: {  	s21 =	sadd.s32 $0xFFFFFFF4, s1;
	v59 =	vmov s20;
	v51 =	vpsel p6, v36, v58;
	v49 =	vadd.f32 v49, v50  }
0xbf: {  	v60 =	vmov s21;
	v50 =	vshrl.u32 v59, $0x3;
	v48 =	vadd.f32 v48, v51  }
0xc0: {  	v61 =	vshll.u32 v50, v1;
	v62 =	vshrl.u32 v60, $0x3;
	[tilespmem:v46+s22+$0x0] =	vst.idx.msk $0xffff, v49  }
0xc1: {  	v46 =	vbroadcast v61, $0x0;
	v56 =	vshll.u32 v62, v1;
	v63 =	vld [tilespmem:s15+$0xFFFFFCC0];
	[tilespmem:v47+s22+$0x0] =	vst.idx.msk $0xffff, v48  }
0xc2: {  	v47 =	vbroadcast v56, $0x0;
	v48 =	vld [tilespmem:s15+$0xC0]  }
0xc3: {  	s24 =	spop (v2sf);
	p3 =	seq.s32 s3, $0x1;
	v57 =	vadd.s32 v13, v46  }
0xc4: {  	p5 =	seq.s32 s24, $0x1;
	p4 =	seq.s32 s3, $0x0;
	v58 =	vpsel p3, v37, v41;
	v59 =	vadd.s32 v13, v47  }
0xc5: {  	p6 =	seq.s32 s24, $0x0;
	v60 =	vpsel p5, v37, v41;
	v51 =	vpsel p4, v33, v58  }
0xc6: {  	v61 =	vpsel p6, v33, v60;
	v50 =	vadd.f32 v63, v51  }
0xc7: {  	v48 =	vadd.f32 v48, v61  }
0xc8: {  	[tilespmem:v57+s22+$0x0] =	vst.idx.msk $0xffff, v50  }
0xc9: {  	v49 =	vld [tilespmem:s15+$0xFFFFFCD0];
	[tilespmem:v59+s22+$0x0] =	vst.idx.msk $0xffff, v48  }
0xca: {  	v48 =	vld [tilespmem:s15+$0xD0]  }
0xcb: {  	v62 =	vadd.s32 v14, v46  }
0xcc: {  	v63 =	vpsel p3, v38, v42;
	v56 =	vadd.s32 v14, v47  }
0xcd: {  	v51 =	vpsel p4, v34, v63;
	v57 =	vpsel p5, v38, v42  }
0xce: {  	v58 =	vpsel p6, v34, v57;
	v49 =	vadd.f32 v49, v51  }
0xcf: {  	v48 =	vadd.f32 v48, v58  }
0xd0: {  	[tilespmem:v62+s22+$0x0] =	vst.idx.msk $0xffff, v49  }
0xd1: {  	v49 =	vld [tilespmem:s15+$0xFFFFFCE0];
	[tilespmem:v56+s22+$0x0] =	vst.idx.msk $0xffff, v48  }
0xd2: {  	v48 =	vld [tilespmem:s15+$0xE0]  }
0xd3: {  	v59 =	vadd.s32 v15, v46  }
0xd4: {  	(v2sf) =	vpush v45, $0x4;
	v60 =	vpsel p3, v39, v43;
	v61 =	vadd.s32 v15, v47  }
0xd5: {  	v51 =	vpsel p4, v35, v60;
	v62 =	vpsel p5, v39, v43  }
0xd6: {  	v63 =	vpsel p6, v35, v62;
	v49 =	vadd.f32 v49, v51  }
0xd7: {  	v48 =	vadd.f32 v48, v63  }
0xd8: {  	[tilespmem:v59+s22+$0x0] =	vst.idx.msk $0xffff, v49  }
0xd9: {  	v49 =	vld [tilespmem:s15+$0xFFFFFCF0];
	[tilespmem:v61+s22+$0x0] =	vst.idx.msk $0xffff, v48  }
0xda: {  	v48 =	vld [tilespmem:s15+$0xF0]  }
0xdb: {  	v46 =	vadd.s32 v16, v46  }
0xdc: {  	v53 =	vpsel p3, v40, v44;
	v47 =	vadd.s32 v16, v47  }
0xdd: {  	s31 =	sadd.s32 $0xFFFFFFE5, s1;
	v54 =	vpsel p5, v40, v44;
	v50 =	vpsel p4, v36, v53  }
0xde: {  	s17 =	sadd.s32 $0xFFFFFFF5, s1;
	v55 =	vmov s31;
	v51 =	vpsel p6, v36, v54;
	v49 =	vadd.f32 v49, v50  }
0xdf: {  	v56 =	vmov s17;
	v50 =	vshrl.u32 v55, $0x3;
	v48 =	vadd.f32 v48, v51  }
0xe0: {  	v58 =	vshrl.u32 v56, $0x3;
	v57 =	vshll.u32 v50, v1;
	[tilespmem:v46+s22+$0x0] =	vst.idx.msk $0xffff, v49  }
0xe1: {  	v60 =	vshll.u32 v58, v1;
	v46 =	vbroadcast v57, $0x0;
	v59 =	vld [tilespmem:s15+$0xFFFFFD00];
	[tilespmem:v47+s22+$0x0] =	vst.idx.msk $0xffff, v48  }
0xe2: {  	v47 =	vbroadcast v60, $0x0;
	v48 =	vld [tilespmem:s15+$0x100]  }
0xe3: {  	s20 =	spop (v2sf);
	p3 =	seq.s32 s19, $0x1;
	v61 =	vadd.s32 v17, v46  }
0xe4: {  	p4 =	seq.s32 s19, $0x0;
	p5 =	seq.s32 s20, $0x1;
	v62 =	vpsel p3, v37, v41;
	v63 =	vadd.s32 v17, v47  }
0xe5: {  	p6 =	seq.s32 s20, $0x0;
	v56 =	vpsel p5, v37, v41;
	v51 =	vpsel p4, v33, v62  }
0xe6: {  	v57 =	vpsel p6, v33, v56;
	v50 =	vadd.f32 v59, v51  }
0xe7: {  	v48 =	vadd.f32 v48, v57  }
0xe8: {  	[tilespmem:v61+s22+$0x0] =	vst.idx.msk $0xffff, v50  }
0xe9: {  	v49 =	vld [tilespmem:s15+$0xFFFFFD10];
	[tilespmem:v63+s22+$0x0] =	vst.idx.msk $0xffff, v48  }
0xea: {  	v48 =	vld [tilespmem:s15+$0x110]  }
0xeb: {  	v58 =	vadd.s32 v18, v46  }
0xec: {  	v59 =	vpsel p3, v38, v42;
	v60 =	vadd.s32 v18, v47  }
0xed: {  	v51 =	vpsel p4, v34, v59;
	v61 =	vpsel p5, v38, v42  }
0xee: {  	v62 =	vpsel p6, v34, v61;
	v49 =	vadd.f32 v49, v51  }
0xef: {  	v48 =	vadd.f32 v48, v62  }
0xf0: {  	[tilespmem:v58+s22+$0x0] =	vst.idx.msk $0xffff, v49  }
0xf1: {  	v49 =	vld [tilespmem:s15+$0xFFFFFD20];
	[tilespmem:v60+s22+$0x0] =	vst.idx.msk $0xffff, v48  }
0xf2: {  	v48 =	vld [tilespmem:s15+$0x120]  }
0xf3: {  	v63 =	vadd.s32 v19, v46  }
0xf4: {  	(v2sf) =	vpush v45, $0x5;
	v56 =	vpsel p3, v39, v43;
	v57 =	vadd.s32 v19, v47  }
0xf5: {  	v51 =	vpsel p4, v35, v56;
	v58 =	vpsel p5, v39, v43  }
0xf6: {  	v59 =	vpsel p6, v35, v58;
	v49 =	vadd.f32 v49, v51  }
0xf7: {  	v48 =	vadd.f32 v48, v59  }
0xf8: {  	[tilespmem:v63+s22+$0x0] =	vst.idx.msk $0xffff, v49  }
0xf9: {  	v49 =	vld [tilespmem:s15+$0xFFFFFD30];
	[tilespmem:v57+s22+$0x0] =	vst.idx.msk $0xffff, v48  }
0xfa: {  	v48 =	vld [tilespmem:s15+$0x130]  }
0xfb: {  	v46 =	vadd.s32 v20, v46  }
0xfc: {  	v47 =	vadd.s32 v20, v47;
	v60 =	vpsel p3, v40, v44  }
0xfd: {  	s21 =	sadd.s32 $0xFFFFFFE6, s1;
	v61 =	vpsel p5, v40, v44;
	v50 =	vpsel p4, v36, v60  }
0xfe: {  	s24 =	sadd.s32 $0xFFFFFFF6, s1;
	v62 =	vmov s21;
	v51 =	vpsel p6, v36, v61;
	v49 =	vadd.f32 v49, v50  }
0xff: {  	v63 =	vmov s24;
	v50 =	vshrl.u32 v62, $0x3;
	v48 =	vadd.f32 v48, v51  }
0x100: {  	v55 =	vshrl.u32 v63, $0x3;
	v54 =	vshll.u32 v50, v1;
	[tilespmem:v46+s22+$0x0] =	vst.idx.msk $0xffff, v49  }
0x101: {  	v57 =	vshll.u32 v55, v1;
	v46 =	vbroadcast v54, $0x0;
	v56 =	vld [tilespmem:s15+$0xFFFFFD40];
	[tilespmem:v47+s22+$0x0] =	vst.idx.msk $0xffff, v48  }
0x102: {  	v47 =	vbroadcast v57, $0x0;
	v48 =	vld [tilespmem:s15+$0x140]  }
0x103: {  	s31 =	spop (v2sf);
	p3 =	seq.s32 s18, $0x1;
	v58 =	vadd.s32 v21, v46  }
0x104: {  	p5 =	seq.s32 s31, $0x1;
	p4 =	seq.s32 s18, $0x0;
	v59 =	vpsel p3, v37, v41;
	v60 =	vadd.s32 v21, v47  }
0x105: {  	p6 =	seq.s32 s31, $0x0;
	v61 =	vpsel p5, v37, v41;
	v51 =	vpsel p4, v33, v59  }
0x106: {  	v62 =	vpsel p6, v33, v61;
	v50 =	vadd.f32 v56, v51  }
0x107: {  	v48 =	vadd.f32 v48, v62  }
0x108: {  	[tilespmem:v58+s22+$0x0] =	vst.idx.msk $0xffff, v50  }
0x109: {  	v49 =	vld [tilespmem:s15+$0xFFFFFD50];
	[tilespmem:v60+s22+$0x0] =	vst.idx.msk $0xffff, v48  }
0x10a: {  	v48 =	vld [tilespmem:s15+$0x150]  }
0x10b: {  	v63 =	vadd.s32 v22, v46  }
0x10c: {  	v56 =	vpsel p3, v38, v42;
	v57 =	vadd.s32 v22, v47  }
0x10d: {  	v51 =	vpsel p4, v34, v56;
	v58 =	vpsel p5, v38, v42  }
0x10e: {  	v59 =	vpsel p6, v34, v58;
	v49 =	vadd.f32 v49, v51  }
0x10f: {  	v48 =	vadd.f32 v48, v59  }
0x110: {  	[tilespmem:v63+s22+$0x0] =	vst.idx.msk $0xffff, v49  }
0x111: {  	v49 =	vld [tilespmem:s15+$0xFFFFFD60];
	[tilespmem:v57+s22+$0x0] =	vst.idx.msk $0xffff, v48  }
0x112: {  	v48 =	vld [tilespmem:s15+$0x160]  }
0x113: {  	v60 =	vadd.s32 v23, v46  }
0x114: {  	(v2sf) =	vpush v45, $0x6;
	v61 =	vpsel p3, v39, v43;
	v62 =	vadd.s32 v23, v47  }
0x115: {  	v51 =	vpsel p4, v35, v61;
	v63 =	vpsel p5, v39, v43  }
0x116: {  	v56 =	vpsel p6, v35, v63;
	v49 =	vadd.f32 v49, v51  }
0x117: {  	v48 =	vadd.f32 v48, v56  }
0x118: {  	[tilespmem:v60+s22+$0x0] =	vst.idx.msk $0xffff, v49  }
0x119: {  	v49 =	vld [tilespmem:s15+$0xFFFFFD70];
	[tilespmem:v62+s22+$0x0] =	vst.idx.msk $0xffff, v48  }
0x11a: {  	v48 =	vld [tilespmem:s15+$0x170]  }
0x11b: {  	v46 =	vadd.s32 v24, v46  }
0x11c: {  	v47 =	vadd.s32 v24, v47;
	v57 =	vpsel p3, v40, v44  }
0x11d: {  	s17 =	sadd.s32 $0xFFFFFFE7, s1;
	v58 =	vpsel p5, v40, v44;
	v50 =	vpsel p4, v36, v57  }
0x11e: {  	s18 =	sadd.s32 $0xFFFFFFF7, s1;
	v59 =	vmov s17;
	v51 =	vpsel p6, v36, v58;
	v49 =	vadd.f32 v49, v50  }
0x11f: {  	v60 =	vmov s18;
	v50 =	vshrl.u32 v59, $0x3;
	v48 =	vadd.f32 v48, v51  }
0x120: {  	v61 =	vshll.u32 v50, v1;
	v62 =	vshrl.u32 v60, $0x3;
	[tilespmem:v46+s22+$0x0] =	vst.idx.msk $0xffff, v49  }
0x121: {  	v46 =	vbroadcast v61, $0x0;
	v56 =	vshll.u32 v62, v1;
	v63 =	vld [tilespmem:s15+$0xFFFFFD80];
	[tilespmem:v47+s22+$0x0] =	vst.idx.msk $0xffff, v48  }
0x122: {  	v47 =	vbroadcast v56, $0x0;
	v48 =	vld [tilespmem:s15+$0x180]  }
0x123: {  	s19 =	spop (v2sf);
	p3 =	seq.s32 s26, $0x1;
	v57 =	vadd.s32 v25, v46  }
0x124: {  	p5 =	seq.s32 s19, $0x1;
	p4 =	seq.s32 s26, $0x0;
	v58 =	vpsel p3, v37, v41;
	v59 =	vadd.s32 v25, v47  }
0x125: {  	p6 =	seq.s32 s19, $0x0;
	v60 =	vpsel p5, v37, v41;
	v51 =	vpsel p4, v33, v58  }
0x126: {  	v61 =	vpsel p6, v33, v60;
	v50 =	vadd.f32 v63, v51  }
0x127: {  	v48 =	vadd.f32 v48, v61  }
0x128: {  	[tilespmem:v57+s22+$0x0] =	vst.idx.msk $0xffff, v50  }
0x129: {  	v49 =	vld [tilespmem:s15+$0xFFFFFD90];
	[tilespmem:v59+s22+$0x0] =	vst.idx.msk $0xffff, v48  }
0x12a: {  	v48 =	vld [tilespmem:s15+$0x190]  }
0x12b: {  	v62 =	vadd.s32 v26, v46  }
0x12c: {  	v63 =	vpsel p3, v38, v42;
	v56 =	vadd.s32 v26, v47  }
0x12d: {  	v51 =	vpsel p4, v34, v63;
	v57 =	vpsel p5, v38, v42  }
0x12e: {  	v58 =	vpsel p6, v34, v57;
	v49 =	vadd.f32 v49, v51  }
0x12f: {  	v48 =	vadd.f32 v48, v58  }
0x130: {  	[tilespmem:v62+s22+$0x0] =	vst.idx.msk $0xffff, v49  }
0x131: {  	v49 =	vld [tilespmem:s15+$0xFFFFFDA0];
	[tilespmem:v56+s22+$0x0] =	vst.idx.msk $0xffff, v48  }
0x132: {  	v48 =	vld [tilespmem:s15+$0x1A0]  }
0x133: {  	v59 =	vadd.s32 v27, v46  }
0x134: {  	(v2sf) =	vpush v45, $0x7;
	v60 =	vpsel p3, v39, v43;
	v61 =	vadd.s32 v27, v47  }
0x135: {  	v51 =	vpsel p4, v35, v60;
	v62 =	vpsel p5, v39, v43  }
0x136: {  	v63 =	vpsel p6, v35, v62;
	v49 =	vadd.f32 v49, v51  }
0x137: {  	v48 =	vadd.f32 v48, v63  }
0x138: {  	[tilespmem:v59+s22+$0x0] =	vst.idx.msk $0xffff, v49  }
0x139: {  	v49 =	vld [tilespmem:s15+$0xFFFFFDB0];
	[tilespmem:v61+s22+$0x0] =	vst.idx.msk $0xffff, v48  }
0x13a: {  	v48 =	vld [tilespmem:s15+$0x1B0]  }
0x13b: {  	v46 =	vadd.s32 v28, v46  }
0x13c: {  	v53 =	vpsel p3, v40, v44;
	v47 =	vadd.s32 v28, v47  }
0x13d: {  	s20 =	sadd.s32 $0xFFFFFFE8, s1;
	v54 =	vpsel p5, v40, v44;
	v50 =	vpsel p4, v36, v53  }
0x13e: {  	s21 =	sadd.s32 $0xFFFFFFF8, s1;
	v55 =	vmov s20;
	v51 =	vpsel p6, v36, v54;
	v49 =	vadd.f32 v49, v50  }
0x13f: {  	v56 =	vmov s21;
	v50 =	vshrl.u32 v55, $0x3;
	v48 =	vadd.f32 v48, v51  }
0x140: {  	v58 =	vshrl.u32 v56, $0x3;
	v57 =	vshll.u32 v50, v1;
	[tilespmem:v46+s22+$0x0] =	vst.idx.msk $0xffff, v49  }
0x141: {  	v60 =	vshll.u32 v58, v1;
	v46 =	vbroadcast v57, $0x0;
	v59 =	vld [tilespmem:s15+$0xFFFFFDC0];
	[tilespmem:v47+s22+$0x0] =	vst.idx.msk $0xffff, v48  }
0x142: {  	v47 =	vbroadcast v60, $0x0;
	v48 =	vld [tilespmem:s15+$0x1C0]  }
0x143: {  	s24 =	spop (v2sf);
	p3 =	seq.s32 s14, $0x1;
	v61 =	vadd.s32 v29, v46  }
0x144: {  	p4 =	seq.s32 s14, $0x0;
	p5 =	seq.s32 s24, $0x1;
	v62 =	vpsel p3, v37, v41;
	v63 =	vadd.s32 v29, v47  }
0x145: {  	p6 =	seq.s32 s24, $0x0;
	v56 =	vpsel p5, v37, v41;
	v51 =	vpsel p4, v33, v62  }
0x146: {  	v57 =	vpsel p6, v33, v56;
	v50 =	vadd.f32 v59, v51  }
0x147: {  	v48 =	vadd.f32 v48, v57  }
0x148: {  	[tilespmem:v61+s22+$0x0] =	vst.idx.msk $0xffff, v50  }
0x149: {  	v49 =	vld [tilespmem:s15+$0xFFFFFDD0];
	[tilespmem:v63+s22+$0x0] =	vst.idx.msk $0xffff, v48  }
0x14a: {  	v48 =	vld [tilespmem:s15+$0x1D0]  }
0x14b: {  	v58 =	vadd.s32 v30, v46  }
0x14c: {  	v59 =	vpsel p3, v38, v42;
	v60 =	vadd.s32 v30, v47  }
0x14d: {  	v51 =	vpsel p4, v34, v59;
	v61 =	vpsel p5, v38, v42  }
0x14e: {  	v62 =	vpsel p6, v34, v61;
	v49 =	vadd.f32 v49, v51  }
0x14f: {  	v48 =	vadd.f32 v48, v62  }
0x150: {  	[tilespmem:v58+s22+$0x0] =	vst.idx.msk $0xffff, v49  }
0x151: {  	v49 =	vld [tilespmem:s15+$0xFFFFFDE0];
	[tilespmem:v60+s22+$0x0] =	vst.idx.msk $0xffff, v48  }
0x152: {  	v48 =	vld [tilespmem:s15+$0x1E0]  }
0x153: {  	v63 =	vadd.s32 v31, v46  }
0x154: {  	(v2sf) =	vpush v45, $0x8;
	v56 =	vpsel p3, v39, v43;
	v57 =	vadd.s32 v31, v47  }
0x155: {  	v51 =	vpsel p4, v35, v56;
	v58 =	vpsel p5, v39, v43  }
0x156: {  	v59 =	vpsel p6, v35, v58;
	v49 =	vadd.f32 v49, v51  }
0x157: {  	v48 =	vadd.f32 v48, v59  }
0x158: {  	[tilespmem:v63+s22+$0x0] =	vst.idx.msk $0xffff, v49  }
0x159: {  	v49 =	vld [tilespmem:s15+$0xFFFFFDF0];
	[tilespmem:v57+s22+$0x0] =	vst.idx.msk $0xffff, v48  }
0x15a: {  	v48 =	vld [tilespmem:s15+$0x1F0]  }
0x15b: {  	v46 =	vadd.s32 v32, v46  }
0x15c: {  	v47 =	vadd.s32 v32, v47;
	v60 =	vpsel p3, v40, v44  }
0x15d: {  	s26 =	sadd.s32 $0xFFFFFFE9, s1;
	v61 =	vpsel p5, v40, v44;
	v50 =	vpsel p4, v36, v60  }
0x15e: {  	s31 =	sadd.s32 $0xFFFFFFF9, s1;
	v62 =	vmov s26;
	v51 =	vpsel p6, v36, v61;
	v49 =	vadd.f32 v49, v50  }
0x15f: {  	v63 =	vmov s31;
	v50 =	vshrl.u32 v62, $0x3;
	v48 =	vadd.f32 v48, v51  }
0x160: {  	v55 =	vshrl.u32 v63, $0x3;
	v54 =	vshll.u32 v50, v1;
	[tilespmem:v46+s22+$0x0] =	vst.idx.msk $0xffff, v49  }
0x161: {  	v57 =	vshll.u32 v55, v1;
	v46 =	vbroadcast v54, $0x0;
	v56 =	vld [tilespmem:s15+$0xFFFFFE00];
	[tilespmem:v47+s22+$0x0] =	vst.idx.msk $0xffff, v48  }
0x162: {  	v47 =	vbroadcast v57, $0x0;
	v48 =	vld [tilespmem:s15+$0x200]  }
0x163: {  	s14 =	spop (v2sf);
	p3 =	seq.s32 s9, $0x1;
	v58 =	vadd.s32 v0, v46  }
0x164: {  	p5 =	seq.s32 s14, $0x1;
	p4 =	seq.s32 s9, $0x0;
	v59 =	vpsel p3, v37, v41;
	v60 =	vadd.s32 v0, v47  }
0x165: {  	p6 =	seq.s32 s14, $0x0;
	v61 =	vpsel p5, v37, v41;
	v51 =	vpsel p4, v33, v59  }
0x166: {  	v62 =	vpsel p6, v33, v61;
	v50 =	vadd.f32 v56, v51  }
0x167: {  	v48 =	vadd.f32 v48, v62  }
0x168: {  	[tilespmem:v58+s22+$0x0] =	vst.idx.msk $0xffff, v50  }
0x169: {  	v49 =	vld [tilespmem:s15+$0xFFFFFE10];
	[tilespmem:v60+s22+$0x0] =	vst.idx.msk $0xffff, v48  }
0x16a: {  	v48 =	vld [tilespmem:s15+$0x210]  }
0x16b: {  	v63 =	vadd.s32 v2, v46  }
0x16c: {  	v56 =	vpsel p3, v38, v42;
	v57 =	vadd.s32 v2, v47  }
0x16d: {  	v51 =	vpsel p4, v34, v56;
	v58 =	vpsel p5, v38, v42  }
0x16e: {  	v59 =	vpsel p6, v34, v58;
	v49 =	vadd.f32 v49, v51  }
0x16f: {  	v48 =	vadd.f32 v48, v59  }
0x170: {  	[tilespmem:v63+s22+$0x0] =	vst.idx.msk $0xffff, v49  }
0x171: {  	v49 =	vld [tilespmem:s15+$0xFFFFFE20];
	[tilespmem:v57+s22+$0x0] =	vst.idx.msk $0xffff, v48  }
0x172: {  	v48 =	vld [tilespmem:s15+$0x220]  }
0x173: {  	v60 =	vadd.s32 v3, v46  }
0x174: {  	(v2sf) =	vpush v45, $0x9;
	v61 =	vpsel p3, v39, v43;
	v62 =	vadd.s32 v3, v47  }
0x175: {  	v51 =	vpsel p4, v35, v61;
	v63 =	vpsel p5, v39, v43  }
0x176: {  	v56 =	vpsel p6, v35, v63;
	v49 =	vadd.f32 v49, v51  }
0x177: {  	v48 =	vadd.f32 v48, v56  }
0x178: {  	[tilespmem:v60+s22+$0x0] =	vst.idx.msk $0xffff, v49  }
0x179: {  	v49 =	vld [tilespmem:s15+$0xFFFFFE30];
	[tilespmem:v62+s22+$0x0] =	vst.idx.msk $0xffff, v48  }
0x17a: {  	v48 =	vld [tilespmem:s15+$0x230]  }
0x17b: {  	v46 =	vadd.s32 v4, v46  }
0x17c: {  	v47 =	vadd.s32 v4, v47;
	v57 =	vpsel p3, v40, v44  }
0x17d: {  	s17 =	sadd.s32 $0xFFFFFFEA, s1;
	v58 =	vpsel p5, v40, v44;
	v50 =	vpsel p4, v36, v57  }
0x17e: {  	s18 =	sadd.s32 $0xFFFFFFFA, s1;
	v59 =	vmov s17;
	v51 =	vpsel p6, v36, v58;
	v49 =	vadd.f32 v49, v50  }
0x17f: {  	v60 =	vmov s18;
	v50 =	vshrl.u32 v59, $0x3;
	v48 =	vadd.f32 v48, v51  }
0x180: {  	v61 =	vshll.u32 v50, v1;
	v62 =	vshrl.u32 v60, $0x3;
	[tilespmem:v46+s22+$0x0] =	vst.idx.msk $0xffff, v49  }
0x181: {  	v46 =	vbroadcast v61, $0x0;
	v56 =	vshll.u32 v62, v1;
	v63 =	vld [tilespmem:s15+$0xFFFFFE40];
	[tilespmem:v47+s22+$0x0] =	vst.idx.msk $0xffff, v48  }
0x182: {  	v47 =	vbroadcast v56, $0x0;
	v48 =	vld [tilespmem:s15+$0x240]  }
0x183: {  	s19 =	spop (v2sf);
	p3 =	seq.s32 s10, $0x1;
	v57 =	vadd.s32 v5, v46  }
0x184: {  	p5 =	seq.s32 s19, $0x1;
	p4 =	seq.s32 s10, $0x0;
	v58 =	vpsel p3, v37, v41;
	v59 =	vadd.s32 v5, v47  }
0x185: {  	p6 =	seq.s32 s19, $0x0;
	v60 =	vpsel p5, v37, v41;
	v51 =	vpsel p4, v33, v58  }
0x186: {  	v61 =	vpsel p6, v33, v60;
	v50 =	vadd.f32 v63, v51  }
0x187: {  	v48 =	vadd.f32 v48, v61  }
0x188: {  	[tilespmem:v57+s22+$0x0] =	vst.idx.msk $0xffff, v50  }
0x189: {  	v49 =	vld [tilespmem:s15+$0xFFFFFE50];
	[tilespmem:v59+s22+$0x0] =	vst.idx.msk $0xffff, v48  }
0x18a: {  	v48 =	vld [tilespmem:s15+$0x250]  }
0x18b: {  	v62 =	vadd.s32 v6, v46  }
0x18c: {  	v63 =	vpsel p3, v38, v42;
	v56 =	vadd.s32 v6, v47  }
0x18d: {  	v51 =	vpsel p4, v34, v63;
	v57 =	vpsel p5, v38, v42  }
0x18e: {  	v58 =	vpsel p6, v34, v57;
	v49 =	vadd.f32 v49, v51  }
0x18f: {  	v48 =	vadd.f32 v48, v58  }
0x190: {  	[tilespmem:v62+s22+$0x0] =	vst.idx.msk $0xffff, v49  }
0x191: {  	v49 =	vld [tilespmem:s15+$0xFFFFFE60];
	[tilespmem:v56+s22+$0x0] =	vst.idx.msk $0xffff, v48  }
0x192: {  	v48 =	vld [tilespmem:s15+$0x260]  }
0x193: {  	v59 =	vadd.s32 v7, v46  }
0x194: {  	(v2sf) =	vpush v45, $0xA;
	v60 =	vpsel p3, v39, v43;
	v61 =	vadd.s32 v7, v47  }
0x195: {  	v51 =	vpsel p4, v35, v60;
	v62 =	vpsel p5, v39, v43  }
0x196: {  	v63 =	vpsel p6, v35, v62;
	v49 =	vadd.f32 v49, v51  }
0x197: {  	v48 =	vadd.f32 v48, v63  }
0x198: {  	[tilespmem:v59+s22+$0x0] =	vst.idx.msk $0xffff, v49  }
0x199: {  	v49 =	vld [tilespmem:s15+$0xFFFFFE70];
	[tilespmem:v61+s22+$0x0] =	vst.idx.msk $0xffff, v48  }
0x19a: {  	v48 =	vld [tilespmem:s15+$0x270]  }
0x19b: {  	v46 =	vadd.s32 v8, v46  }
0x19c: {  	v53 =	vpsel p3, v40, v44;
	v47 =	vadd.s32 v8, v47  }
0x19d: {  	s20 =	sadd.s32 $0xFFFFFFEB, s1;
	v54 =	vpsel p5, v40, v44;
	v50 =	vpsel p4, v36, v53  }
0x19e: {  	s21 =	sadd.s32 $0xFFFFFFFB, s1;
	v55 =	vmov s20;
	v51 =	vpsel p6, v36, v54;
	v49 =	vadd.f32 v49, v50  }
0x19f: {  	v56 =	vmov s21;
	v50 =	vshrl.u32 v55, $0x3;
	v48 =	vadd.f32 v48, v51  }
0x1a0: {  	v58 =	vshrl.u32 v56, $0x3;
	v57 =	vshll.u32 v50, v1;
	[tilespmem:v46+s22+$0x0] =	vst.idx.msk $0xffff, v49  }
0x1a1: {  	v60 =	vshll.u32 v58, v1;
	v46 =	vbroadcast v57, $0x0;
	v59 =	vld [tilespmem:s15+$0xFFFFFE80];
	[tilespmem:v47+s22+$0x0] =	vst.idx.msk $0xffff, v48  }
0x1a2: {  	v47 =	vbroadcast v60, $0x0;
	v48 =	vld [tilespmem:s15+$0x280]  }
0x1a3: {  	s24 =	spop (v2sf);
	p3 =	seq.s32 s11, $0x1;
	v61 =	vadd.s32 v9, v46  }
0x1a4: {  	p4 =	seq.s32 s11, $0x0;
	p5 =	seq.s32 s24, $0x1;
	v62 =	vpsel p3, v37, v41;
	v63 =	vadd.s32 v9, v47  }
0x1a5: {  	p6 =	seq.s32 s24, $0x0;
	v56 =	vpsel p5, v37, v41;
	v51 =	vpsel p4, v33, v62  }
0x1a6: {  	v57 =	vpsel p6, v33, v56;
	v50 =	vadd.f32 v59, v51  }
0x1a7: {  	v48 =	vadd.f32 v48, v57  }
0x1a8: {  	[tilespmem:v61+s22+$0x0] =	vst.idx.msk $0xffff, v50  }
0x1a9: {  	v49 =	vld [tilespmem:s15+$0xFFFFFE90];
	[tilespmem:v63+s22+$0x0] =	vst.idx.msk $0xffff, v48  }
0x1aa: {  	v48 =	vld [tilespmem:s15+$0x290]  }
0x1ab: {  	v58 =	vadd.s32 v10, v46  }
0x1ac: {  	v59 =	vpsel p3, v38, v42;
	v60 =	vadd.s32 v10, v47  }
0x1ad: {  	v51 =	vpsel p4, v34, v59;
	v61 =	vpsel p5, v38, v42  }
0x1ae: {  	v62 =	vpsel p6, v34, v61;
	v49 =	vadd.f32 v49, v51  }
0x1af: {  	v48 =	vadd.f32 v48, v62  }
0x1b0: {  	[tilespmem:v58+s22+$0x0] =	vst.idx.msk $0xffff, v49  }
0x1b1: {  	v49 =	vld [tilespmem:s15+$0xFFFFFEA0];
	[tilespmem:v60+s22+$0x0] =	vst.idx.msk $0xffff, v48  }
0x1b2: {  	v48 =	vld [tilespmem:s15+$0x2A0]  }
0x1b3: {  	v63 =	vadd.s32 v11, v46  }
0x1b4: {  	(v2sf) =	vpush v45, $0xB;
	v56 =	vpsel p3, v39, v43;
	v57 =	vadd.s32 v11, v47  }
0x1b5: {  	v51 =	vpsel p4, v35, v56;
	v58 =	vpsel p5, v39, v43  }
0x1b6: {  	v59 =	vpsel p6, v35, v58;
	v49 =	vadd.f32 v49, v51  }
0x1b7: {  	v48 =	vadd.f32 v48, v59  }
0x1b8: {  	[tilespmem:v63+s22+$0x0] =	vst.idx.msk $0xffff, v49  }
0x1b9: {  	v49 =	vld [tilespmem:s15+$0xFFFFFEB0];
	[tilespmem:v57+s22+$0x0] =	vst.idx.msk $0xffff, v48  }
0x1ba: {  	v48 =	vld [tilespmem:s15+$0x2B0]  }
0x1bb: {  	v46 =	vadd.s32 v12, v46  }
0x1bc: {  	v47 =	vadd.s32 v12, v47;
	v60 =	vpsel p3, v40, v44  }
0x1bd: {  	s26 =	sadd.s32 $0xFFFFFFEC, s1;
	v61 =	vpsel p5, v40, v44;
	v50 =	vpsel p4, v36, v60  }
0x1be: {  	s31 =	sadd.s32 $0xFFFFFFFC, s1;
	v62 =	vmov s26;
	v51 =	vpsel p6, v36, v61;
	v49 =	vadd.f32 v49, v50  }
0x1bf: {  	v63 =	vmov s31;
	v50 =	vshrl.u32 v62, $0x3;
	v48 =	vadd.f32 v48, v51  }
0x1c0: {  	v55 =	vshrl.u32 v63, $0x3;
	v54 =	vshll.u32 v50, v1;
	[tilespmem:v46+s22+$0x0] =	vst.idx.msk $0xffff, v49  }
0x1c1: {  	v57 =	vshll.u32 v55, v1;
	v46 =	vbroadcast v54, $0x0;
	v56 =	vld [tilespmem:s15+$0xFFFFFEC0];
	[tilespmem:v47+s22+$0x0] =	vst.idx.msk $0xffff, v48  }
0x1c2: {  	v47 =	vbroadcast v57, $0x0;
	v48 =	vld [tilespmem:s15+$0x2C0]  }
0x1c3: {  	s9 =	spop (v2sf);
	p3 =	seq.s32 s8, $0x1;
	v58 =	vadd.s32 v13, v46  }
0x1c4: {  	p5 =	seq.s32 s9, $0x1;
	p4 =	seq.s32 s8, $0x0;
	v59 =	vpsel p3, v37, v41;
	v60 =	vadd.s32 v13, v47  }
0x1c5: {  	p6 =	seq.s32 s9, $0x0;
	v61 =	vpsel p5, v37, v41;
	v51 =	vpsel p4, v33, v59  }
0x1c6: {  	v62 =	vpsel p6, v33, v61;
	v50 =	vadd.f32 v56, v51  }
0x1c7: {  	v48 =	vadd.f32 v48, v62  }
0x1c8: {  	[tilespmem:v58+s22+$0x0] =	vst.idx.msk $0xffff, v50  }
0x1c9: {  	v49 =	vld [tilespmem:s15+$0xFFFFFED0];
	[tilespmem:v60+s22+$0x0] =	vst.idx.msk $0xffff, v48  }
0x1ca: {  	v48 =	vld [tilespmem:s15+$0x2D0]  }
0x1cb: {  	v63 =	vadd.s32 v14, v46  }
0x1cc: {  	v56 =	vpsel p3, v38, v42;
	v57 =	vadd.s32 v14, v47  }
0x1cd: {  	v51 =	vpsel p4, v34, v56;
	v58 =	vpsel p5, v38, v42  }
0x1ce: {  	v59 =	vpsel p6, v34, v58;
	v49 =	vadd.f32 v49, v51  }
0x1cf: {  	v48 =	vadd.f32 v48, v59  }
0x1d0: {  	[tilespmem:v63+s22+$0x0] =	vst.idx.msk $0xffff, v49  }
0x1d1: {  	v49 =	vld [tilespmem:s15+$0xFFFFFEE0];
	[tilespmem:v57+s22+$0x0] =	vst.idx.msk $0xffff, v48  }
0x1d2: {  	v48 =	vld [tilespmem:s15+$0x2E0]  }
0x1d3: {  	v60 =	vadd.s32 v15, v46  }
0x1d4: {  	(v2sf) =	vpush v45, $0xC;
	v61 =	vpsel p3, v39, v43;
	v62 =	vadd.s32 v15, v47  }
0x1d5: {  	v51 =	vpsel p4, v35, v61;
	v63 =	vpsel p5, v39, v43  }
0x1d6: {  	v56 =	vpsel p6, v35, v63;
	v49 =	vadd.f32 v49, v51  }
0x1d7: {  	v48 =	vadd.f32 v48, v56  }
0x1d8: {  	[tilespmem:v60+s22+$0x0] =	vst.idx.msk $0xffff, v49  }
0x1d9: {  	v49 =	vld [tilespmem:s15+$0xFFFFFEF0];
	[tilespmem:v62+s22+$0x0] =	vst.idx.msk $0xffff, v48  }
0x1da: {  	v48 =	vld [tilespmem:s15+$0x2F0]  }
0x1db: {  	v46 =	vadd.s32 v16, v46  }
0x1dc: {  	v47 =	vadd.s32 v16, v47;
	v57 =	vpsel p3, v40, v44  }
0x1dd: {  	s10 =	sadd.s32 $0xFFFFFFED, s1;
	v58 =	vpsel p5, v40, v44;
	v50 =	vpsel p4, v36, v57  }
0x1de: {  	s11 =	sadd.s32 $0xFFFFFFFD, s1;
	v59 =	vmov s10;
	v51 =	vpsel p6, v36, v58;
	v49 =	vadd.f32 v49, v50  }
0x1df: {  	v60 =	vmov s11;
	v50 =	vshrl.u32 v59, $0x3;
	v48 =	vadd.f32 v48, v51  }
0x1e0: {  	v61 =	vshll.u32 v50, v1;
	v62 =	vshrl.u32 v60, $0x3;
	[tilespmem:v46+s22+$0x0] =	vst.idx.msk $0xffff, v49  }
0x1e1: {  	v46 =	vbroadcast v61, $0x0;
	v56 =	vshll.u32 v62, v1;
	v63 =	vld [tilespmem:s15+$0xFFFFFF00];
	[tilespmem:v47+s22+$0x0] =	vst.idx.msk $0xffff, v48  }
0x1e2: {  	v47 =	vbroadcast v56, $0x0;
	v48 =	vld [tilespmem:s15+$0x300]  }
0x1e3: {  	s14 =	spop (v2sf);
	p3 =	seq.s32 s7, $0x1;
	v57 =	vadd.s32 v17, v46  }
0x1e4: {  	p5 =	seq.s32 s14, $0x1;
	p4 =	seq.s32 s7, $0x0;
	v58 =	vpsel p3, v37, v41;
	v59 =	vadd.s32 v17, v47  }
0x1e5: {  	p6 =	seq.s32 s14, $0x0;
	v60 =	vpsel p5, v37, v41;
	v51 =	vpsel p4, v33, v58  }
0x1e6: {  	v61 =	vpsel p6, v33, v60;
	v50 =	vadd.f32 v63, v51  }
0x1e7: {  	v48 =	vadd.f32 v48, v61  }
0x1e8: {  	[tilespmem:v57+s22+$0x0] =	vst.idx.msk $0xffff, v50  }
0x1e9: {  	v49 =	vld [tilespmem:s15+$0xFFFFFF10];
	[tilespmem:v59+s22+$0x0] =	vst.idx.msk $0xffff, v48  }
0x1ea: {  	v48 =	vld [tilespmem:s15+$0x310]  }
0x1eb: {  	v62 =	vadd.s32 v18, v46  }
0x1ec: {  	v63 =	vpsel p3, v38, v42;
	v56 =	vadd.s32 v18, v47  }
0x1ed: {  	v51 =	vpsel p4, v34, v63;
	v57 =	vpsel p5, v38, v42  }
0x1ee: {  	v58 =	vpsel p6, v34, v57;
	v49 =	vadd.f32 v49, v51  }
0x1ef: {  	v48 =	vadd.f32 v48, v58  }
0x1f0: {  	[tilespmem:v62+s22+$0x0] =	vst.idx.msk $0xffff, v49  }
0x1f1: {  	v49 =	vld [tilespmem:s15+$0xFFFFFF20];
	[tilespmem:v56+s22+$0x0] =	vst.idx.msk $0xffff, v48  }
0x1f2: {  	v48 =	vld [tilespmem:s15+$0x320]  }
0x1f3: {  	v59 =	vadd.s32 v19, v46  }
0x1f4: {  	(v2sf) =	vpush v45, $0xD;
	v60 =	vpsel p3, v39, v43;
	v61 =	vadd.s32 v19, v47  }
0x1f5: {  	v51 =	vpsel p4, v35, v60;
	v62 =	vpsel p5, v39, v43  }
0x1f6: {  	v63 =	vpsel p6, v35, v62;
	v49 =	vadd.f32 v49, v51  }
0x1f7: {  	v48 =	vadd.f32 v48, v63  }
0x1f8: {  	[tilespmem:v59+s22+$0x0] =	vst.idx.msk $0xffff, v49  }
0x1f9: {  	v49 =	vld [tilespmem:s15+$0xFFFFFF30];
	[tilespmem:v61+s22+$0x0] =	vst.idx.msk $0xffff, v48  }
0x1fa: {  	v48 =	vld [tilespmem:s15+$0x330]  }
0x1fb: {  	v46 =	vadd.s32 v20, v46  }
0x1fc: {  	v53 =	vpsel p3, v40, v44;
	v47 =	vadd.s32 v20, v47  }
0x1fd: {  	s17 =	sadd.s32 $0xFFFFFFEE, s1;
	v54 =	vpsel p5, v40, v44;
	v50 =	vpsel p4, v36, v53  }
0x1fe: {  	s18 =	sadd.s32 $0xFFFFFFFE, s1;
	v55 =	vmov s17;
	v51 =	vpsel p6, v36, v54;
	v49 =	vadd.f32 v49, v50  }
0x1ff: {  	v56 =	vmov s18;
	v50 =	vshrl.u32 v55, $0x3;
	v48 =	vadd.f32 v48, v51  }
0x200: {  	v58 =	vshrl.u32 v56, $0x3;
	v57 =	vshll.u32 v50, v1;
	[tilespmem:v46+s22+$0x0] =	vst.idx.msk $0xffff, v49  }
0x201: {  	v60 =	vshll.u32 v58, v1;
	v46 =	vbroadcast v57, $0x0;
	v59 =	vld [tilespmem:s15+$0xFFFFFF40];
	[tilespmem:v47+s22+$0x0] =	vst.idx.msk $0xffff, v48  }
0x202: {  	v47 =	vbroadcast v60, $0x0;
	v48 =	vld [tilespmem:s15+$0x340]  }
0x203: {  	s19 =	spop (v2sf);
	p3 =	seq.s32 s5, $0x1;
	v61 =	vadd.s32 v21, v46  }
0x204: {  	p4 =	seq.s32 s5, $0x0;
	p5 =	seq.s32 s19, $0x1;
	v62 =	vpsel p3, v37, v41;
	v63 =	vadd.s32 v21, v47  }
0x205: {  	p6 =	seq.s32 s19, $0x0;
	v56 =	vpsel p5, v37, v41;
	v51 =	vpsel p4, v33, v62  }
0x206: {  	v57 =	vpsel p6, v33, v56;
	v50 =	vadd.f32 v59, v51  }
0x207: {  	v48 =	vadd.f32 v48, v57  }
0x208: {  	[tilespmem:v61+s22+$0x0] =	vst.idx.msk $0xffff, v50  }
0x209: {  	v49 =	vld [tilespmem:s15+$0xFFFFFF50];
	[tilespmem:v63+s22+$0x0] =	vst.idx.msk $0xffff, v48  }
0x20a: {  	v48 =	vld [tilespmem:s15+$0x350]  }
0x20b: {  	v58 =	vadd.s32 v22, v46  }
0x20c: {  	v59 =	vpsel p3, v38, v42;
	v60 =	vadd.s32 v22, v47  }
0x20d: {  	v51 =	vpsel p4, v34, v59;
	v61 =	vpsel p5, v38, v42  }
0x20e: {  	v62 =	vpsel p6, v34, v61;
	v49 =	vadd.f32 v49, v51  }
0x20f: {  	v48 =	vadd.f32 v48, v62  }
0x210: {  	[tilespmem:v58+s22+$0x0] =	vst.idx.msk $0xffff, v49  }
0x211: {  	v49 =	vld [tilespmem:s15+$0xFFFFFF60];
	[tilespmem:v60+s22+$0x0] =	vst.idx.msk $0xffff, v48  }
0x212: {  	v48 =	vld [tilespmem:s15+$0x360]  }
0x213: {  	v63 =	vadd.s32 v23, v46  }
0x214: {  	(v2sf) =	vpush v45, $0xE;
	v56 =	vpsel p3, v39, v43;
	v57 =	vadd.s32 v23, v47  }
0x215: {  	v51 =	vpsel p4, v35, v56;
	v58 =	vpsel p5, v39, v43  }
0x216: {  	v59 =	vpsel p6, v35, v58;
	v49 =	vadd.f32 v49, v51  }
0x217: {  	v48 =	vadd.f32 v48, v59  }
0x218: {  	[tilespmem:v63+s22+$0x0] =	vst.idx.msk $0xffff, v49  }
0x219: {  	v49 =	vld [tilespmem:s15+$0xFFFFFF70];
	[tilespmem:v57+s22+$0x0] =	vst.idx.msk $0xffff, v48  }
0x21a: {  	v48 =	vld [tilespmem:s15+$0x370]  }
0x21b: {  	v46 =	vadd.s32 v24, v46  }
0x21c: {  	v47 =	vadd.s32 v24, v47;
	v60 =	vpsel p3, v40, v44  }
0x21d: {  	s20 =	sadd.s32 $0xFFFFFFEF, s1;
	v61 =	vpsel p5, v40, v44;
	v50 =	vpsel p4, v36, v60  }
0x21e: {  	s21 =	sadd.s32 $0xFFFFFFFF, s1;
	v62 =	vmov s20;
	v51 =	vpsel p6, v36, v61;
	v49 =	vadd.f32 v49, v50  }
0x21f: {  	v63 =	vmov s21;
	v50 =	vshrl.u32 v62, $0x3;
	v48 =	vadd.f32 v48, v51  }
0x220: {  	v55 =	vshrl.u32 v63, $0x3;
	v54 =	vshll.u32 v50, v1;
	[tilespmem:v46+s22+$0x0] =	vst.idx.msk $0xffff, v49  }
0x221: {  	v57 =	vshll.u32 v55, v1;
	v46 =	vbroadcast v54, $0x0;
	v56 =	vld [tilespmem:s15+$0xFFFFFF80];
	[tilespmem:v47+s22+$0x0] =	vst.idx.msk $0xffff, v48  }
0x222: {  	v47 =	vbroadcast v57, $0x0;
	v48 =	vld [tilespmem:s15+$0x380]  }
0x223: {  	s24 =	spop (v2sf);
	p3 =	seq.s32 s13, $0x1;
	v58 =	vadd.s32 v25, v46  }
0x224: {  	p5 =	seq.s32 s24, $0x1;
	p4 =	seq.s32 s13, $0x0;
	v59 =	vpsel p3, v37, v41;
	v60 =	vadd.s32 v25, v47  }
0x225: {  	p6 =	seq.s32 s24, $0x0;
	v61 =	vpsel p5, v37, v41;
	v51 =	vpsel p4, v33, v59  }
0x226: {  	v62 =	vpsel p6, v33, v61;
	v50 =	vadd.f32 v56, v51  }
0x227: {  	v48 =	vadd.f32 v48, v62  }
0x228: {  	[tilespmem:v58+s22+$0x0] =	vst.idx.msk $0xffff, v50  }
0x229: {  	v49 =	vld [tilespmem:s15+$0xFFFFFF90];
	[tilespmem:v60+s22+$0x0] =	vst.idx.msk $0xffff, v48  }
0x22a: {  	v48 =	vld [tilespmem:s15+$0x390]  }
0x22b: {  	v63 =	vadd.s32 v26, v46  }
0x22c: {  	v56 =	vpsel p3, v38, v42;
	v57 =	vadd.s32 v26, v47  }
0x22d: {  	v51 =	vpsel p4, v34, v56;
	v58 =	vpsel p5, v38, v42  }
0x22e: {  	v59 =	vpsel p6, v34, v58;
	v49 =	vadd.f32 v49, v51  }
0x22f: {  	v48 =	vadd.f32 v48, v59  }
0x230: {  	[tilespmem:v63+s22+$0x0] =	vst.idx.msk $0xffff, v49  }
0x231: {  	v49 =	vld [tilespmem:s15+$0xFFFFFFA0];
	[tilespmem:v57+s22+$0x0] =	vst.idx.msk $0xffff, v48  }
0x232: {  	v48 =	vld [tilespmem:s15+$0x3A0]  }
0x233: {  	v60 =	vadd.s32 v27, v46  }
0x234: {  	(v2sf) =	vpush v45, $0xF;
	v61 =	vpsel p3, v39, v43;
	v62 =	vadd.s32 v27, v47  }
0x235: {  	v54 =	vpsel p5, v39, v43;
	v63 =	vpsel p4, v35, v61  }
0x236: {  	v55 =	vpsel p6, v35, v54;
	v45 =	vadd.f32 v49, v63  }
0x237: {  	v48 =	vadd.f32 v48, v55  }
0x238: {  	[tilespmem:v60+s22+$0x0] =	vst.idx.msk $0xffff, v45  }
0x239: {  	v45 =	vld [tilespmem:s15+$0xFFFFFFB0];
	[tilespmem:v62+s22+$0x0] =	vst.idx.msk $0xffff, v48  }
0x23a: {  	v48 =	vld [tilespmem:s15+$0x3B0]  }
0x23b: {  	v46 =	vadd.s32 v28, v46  }
0x23c: {  	v56 =	vpsel p3, v40, v44;
	v47 =	vadd.s32 v28, v47  }
0x23d: {  	s26 =	sadd.s32 $0xFFFFFFF0, s1;
	v49 =	vpsel p4, v36, v56;
	v57 =	vpsel p5, v40, v44  }
0x23e: {  	v58 =	vmov s26;
	v50 =	vpsel p6, v36, v57;
	v45 =	vadd.f32 v45, v49  }
0x23f: {  	v59 =	vmov s1;
	v49 =	vshrl.u32 v58, $0x3;
	v48 =	vadd.f32 v48, v50  }
0x240: {  	v61 =	vshrl.u32 v59, $0x3;
	v60 =	vshll.u32 v49, v1;
	[tilespmem:v46+s22+$0x0] =	vst.idx.msk $0xffff, v45  }
0x241: {  	v45 =	vbroadcast v60, $0x0;
	v46 =	vshll.u32 v61, v1;
	v62 =	vld [tilespmem:s15+$0xFFFFFFC0];
	[tilespmem:v47+s22+$0x0] =	vst.idx.msk $0xffff, v48  }
0x242: {  	v46 =	vbroadcast v46, $0x0;
	v47 =	vld [tilespmem:s15+$0x3C0]  }
0x243: {  	s31 =	spop (v2sf);
	p3 =	seq.s32 s29, $0x1;
	v63 =	vadd.s32 v29, v45  }
0x244: {  	p4 =	seq.s32 s29, $0x0;
	v56 =	vpsel p3, v37, v41;
	p5 =	seq.s32 s31, $0x1;
	v57 =	vadd.s32 v29, v46  }
0x245: {  	p6 =	seq.s32 s31, $0x0;
	v58 =	vpsel p5, v37, v41;
	v50 =	vpsel p4, v33, v56  }
0x246: {  	v59 =	vpsel p6, v33, v58;
	v49 =	vadd.f32 v62, v50  }
0x247: {  	v47 =	vadd.f32 v47, v59  }
0x248: {  	[tilespmem:v63+s22+$0x0] =	vst.idx.msk $0xffff, v49  }
0x249: {  	v48 =	vld [tilespmem:s15+$0xFFFFFFD0];
	[tilespmem:v57+s22+$0x0] =	vst.idx.msk $0xffff, v47  }
0x24a: {  	v47 =	vld [tilespmem:s15+$0x3D0]  }
0x24b: {  	v60 =	vadd.s32 v30, v45  }
0x24c: {  	v61 =	vpsel p3, v38, v42;
	v62 =	vadd.s32 v30, v46  }
0x24d: {  	v50 =	vpsel p4, v34, v61;
	v63 =	vpsel p5, v38, v42  }
0x24e: {  	v55 =	vpsel p6, v34, v63;
	v48 =	vadd.f32 v48, v50  }
0x24f: {  	v47 =	vadd.f32 v47, v55  }
0x250: {  	[tilespmem:v60+s22+$0x0] =	vst.idx.msk $0xffff, v48  }
0x251: {  	v48 =	vld [tilespmem:s15+$0xFFFFFFE0];
	[tilespmem:v62+s22+$0x0] =	vst.idx.msk $0xffff, v47  }
0x252: {  	v47 =	vld [tilespmem:s15+$0x3E0]  }
0x253: {  	v56 =	vadd.s32 v31, v45  }
0x254: {  	v58 =	vadd.s32 v31, v46;
	v57 =	vpsel p3, v39, v43  }
0x255: {  	v59 =	vpsel p5, v39, v43;
	v50 =	vpsel p4, v35, v57  }
0x256: {  	v60 =	vpsel p6, v35, v59;
	v48 =	vadd.f32 v48, v50  }
0x257: {  	v47 =	vadd.f32 v47, v60  }
0x258: {  	[tilespmem:v56+s22+$0x0] =	vst.idx.msk $0xffff, v48  }
0x259: {  	v48 =	vld [tilespmem:s15+$0xFFFFFFF0];
	[tilespmem:v58+s22+$0x0] =	vst.idx.msk $0xffff, v47  }
0x25a: {  	v47 =	vld [tilespmem:s15+$0x3F0]  }
0x25b: {  	s30 =	sadd.s32 $0x2, s30;
	v45 =	vadd.s32 v32, v45  }
0x25c: {  	p0 =	slt.u32 s30, $0xE;
	v61 =	vpsel p3, v40, v44;
	v46 =	vadd.s32 v32, v46  }
.Ltmp2:
0x25d: {  	v49 =	vpsel p4, v36, v61;
	v62 =	vpsel p5, v40, v44;
	(pc) =	sbr.rel @p0 .LBB2_8-.Ltmp2, $4  }
0x25e: {  	v63 =	vpsel p6, v36, v62;
	v48 =	vadd.f32 v48, v49  }
0x25f: {  	v47 =	vadd.f32 v47, v63  }
0x260: {  	[tilespmem:v45+s22+$0x0] =	vst.idx.msk $0xffff, v48  }
0x261: {  	s16 =	sadd.s32 $0x20, s16;
	s1 =	sadd.s32 $0x20, s1;
	s15 =	sadd.s32 $0x800, s15;
	[tilespmem:v46+s22+$0x0] =	vst.idx.msk $0xffff, v47  }
0x262: {  	s30 =	sadd.s32 $0x1, s0  }
0x263: {  	p0 =	slt.s32 s30, $0x31;
	s1 =	smov.u32 s30  }
0x264: {  	s26 =	sshll.u32 s0, $0x14;
	s29 =	rddreg [dreg:$0x2];
	s1 =	simm.s32 @!p0 $0x31  }
0x265: {  	s0 =	sor.u32 s29, s26;
	s1 =	sshll.u32 s1, $0x9  }
0x266: {  	s24 =	simm.s32 $0xC8C0;
	s0 =	sshrl.u32 s0, $0x3;
	s31 =	sand.u32 $0x3FFFFE00, s1  }
0x267: {  	[tilespmem:s24], [sflag:$0x1] =	stream.indirect.gather [hbm4b:s4+s23], $0x40, s31, s23, $0xb8;
	[tilespmem:$0x1CCC0] =	vst v63  }
0x268: {  	s3 =	simm.s32 $0x148C0;
	s1 =	sadd.s32 s6, s0  }
0x269: {  	[hbm4b:s1+s2] =	stream.linear.scatter [tilespmem:s3], [sflag:$0x3], $0x100, $0x38;
	[tilespmem:$0x1CCC0] =	vst v63  }
0x26a: {  	s3 =	simm.s32 $0x420  }
.LBB2_10:
0x26b: {  	p0 =	sne.s32 s3, $0x103E0  }
.Ltmp3:
0x26c: {  	_ = 	snop;
	(pc) =	sbr.rel @p0 .LBB2_10-.Ltmp3, $4  }
0x26d: {  	_ = 	snop  }
0x26e: {  	s5 =	sshra.s32 s3, $0x2;
	s3 =	sadd.s32 $0x420, s3  }
0x26f: {  	s1 =	sadd.s32 $0x800, s1;
	s5 =	sadd.s32 $0x148C0, s5  }
0x270: {  	[hbm4b:s1+s2] =	stream.linear.scatter [tilespmem:s5], [sflag:$0x3], $0x100, $0x38;
	[tilespmem:$0x1CCC0] =	vst v63  }
0x271: {  	s1 =	simm.s32 $0x2  }
0x272: {  	_ =	swait.ge [sflag:s1], $0x4000  }
0x273: {  	[sflag:s1] =	ssyncset.done $0x0  }
0x274: {  	s26 =	simm.s32 $0x4;
	[sflag:s1] =	ssyncadd.s32 $0xFFFFC000  }
0x275: {  	_ =	swait.ge [sflag:s26], $0x4000  }
0x276: {  	s15 =	simm.s32 $0x1F;
	s16 =	simm.s32 $0x10CC0;
	[sflag:s26] =	ssyncset.done $0x0  }
0x277: {  	s29 =	smov.u32 s12;
	s1 =	simm.s32 $0xFFFFFFFE;
	[sflag:s26] =	ssyncadd.s32 $0xFFFFC000  }
.LBB2_12:
0x278: {  	v46 =	vld [tilespmem:s29+$0xFFFFFFF0];
	_ =	sdelay $0x4  }
0x279: {  	(v2sf) =	vpush v46, $0x0  }
0x27a: {  	(v2sf) =	vpush v46, $0x1  }
0x27b: {  	(v2sf) =	vpush v46, $0x2  }
0x27c: {  	(v2sf) =	vpush v46, $0x3  }
0x27d: {  	(v2sf) =	vpush v46, $0x4  }
0x27e: {  	(v2sf) =	vpush v46, $0x5  }
0x27f: {  	(v2sf) =	vpush v46, $0x6  }
0x280: {  	(v2sf) =	vpush v46, $0x7  }
0x281: {  	(v2sf) =	vpush v46, $0x8  }
0x282: {  	(v2sf) =	vpush v46, $0x9  }
0x283: {  	(v2sf) =	vpush v46, $0xA  }
0x284: {  	v45 =	vld [tilespmem:s29+$0x0];
	(v2sf) =	vpush v46, $0xB  }
0x285: {  	(v2sf) =	vpush v46, $0xC  }
0x286: {  	(v2sf) =	vpush v46, $0xD  }
0x287: {  	(v2sf) =	vpush v46, $0xE  }
0x288: {  	s23 =	spop (v2sf);
	(v2sf) =	vpush v46, $0xF  }
0x289: {  	s21 =	spop (v2sf);
	(v2sf) =	vpush v45, $0x0  }
0x28a: {  	s20 =	spop (v2sf)  }
0x28b: {  	s17 =	spop (v2sf)  }
0x28c: {  	s3 =	spop (v2sf)  }
0x28d: {  	s19 =	spop (v2sf)  }
0x28e: {  	s18 =	spop (v2sf)  }
0x28f: {  	s26 =	spop (v2sf)  }
0x290: {  	s14 =	spop (v2sf)  }
0x291: {  	s9 =	spop (v2sf)  }
0x292: {  	s5 =	sadd.s32 $0xFFFFFFE1, s15;
	s10 =	spop (v2sf)  }
0x293: {  	s13 =	sadd.s32 $0xFFFFFFF1, s15;
	v58 =	vmov s5;
	s11 =	spop (v2sf)  }
0x294: {  	v47 =	vmov s13;
	v46 =	vshrl.u32 v58, $0x3;
	s8 =	spop (v2sf)  }
0x295: {  	v47 =	vshrl.u32 v47, $0x3;
	v46 =	vshll.u32 v46, v1;
	s7 =	spop (v2sf)  }
0x296: {  	v48 =	vld [tilespmem:s16+$0xFFFFFC00];
	v47 =	vshll.u32 v47, v1;
	v46 =	vbroadcast v46, $0x0;
	s5 =	spop (v2sf)  }
0x297: {  	v49 =	vld [tilespmem:s16+$0x0];
	v47 =	vbroadcast v47, $0x0;
	s13 =	spop (v2sf)  }
0x298: {  	p0 =	seq.s32 s23, $0x1;
	v50 =	vadd.s32 v0, v46;
	s24 =	spop (v2sf)  }
0x299: {  	v52 =	vadd.s32 v0, v47;
	p1 =	seq.s32 s23, $0x0;
	v51 =	vpsel p0, v37, v41;
	p3 =	seq.s32 s24, $0x1  }
0x29a: {  	v51 =	vpsel p1, v33, v51;
	p2 =	seq.s32 s24, $0x0;
	v53 =	vpsel p3, v37, v41  }
0x29b: {  	v48 =	vadd.f32 v51, v48;
	v59 =	vpsel p2, v33, v53  }
0x29c: {  	v49 =	vadd.f32 v59, v49  }
0x29d: {  	[tilespmem:v50+s25+$0x0] =	vst.idx.msk $0xffff, v48  }
0x29e: {  	v48 =	vld [tilespmem:s16+$0xFFFFFC10];
	[tilespmem:v52+s25+$0x0] =	vst.idx.msk $0xffff, v49  }
0x29f: {  	v49 =	vld [tilespmem:s16+$0x10]  }
0x2a0: {  	v60 =	vadd.s32 v2, v46  }
0x2a1: {  	v62 =	vadd.s32 v2, v47;
	v61 =	vpsel p0, v38, v42  }
0x2a2: {  	v51 =	vpsel p1, v34, v61;
	v63 =	vpsel p3, v38, v42  }
0x2a3: {  	v48 =	vadd.f32 v51, v48;
	v56 =	vpsel p2, v34, v63  }
0x2a4: {  	v49 =	vadd.f32 v56, v49  }
0x2a5: {  	[tilespmem:v60+s25+$0x0] =	vst.idx.msk $0xffff, v48  }
0x2a6: {  	v48 =	vld [tilespmem:s16+$0xFFFFFC20];
	[tilespmem:v62+s25+$0x0] =	vst.idx.msk $0xffff, v49  }
0x2a7: {  	v49 =	vld [tilespmem:s16+$0x20]  }
0x2a8: {  	v57 =	vadd.s32 v3, v46  }
0x2a9: {  	v58 =	vpsel p0, v39, v43;
	(v2sf) =	vpush v45, $0x1;
	v59 =	vadd.s32 v3, v47  }
0x2aa: {  	v51 =	vpsel p1, v35, v58;
	v60 =	vpsel p3, v39, v43  }
0x2ab: {  	v61 =	vpsel p2, v35, v60;
	v48 =	vadd.f32 v48, v51  }
0x2ac: {  	v49 =	vadd.f32 v49, v61  }
0x2ad: {  	[tilespmem:v57+s25+$0x0] =	vst.idx.msk $0xffff, v48  }
0x2ae: {  	v48 =	vld [tilespmem:s16+$0xFFFFFC30];
	[tilespmem:v59+s25+$0x0] =	vst.idx.msk $0xffff, v49  }
0x2af: {  	v49 =	vld [tilespmem:s16+$0x30]  }
0x2b0: {  	v46 =	vadd.s32 v4, v46  }
0x2b1: {  	v47 =	vadd.s32 v4, v47;
	v62 =	vpsel p0, v40, v44  }
0x2b2: {  	s24 =	sadd.s32 $0xFFFFFFE2, s15;
	v63 =	vpsel p3, v40, v44;
	v50 =	vpsel p1, v36, v62  }
0x2b3: {  	v54 =	vmov s24;
	s24 =	sadd.s32 $0xFFFFFFF2, s15;
	v51 =	vpsel p2, v36, v63;
	v48 =	vadd.f32 v48, v50  }
0x2b4: {  	v55 =	vmov s24;
	v50 =	vshrl.u32 v54, $0x3;
	v49 =	vadd.f32 v49, v51  }
0x2b5: {  	v57 =	vshrl.u32 v55, $0x3;
	v56 =	vshll.u32 v50, v1;
	[tilespmem:v46+s25+$0x0] =	vst.idx.msk $0xffff, v48  }
0x2b6: {  	v46 =	vbroadcast v56, $0x0;
	v58 =	vld [tilespmem:s16+$0xFFFFFC40];
	v59 =	vshll.u32 v57, v1;
	[tilespmem:v47+s25+$0x0] =	vst.idx.msk $0xffff, v49  }
0x2b7: {  	v47 =	vbroadcast v59, $0x0;
	v60 =	vld [tilespmem:s16+$0x40]  }
0x2b8: {  	p3 =	seq.s32 s21, $0x1;
	s24 =	spop (v2sf);
	v61 =	vadd.s32 v5, v46  }
0x2b9: {  	p4 =	seq.s32 s21, $0x0;
	v62 =	vpsel p3, v37, v41;
	p5 =	seq.s32 s24, $0x1;
	v63 =	vadd.s32 v5, v47  }
0x2ba: {  	p6 =	seq.s32 s24, $0x0;
	v56 =	vpsel p5, v37, v41;
	v51 =	vpsel p4, v33, v62  }
0x2bb: {  	v57 =	vpsel p6, v33, v56;
	v50 =	vadd.f32 v58, v51  }
0x2bc: {  	v48 =	vadd.f32 v60, v57  }
0x2bd: {  	[tilespmem:v61+s25+$0x0] =	vst.idx.msk $0xffff, v50  }
0x2be: {  	v49 =	vld [tilespmem:s16+$0xFFFFFC50];
	[tilespmem:v63+s25+$0x0] =	vst.idx.msk $0xffff, v48  }
0x2bf: {  	v48 =	vld [tilespmem:s16+$0x50]  }
0x2c0: {  	v58 =	vadd.s32 v6, v46  }
0x2c1: {  	v59 =	vpsel p3, v38, v42;
	v60 =	vadd.s32 v6, v47  }
0x2c2: {  	v51 =	vpsel p4, v34, v59;
	v61 =	vpsel p5, v38, v42  }
0x2c3: {  	v62 =	vpsel p6, v34, v61;
	v49 =	vadd.f32 v49, v51  }
0x2c4: {  	v48 =	vadd.f32 v48, v62  }
0x2c5: {  	[tilespmem:v58+s25+$0x0] =	vst.idx.msk $0xffff, v49  }
0x2c6: {  	v49 =	vld [tilespmem:s16+$0xFFFFFC60];
	[tilespmem:v60+s25+$0x0] =	vst.idx.msk $0xffff, v48  }
0x2c7: {  	v48 =	vld [tilespmem:s16+$0x60]  }
0x2c8: {  	v63 =	vadd.s32 v7, v46  }
0x2c9: {  	(v2sf) =	vpush v45, $0x2;
	v56 =	vpsel p3, v39, v43;
	v57 =	vadd.s32 v7, v47  }
0x2ca: {  	v51 =	vpsel p4, v35, v56;
	v58 =	vpsel p5, v39, v43  }
0x2cb: {  	v59 =	vpsel p6, v35, v58;
	v49 =	vadd.f32 v49, v51  }
0x2cc: {  	v48 =	vadd.f32 v48, v59  }
0x2cd: {  	[tilespmem:v63+s25+$0x0] =	vst.idx.msk $0xffff, v49  }
0x2ce: {  	v49 =	vld [tilespmem:s16+$0xFFFFFC70];
	[tilespmem:v57+s25+$0x0] =	vst.idx.msk $0xffff, v48  }
0x2cf: {  	v48 =	vld [tilespmem:s16+$0x70]  }
0x2d0: {  	v46 =	vadd.s32 v8, v46  }
0x2d1: {  	v47 =	vadd.s32 v8, v47;
	v60 =	vpsel p3, v40, v44  }
0x2d2: {  	s24 =	sadd.s32 $0xFFFFFFE3, s15;
	v61 =	vpsel p5, v40, v44;
	v50 =	vpsel p4, v36, v60  }
0x2d3: {  	s23 =	sadd.s32 $0xFFFFFFF3, s15;
	v62 =	vmov s24;
	v51 =	vpsel p6, v36, v61;
	v49 =	vadd.f32 v49, v50  }
0x2d4: {  	v63 =	vmov s23;
	v50 =	vshrl.u32 v62, $0x3;
	v48 =	vadd.f32 v48, v51  }
0x2d5: {  	v55 =	vshrl.u32 v63, $0x3;
	v54 =	vshll.u32 v50, v1;
	[tilespmem:v46+s25+$0x0] =	vst.idx.msk $0xffff, v49  }
0x2d6: {  	v57 =	vshll.u32 v55, v1;
	v46 =	vbroadcast v54, $0x0;
	v56 =	vld [tilespmem:s16+$0xFFFFFC80];
	[tilespmem:v47+s25+$0x0] =	vst.idx.msk $0xffff, v48  }
0x2d7: {  	v47 =	vbroadcast v57, $0x0;
	v48 =	vld [tilespmem:s16+$0x80]  }
0x2d8: {  	s24 =	spop (v2sf);
	p3 =	seq.s32 s20, $0x1;
	v58 =	vadd.s32 v9, v46  }
0x2d9: {  	p5 =	seq.s32 s24, $0x1;
	p4 =	seq.s32 s20, $0x0;
	v59 =	vpsel p3, v37, v41;
	v60 =	vadd.s32 v9, v47  }
0x2da: {  	p6 =	seq.s32 s24, $0x0;
	v61 =	vpsel p5, v37, v41;
	v51 =	vpsel p4, v33, v59  }
0x2db: {  	v62 =	vpsel p6, v33, v61;
	v50 =	vadd.f32 v56, v51  }
0x2dc: {  	v48 =	vadd.f32 v48, v62  }
0x2dd: {  	[tilespmem:v58+s25+$0x0] =	vst.idx.msk $0xffff, v50  }
0x2de: {  	v49 =	vld [tilespmem:s16+$0xFFFFFC90];
	[tilespmem:v60+s25+$0x0] =	vst.idx.msk $0xffff, v48  }
0x2df: {  	v48 =	vld [tilespmem:s16+$0x90]  }
0x2e0: {  	v63 =	vadd.s32 v10, v46  }
0x2e1: {  	v56 =	vpsel p3, v38, v42;
	v57 =	vadd.s32 v10, v47  }
0x2e2: {  	v51 =	vpsel p4, v34, v56;
	v58 =	vpsel p5, v38, v42  }
0x2e3: {  	v59 =	vpsel p6, v34, v58;
	v49 =	vadd.f32 v49, v51  }
0x2e4: {  	v48 =	vadd.f32 v48, v59  }
0x2e5: {  	[tilespmem:v63+s25+$0x0] =	vst.idx.msk $0xffff, v49  }
0x2e6: {  	v49 =	vld [tilespmem:s16+$0xFFFFFCA0];
	[tilespmem:v57+s25+$0x0] =	vst.idx.msk $0xffff, v48  }
0x2e7: {  	v48 =	vld [tilespmem:s16+$0xA0]  }
0x2e8: {  	v60 =	vadd.s32 v11, v46  }
0x2e9: {  	(v2sf) =	vpush v45, $0x3;
	v61 =	vpsel p3, v39, v43;
	v62 =	vadd.s32 v11, v47  }
0x2ea: {  	v51 =	vpsel p4, v35, v61;
	v63 =	vpsel p5, v39, v43  }
0x2eb: {  	v56 =	vpsel p6, v35, v63;
	v49 =	vadd.f32 v49, v51  }
0x2ec: {  	v48 =	vadd.f32 v48, v56  }
0x2ed: {  	[tilespmem:v60+s25+$0x0] =	vst.idx.msk $0xffff, v49  }
0x2ee: {  	v49 =	vld [tilespmem:s16+$0xFFFFFCB0];
	[tilespmem:v62+s25+$0x0] =	vst.idx.msk $0xffff, v48  }
0x2ef: {  	v48 =	vld [tilespmem:s16+$0xB0]  }
0x2f0: {  	v46 =	vadd.s32 v12, v46  }
0x2f1: {  	v47 =	vadd.s32 v12, v47;
	v57 =	vpsel p3, v40, v44  }
0x2f2: {  	s21 =	sadd.s32 $0xFFFFFFE4, s15;
	v58 =	vpsel p5, v40, v44;
	v50 =	vpsel p4, v36, v57  }
0x2f3: {  	s23 =	sadd.s32 $0xFFFFFFF4, s15;
	v59 =	vmov s21;
	v51 =	vpsel p6, v36, v58;
	v49 =	vadd.f32 v49, v50  }
0x2f4: {  	v60 =	vmov s23;
	v50 =	vshrl.u32 v59, $0x3;
	v48 =	vadd.f32 v48, v51  }
0x2f5: {  	v61 =	vshll.u32 v50, v1;
	v62 =	vshrl.u32 v60, $0x3;
	[tilespmem:v46+s25+$0x0] =	vst.idx.msk $0xffff, v49  }
0x2f6: {  	v46 =	vbroadcast v61, $0x0;
	v56 =	vshll.u32 v62, v1;
	v63 =	vld [tilespmem:s16+$0xFFFFFCC0];
	[tilespmem:v47+s25+$0x0] =	vst.idx.msk $0xffff, v48  }
0x2f7: {  	v47 =	vbroadcast v56, $0x0;
	v48 =	vld [tilespmem:s16+$0xC0]  }
0x2f8: {  	s24 =	spop (v2sf);
	p3 =	seq.s32 s17, $0x1;
	v57 =	vadd.s32 v13, v46  }
0x2f9: {  	p5 =	seq.s32 s24, $0x1;
	p4 =	seq.s32 s17, $0x0;
	v58 =	vpsel p3, v37, v41;
	v59 =	vadd.s32 v13, v47  }
0x2fa: {  	p6 =	seq.s32 s24, $0x0;
	v60 =	vpsel p5, v37, v41;
	v51 =	vpsel p4, v33, v58  }
0x2fb: {  	v61 =	vpsel p6, v33, v60;
	v50 =	vadd.f32 v63, v51  }
0x2fc: {  	v48 =	vadd.f32 v48, v61  }
0x2fd: {  	[tilespmem:v57+s25+$0x0] =	vst.idx.msk $0xffff, v50  }
0x2fe: {  	v49 =	vld [tilespmem:s16+$0xFFFFFCD0];
	[tilespmem:v59+s25+$0x0] =	vst.idx.msk $0xffff, v48  }
0x2ff: {  	v48 =	vld [tilespmem:s16+$0xD0]  }
0x300: {  	v62 =	vadd.s32 v14, v46  }
0x301: {  	v63 =	vpsel p3, v38, v42;
	v56 =	vadd.s32 v14, v47  }
0x302: {  	v51 =	vpsel p4, v34, v63;
	v57 =	vpsel p5, v38, v42  }
0x303: {  	v58 =	vpsel p6, v34, v57;
	v49 =	vadd.f32 v49, v51  }
0x304: {  	v48 =	vadd.f32 v48, v58  }
0x305: {  	[tilespmem:v62+s25+$0x0] =	vst.idx.msk $0xffff, v49  }
0x306: {  	v49 =	vld [tilespmem:s16+$0xFFFFFCE0];
	[tilespmem:v56+s25+$0x0] =	vst.idx.msk $0xffff, v48  }
0x307: {  	v48 =	vld [tilespmem:s16+$0xE0]  }
0x308: {  	v59 =	vadd.s32 v15, v46  }
0x309: {  	(v2sf) =	vpush v45, $0x4;
	v60 =	vpsel p3, v39, v43;
	v61 =	vadd.s32 v15, v47  }
0x30a: {  	v51 =	vpsel p4, v35, v60;
	v62 =	vpsel p5, v39, v43  }
0x30b: {  	v63 =	vpsel p6, v35, v62;
	v49 =	vadd.f32 v49, v51  }
0x30c: {  	v48 =	vadd.f32 v48, v63  }
0x30d: {  	[tilespmem:v59+s25+$0x0] =	vst.idx.msk $0xffff, v49  }
0x30e: {  	v49 =	vld [tilespmem:s16+$0xFFFFFCF0];
	[tilespmem:v61+s25+$0x0] =	vst.idx.msk $0xffff, v48  }
0x30f: {  	v48 =	vld [tilespmem:s16+$0xF0]  }
0x310: {  	v46 =	vadd.s32 v16, v46  }
0x311: {  	v53 =	vpsel p3, v40, v44;
	v47 =	vadd.s32 v16, v47  }
0x312: {  	v54 =	vpsel p5, v40, v44;
	s21 =	sadd.s32 $0xFFFFFFE5, s15;
	v50 =	vpsel p4, v36, v53  }
0x313: {  	v55 =	vmov s21;
	s23 =	sadd.s32 $0xFFFFFFF5, s15;
	v51 =	vpsel p6, v36, v54;
	v49 =	vadd.f32 v49, v50  }
0x314: {  	v56 =	vmov s23;
	v50 =	vshrl.u32 v55, $0x3;
	v48 =	vadd.f32 v48, v51  }
0x315: {  	v58 =	vshrl.u32 v56, $0x3;
	v57 =	vshll.u32 v50, v1;
	[tilespmem:v46+s25+$0x0] =	vst.idx.msk $0xffff, v49  }
0x316: {  	v60 =	vshll.u32 v58, v1;
	v46 =	vbroadcast v57, $0x0;
	v59 =	vld [tilespmem:s16+$0xFFFFFD00];
	[tilespmem:v47+s25+$0x0] =	vst.idx.msk $0xffff, v48  }
0x317: {  	v47 =	vbroadcast v60, $0x0;
	v48 =	vld [tilespmem:s16+$0x100]  }
0x318: {  	s24 =	spop (v2sf);
	p3 =	seq.s32 s3, $0x1;
	v61 =	vadd.s32 v17, v46  }
0x319: {  	p4 =	seq.s32 s3, $0x0;
	p5 =	seq.s32 s24, $0x1;
	v62 =	vpsel p3, v37, v41;
	v63 =	vadd.s32 v17, v47  }
0x31a: {  	p6 =	seq.s32 s24, $0x0;
	v56 =	vpsel p5, v37, v41;
	v51 =	vpsel p4, v33, v62  }
0x31b: {  	v57 =	vpsel p6, v33, v56;
	v50 =	vadd.f32 v59, v51  }
0x31c: {  	v48 =	vadd.f32 v48, v57  }
0x31d: {  	[tilespmem:v61+s25+$0x0] =	vst.idx.msk $0xffff, v50  }
0x31e: {  	v49 =	vld [tilespmem:s16+$0xFFFFFD10];
	[tilespmem:v63+s25+$0x0] =	vst.idx.msk $0xffff, v48  }
0x31f: {  	v48 =	vld [tilespmem:s16+$0x110]  }
0x320: {  	v58 =	vadd.s32 v18, v46  }
0x321: {  	v59 =	vpsel p3, v38, v42;
	v60 =	vadd.s32 v18, v47  }
0x322: {  	v51 =	vpsel p4, v34, v59;
	v61 =	vpsel p5, v38, v42  }
0x323: {  	v62 =	vpsel p6, v34, v61;
	v49 =	vadd.f32 v49, v51  }
0x324: {  	v48 =	vadd.f32 v48, v62  }
0x325: {  	[tilespmem:v58+s25+$0x0] =	vst.idx.msk $0xffff, v49  }
0x326: {  	v49 =	vld [tilespmem:s16+$0xFFFFFD20];
	[tilespmem:v60+s25+$0x0] =	vst.idx.msk $0xffff, v48  }
0x327: {  	v48 =	vld [tilespmem:s16+$0x120]  }
0x328: {  	v63 =	vadd.s32 v19, v46  }
0x329: {  	(v2sf) =	vpush v45, $0x5;
	v56 =	vpsel p3, v39, v43;
	v57 =	vadd.s32 v19, v47  }
0x32a: {  	v51 =	vpsel p4, v35, v56;
	v58 =	vpsel p5, v39, v43  }
0x32b: {  	v59 =	vpsel p6, v35, v58;
	v49 =	vadd.f32 v49, v51  }
0x32c: {  	v48 =	vadd.f32 v48, v59  }
0x32d: {  	[tilespmem:v63+s25+$0x0] =	vst.idx.msk $0xffff, v49  }
0x32e: {  	v49 =	vld [tilespmem:s16+$0xFFFFFD30];
	[tilespmem:v57+s25+$0x0] =	vst.idx.msk $0xffff, v48  }
0x32f: {  	v48 =	vld [tilespmem:s16+$0x130]  }
0x330: {  	v46 =	vadd.s32 v20, v46  }
0x331: {  	v47 =	vadd.s32 v20, v47;
	v60 =	vpsel p3, v40, v44  }
0x332: {  	s17 =	sadd.s32 $0xFFFFFFE6, s15;
	v61 =	vpsel p5, v40, v44;
	v50 =	vpsel p4, v36, v60  }
0x333: {  	s20 =	sadd.s32 $0xFFFFFFF6, s15;
	v62 =	vmov s17;
	v51 =	vpsel p6, v36, v61;
	v49 =	vadd.f32 v49, v50  }
0x334: {  	v63 =	vmov s20;
	v50 =	vshrl.u32 v62, $0x3;
	v48 =	vadd.f32 v48, v51  }
0x335: {  	v55 =	vshrl.u32 v63, $0x3;
	v54 =	vshll.u32 v50, v1;
	[tilespmem:v46+s25+$0x0] =	vst.idx.msk $0xffff, v49  }
0x336: {  	v57 =	vshll.u32 v55, v1;
	v46 =	vbroadcast v54, $0x0;
	v56 =	vld [tilespmem:s16+$0xFFFFFD40];
	[tilespmem:v47+s25+$0x0] =	vst.idx.msk $0xffff, v48  }
0x337: {  	v47 =	vbroadcast v57, $0x0;
	v48 =	vld [tilespmem:s16+$0x140]  }
0x338: {  	s21 =	spop (v2sf);
	p3 =	seq.s32 s19, $0x1;
	v58 =	vadd.s32 v21, v46  }
0x339: {  	p5 =	seq.s32 s21, $0x1;
	p4 =	seq.s32 s19, $0x0;
	v59 =	vpsel p3, v37, v41;
	v60 =	vadd.s32 v21, v47  }
0x33a: {  	p6 =	seq.s32 s21, $0x0;
	v61 =	vpsel p5, v37, v41;
	v51 =	vpsel p4, v33, v59  }
0x33b: {  	v62 =	vpsel p6, v33, v61;
	v50 =	vadd.f32 v56, v51  }
0x33c: {  	v48 =	vadd.f32 v48, v62  }
0x33d: {  	[tilespmem:v58+s25+$0x0] =	vst.idx.msk $0xffff, v50  }
0x33e: {  	v49 =	vld [tilespmem:s16+$0xFFFFFD50];
	[tilespmem:v60+s25+$0x0] =	vst.idx.msk $0xffff, v48  }
0x33f: {  	v48 =	vld [tilespmem:s16+$0x150]  }
0x340: {  	v63 =	vadd.s32 v22, v46  }
0x341: {  	v56 =	vpsel p3, v38, v42;
	v57 =	vadd.s32 v22, v47  }
0x342: {  	v51 =	vpsel p4, v34, v56;
	v58 =	vpsel p5, v38, v42  }
0x343: {  	v59 =	vpsel p6, v34, v58;
	v49 =	vadd.f32 v49, v51  }
0x344: {  	v48 =	vadd.f32 v48, v59  }
0x345: {  	[tilespmem:v63+s25+$0x0] =	vst.idx.msk $0xffff, v49  }
0x346: {  	v49 =	vld [tilespmem:s16+$0xFFFFFD60];
	[tilespmem:v57+s25+$0x0] =	vst.idx.msk $0xffff, v48  }
0x347: {  	v48 =	vld [tilespmem:s16+$0x160]  }
0x348: {  	v60 =	vadd.s32 v23, v46  }
0x349: {  	(v2sf) =	vpush v45, $0x6;
	v61 =	vpsel p3, v39, v43;
	v62 =	vadd.s32 v23, v47  }
0x34a: {  	v51 =	vpsel p4, v35, v61;
	v63 =	vpsel p5, v39, v43  }
0x34b: {  	v56 =	vpsel p6, v35, v63;
	v49 =	vadd.f32 v49, v51  }
0x34c: {  	v48 =	vadd.f32 v48, v56  }
0x34d: {  	[tilespmem:v60+s25+$0x0] =	vst.idx.msk $0xffff, v49  }
0x34e: {  	v49 =	vld [tilespmem:s16+$0xFFFFFD70];
	[tilespmem:v62+s25+$0x0] =	vst.idx.msk $0xffff, v48  }
0x34f: {  	v48 =	vld [tilespmem:s16+$0x170]  }
0x350: {  	v46 =	vadd.s32 v24, v46  }
0x351: {  	v47 =	vadd.s32 v24, v47;
	v57 =	vpsel p3, v40, v44  }
0x352: {  	s23 =	sadd.s32 $0xFFFFFFE7, s15;
	v58 =	vpsel p5, v40, v44;
	v50 =	vpsel p4, v36, v57  }
0x353: {  	s24 =	sadd.s32 $0xFFFFFFF7, s15;
	v59 =	vmov s23;
	v51 =	vpsel p6, v36, v58;
	v49 =	vadd.f32 v49, v50  }
0x354: {  	v60 =	vmov s24;
	v50 =	vshrl.u32 v59, $0x3;
	v48 =	vadd.f32 v48, v51  }
0x355: {  	v61 =	vshll.u32 v50, v1;
	v62 =	vshrl.u32 v60, $0x3;
	[tilespmem:v46+s25+$0x0] =	vst.idx.msk $0xffff, v49  }
0x356: {  	v46 =	vbroadcast v61, $0x0;
	v56 =	vshll.u32 v62, v1;
	v63 =	vld [tilespmem:s16+$0xFFFFFD80];
	[tilespmem:v47+s25+$0x0] =	vst.idx.msk $0xffff, v48  }
0x357: {  	v47 =	vbroadcast v56, $0x0;
	v48 =	vld [tilespmem:s16+$0x180]  }
0x358: {  	s17 =	spop (v2sf);
	p3 =	seq.s32 s18, $0x1;
	v57 =	vadd.s32 v25, v46  }
0x359: {  	p5 =	seq.s32 s17, $0x1;
	p4 =	seq.s32 s18, $0x0;
	v58 =	vpsel p3, v37, v41;
	v59 =	vadd.s32 v25, v47  }
0x35a: {  	p6 =	seq.s32 s17, $0x0;
	v60 =	vpsel p5, v37, v41;
	v51 =	vpsel p4, v33, v58  }
0x35b: {  	v61 =	vpsel p6, v33, v60;
	v50 =	vadd.f32 v63, v51  }
0x35c: {  	v48 =	vadd.f32 v48, v61  }
0x35d: {  	[tilespmem:v57+s25+$0x0] =	vst.idx.msk $0xffff, v50  }
0x35e: {  	v49 =	vld [tilespmem:s16+$0xFFFFFD90];
	[tilespmem:v59+s25+$0x0] =	vst.idx.msk $0xffff, v48  }
0x35f: {  	v48 =	vld [tilespmem:s16+$0x190]  }
0x360: {  	v62 =	vadd.s32 v26, v46  }
0x361: {  	v63 =	vpsel p3, v38, v42;
	v56 =	vadd.s32 v26, v47  }
0x362: {  	v51 =	vpsel p4, v34, v63;
	v57 =	vpsel p5, v38, v42  }
0x363: {  	v58 =	vpsel p6, v34, v57;
	v49 =	vadd.f32 v49, v51  }
0x364: {  	v48 =	vadd.f32 v48, v58  }
0x365: {  	[tilespmem:v62+s25+$0x0] =	vst.idx.msk $0xffff, v49  }
0x366: {  	v49 =	vld [tilespmem:s16+$0xFFFFFDA0];
	[tilespmem:v56+s25+$0x0] =	vst.idx.msk $0xffff, v48  }
0x367: {  	v48 =	vld [tilespmem:s16+$0x1A0]  }
0x368: {  	v59 =	vadd.s32 v27, v46  }
0x369: {  	(v2sf) =	vpush v45, $0x7;
	v60 =	vpsel p3, v39, v43;
	v61 =	vadd.s32 v27, v47  }
0x36a: {  	v51 =	vpsel p4, v35, v60;
	v62 =	vpsel p5, v39, v43  }
0x36b: {  	v63 =	vpsel p6, v35, v62;
	v49 =	vadd.f32 v49, v51  }
0x36c: {  	v48 =	vadd.f32 v48, v63  }
0x36d: {  	[tilespmem:v59+s25+$0x0] =	vst.idx.msk $0xffff, v49  }
0x36e: {  	v49 =	vld [tilespmem:s16+$0xFFFFFDB0];
	[tilespmem:v61+s25+$0x0] =	vst.idx.msk $0xffff, v48  }
0x36f: {  	v48 =	vld [tilespmem:s16+$0x1B0]  }
0x370: {  	v46 =	vadd.s32 v28, v46  }
0x371: {  	v53 =	vpsel p3, v40, v44;
	v47 =	vadd.s32 v28, v47  }
0x372: {  	s19 =	sadd.s32 $0xFFFFFFE8, s15;
	v54 =	vpsel p5, v40, v44;
	v50 =	vpsel p4, v36, v53  }
0x373: {  	s20 =	sadd.s32 $0xFFFFFFF8, s15;
	v55 =	vmov s19;
	v51 =	vpsel p6, v36, v54;
	v49 =	vadd.f32 v49, v50  }
0x374: {  	v56 =	vmov s20;
	v50 =	vshrl.u32 v55, $0x3;
	v48 =	vadd.f32 v48, v51  }
0x375: {  	v58 =	vshrl.u32 v56, $0x3;
	v57 =	vshll.u32 v50, v1;
	[tilespmem:v46+s25+$0x0] =	vst.idx.msk $0xffff, v49  }
0x376: {  	v60 =	vshll.u32 v58, v1;
	v46 =	vbroadcast v57, $0x0;
	v59 =	vld [tilespmem:s16+$0xFFFFFDC0];
	[tilespmem:v47+s25+$0x0] =	vst.idx.msk $0xffff, v48  }
0x377: {  	v47 =	vbroadcast v60, $0x0;
	v48 =	vld [tilespmem:s16+$0x1C0]  }
0x378: {  	s21 =	spop (v2sf);
	p3 =	seq.s32 s26, $0x1;
	v61 =	vadd.s32 v29, v46  }
0x379: {  	p4 =	seq.s32 s26, $0x0;
	p5 =	seq.s32 s21, $0x1;
	v62 =	vpsel p3, v37, v41;
	v63 =	vadd.s32 v29, v47  }
0x37a: {  	p6 =	seq.s32 s21, $0x0;
	v56 =	vpsel p5, v37, v41;
	v51 =	vpsel p4, v33, v62  }
0x37b: {  	v57 =	vpsel p6, v33, v56;
	v50 =	vadd.f32 v59, v51  }
0x37c: {  	v48 =	vadd.f32 v48, v57  }
0x37d: {  	[tilespmem:v61+s25+$0x0] =	vst.idx.msk $0xffff, v50  }
0x37e: {  	v49 =	vld [tilespmem:s16+$0xFFFFFDD0];
	[tilespmem:v63+s25+$0x0] =	vst.idx.msk $0xffff, v48  }
0x37f: {  	v48 =	vld [tilespmem:s16+$0x1D0]  }
0x380: {  	v58 =	vadd.s32 v30, v46  }
0x381: {  	v59 =	vpsel p3, v38, v42;
	v60 =	vadd.s32 v30, v47  }
0x382: {  	v51 =	vpsel p4, v34, v59;
	v61 =	vpsel p5, v38, v42  }
0x383: {  	v62 =	vpsel p6, v34, v61;
	v49 =	vadd.f32 v49, v51  }
0x384: {  	v48 =	vadd.f32 v48, v62  }
0x385: {  	[tilespmem:v58+s25+$0x0] =	vst.idx.msk $0xffff, v49  }
0x386: {  	v49 =	vld [tilespmem:s16+$0xFFFFFDE0];
	[tilespmem:v60+s25+$0x0] =	vst.idx.msk $0xffff, v48  }
0x387: {  	v48 =	vld [tilespmem:s16+$0x1E0]  }
0x388: {  	v63 =	vadd.s32 v31, v46  }
0x389: {  	(v2sf) =	vpush v45, $0x8;
	v56 =	vpsel p3, v39, v43;
	v57 =	vadd.s32 v31, v47  }
0x38a: {  	v51 =	vpsel p4, v35, v56;
	v58 =	vpsel p5, v39, v43  }
0x38b: {  	v59 =	vpsel p6, v35, v58;
	v49 =	vadd.f32 v49, v51  }
0x38c: {  	v48 =	vadd.f32 v48, v59  }
0x38d: {  	[tilespmem:v63+s25+$0x0] =	vst.idx.msk $0xffff, v49  }
0x38e: {  	v49 =	vld [tilespmem:s16+$0xFFFFFDF0];
	[tilespmem:v57+s25+$0x0] =	vst.idx.msk $0xffff, v48  }
0x38f: {  	v48 =	vld [tilespmem:s16+$0x1F0]  }
0x390: {  	v46 =	vadd.s32 v32, v46  }
0x391: {  	v47 =	vadd.s32 v32, v47;
	v60 =	vpsel p3, v40, v44  }
0x392: {  	s23 =	sadd.s32 $0xFFFFFFE9, s15;
	v61 =	vpsel p5, v40, v44;
	v50 =	vpsel p4, v36, v60  }
0x393: {  	s24 =	sadd.s32 $0xFFFFFFF9, s15;
	v62 =	vmov s23;
	v51 =	vpsel p6, v36, v61;
	v49 =	vadd.f32 v49, v50  }
0x394: {  	v63 =	vmov s24;
	v50 =	vshrl.u32 v62, $0x3;
	v48 =	vadd.f32 v48, v51  }
0x395: {  	v55 =	vshrl.u32 v63, $0x3;
	v54 =	vshll.u32 v50, v1;
	[tilespmem:v46+s25+$0x0] =	vst.idx.msk $0xffff, v49  }
0x396: {  	v57 =	vshll.u32 v55, v1;
	v46 =	vbroadcast v54, $0x0;
	v56 =	vld [tilespmem:s16+$0xFFFFFE00];
	[tilespmem:v47+s25+$0x0] =	vst.idx.msk $0xffff, v48  }
0x397: {  	v47 =	vbroadcast v57, $0x0;
	v48 =	vld [tilespmem:s16+$0x200]  }
0x398: {  	s26 =	spop (v2sf);
	p3 =	seq.s32 s14, $0x1;
	v58 =	vadd.s32 v0, v46  }
0x399: {  	p5 =	seq.s32 s26, $0x1;
	p4 =	seq.s32 s14, $0x0;
	v59 =	vpsel p3, v37, v41;
	v60 =	vadd.s32 v0, v47  }
0x39a: {  	p6 =	seq.s32 s26, $0x0;
	v61 =	vpsel p5, v37, v41;
	v51 =	vpsel p4, v33, v59  }
0x39b: {  	v62 =	vpsel p6, v33, v61;
	v50 =	vadd.f32 v56, v51  }
0x39c: {  	v48 =	vadd.f32 v48, v62  }
0x39d: {  	[tilespmem:v58+s25+$0x0] =	vst.idx.msk $0xffff, v50  }
0x39e: {  	v49 =	vld [tilespmem:s16+$0xFFFFFE10];
	[tilespmem:v60+s25+$0x0] =	vst.idx.msk $0xffff, v48  }
0x39f: {  	v48 =	vld [tilespmem:s16+$0x210]  }
0x3a0: {  	v63 =	vadd.s32 v2, v46  }
0x3a1: {  	v56 =	vpsel p3, v38, v42;
	v57 =	vadd.s32 v2, v47  }
0x3a2: {  	v51 =	vpsel p4, v34, v56;
	v58 =	vpsel p5, v38, v42  }
0x3a3: {  	v59 =	vpsel p6, v34, v58;
	v49 =	vadd.f32 v49, v51  }
0x3a4: {  	v48 =	vadd.f32 v48, v59  }
0x3a5: {  	[tilespmem:v63+s25+$0x0] =	vst.idx.msk $0xffff, v49  }
0x3a6: {  	v49 =	vld [tilespmem:s16+$0xFFFFFE20];
	[tilespmem:v57+s25+$0x0] =	vst.idx.msk $0xffff, v48  }
0x3a7: {  	v48 =	vld [tilespmem:s16+$0x220]  }
0x3a8: {  	v60 =	vadd.s32 v3, v46  }
0x3a9: {  	(v2sf) =	vpush v45, $0x9;
	v61 =	vpsel p3, v39, v43;
	v62 =	vadd.s32 v3, v47  }
0x3aa: {  	v51 =	vpsel p4, v35, v61;
	v63 =	vpsel p5, v39, v43  }
0x3ab: {  	v56 =	vpsel p6, v35, v63;
	v49 =	vadd.f32 v49, v51  }
0x3ac: {  	v48 =	vadd.f32 v48, v56  }
0x3ad: {  	[tilespmem:v60+s25+$0x0] =	vst.idx.msk $0xffff, v49  }
0x3ae: {  	v49 =	vld [tilespmem:s16+$0xFFFFFE30];
	[tilespmem:v62+s25+$0x0] =	vst.idx.msk $0xffff, v48  }
0x3af: {  	v48 =	vld [tilespmem:s16+$0x230]  }
0x3b0: {  	v46 =	vadd.s32 v4, v46  }
0x3b1: {  	v47 =	vadd.s32 v4, v47;
	v57 =	vpsel p3, v40, v44  }
0x3b2: {  	s17 =	sadd.s32 $0xFFFFFFEA, s15;
	v58 =	vpsel p5, v40, v44;
	v50 =	vpsel p4, v36, v57  }
0x3b3: {  	s18 =	sadd.s32 $0xFFFFFFFA, s15;
	v59 =	vmov s17;
	v51 =	vpsel p6, v36, v58;
	v49 =	vadd.f32 v49, v50  }
0x3b4: {  	v60 =	vmov s18;
	v50 =	vshrl.u32 v59, $0x3;
	v48 =	vadd.f32 v48, v51  }
0x3b5: {  	v61 =	vshll.u32 v50, v1;
	v62 =	vshrl.u32 v60, $0x3;
	[tilespmem:v46+s25+$0x0] =	vst.idx.msk $0xffff, v49  }
0x3b6: {  	v46 =	vbroadcast v61, $0x0;
	v56 =	vshll.u32 v62, v1;
	v63 =	vld [tilespmem:s16+$0xFFFFFE40];
	[tilespmem:v47+s25+$0x0] =	vst.idx.msk $0xffff, v48  }
0x3b7: {  	v47 =	vbroadcast v56, $0x0;
	v48 =	vld [tilespmem:s16+$0x240]  }
0x3b8: {  	s19 =	spop (v2sf);
	p3 =	seq.s32 s9, $0x1;
	v57 =	vadd.s32 v5, v46  }
0x3b9: {  	p5 =	seq.s32 s19, $0x1;
	p4 =	seq.s32 s9, $0x0;
	v58 =	vpsel p3, v37, v41;
	v59 =	vadd.s32 v5, v47  }
0x3ba: {  	p6 =	seq.s32 s19, $0x0;
	v60 =	vpsel p5, v37, v41;
	v51 =	vpsel p4, v33, v58  }
0x3bb: {  	v61 =	vpsel p6, v33, v60;
	v50 =	vadd.f32 v63, v51  }
0x3bc: {  	v48 =	vadd.f32 v48, v61  }
0x3bd: {  	[tilespmem:v57+s25+$0x0] =	vst.idx.msk $0xffff, v50  }
0x3be: {  	v49 =	vld [tilespmem:s16+$0xFFFFFE50];
	[tilespmem:v59+s25+$0x0] =	vst.idx.msk $0xffff, v48  }
0x3bf: {  	v48 =	vld [tilespmem:s16+$0x250]  }
0x3c0: {  	v62 =	vadd.s32 v6, v46  }
0x3c1: {  	v63 =	vpsel p3, v38, v42;
	v56 =	vadd.s32 v6, v47  }
0x3c2: {  	v51 =	vpsel p4, v34, v63;
	v57 =	vpsel p5, v38, v42  }
0x3c3: {  	v58 =	vpsel p6, v34, v57;
	v49 =	vadd.f32 v49, v51  }
0x3c4: {  	v48 =	vadd.f32 v48, v58  }
0x3c5: {  	[tilespmem:v62+s25+$0x0] =	vst.idx.msk $0xffff, v49  }
0x3c6: {  	v49 =	vld [tilespmem:s16+$0xFFFFFE60];
	[tilespmem:v56+s25+$0x0] =	vst.idx.msk $0xffff, v48  }
0x3c7: {  	v48 =	vld [tilespmem:s16+$0x260]  }
0x3c8: {  	v59 =	vadd.s32 v7, v46  }
0x3c9: {  	(v2sf) =	vpush v45, $0xA;
	v60 =	vpsel p3, v39, v43;
	v61 =	vadd.s32 v7, v47  }
0x3ca: {  	v51 =	vpsel p4, v35, v60;
	v62 =	vpsel p5, v39, v43  }
0x3cb: {  	v63 =	vpsel p6, v35, v62;
	v49 =	vadd.f32 v49, v51  }
0x3cc: {  	v48 =	vadd.f32 v48, v63  }
0x3cd: {  	[tilespmem:v59+s25+$0x0] =	vst.idx.msk $0xffff, v49  }
0x3ce: {  	v49 =	vld [tilespmem:s16+$0xFFFFFE70];
	[tilespmem:v61+s25+$0x0] =	vst.idx.msk $0xffff, v48  }
0x3cf: {  	v48 =	vld [tilespmem:s16+$0x270]  }
0x3d0: {  	v46 =	vadd.s32 v8, v46  }
0x3d1: {  	v53 =	vpsel p3, v40, v44;
	v47 =	vadd.s32 v8, v47  }
0x3d2: {  	s20 =	sadd.s32 $0xFFFFFFEB, s15;
	v54 =	vpsel p5, v40, v44;
	v50 =	vpsel p4, v36, v53  }
0x3d3: {  	s21 =	sadd.s32 $0xFFFFFFFB, s15;
	v55 =	vmov s20;
	v51 =	vpsel p6, v36, v54;
	v49 =	vadd.f32 v49, v50  }
0x3d4: {  	v56 =	vmov s21;
	v50 =	vshrl.u32 v55, $0x3;
	v48 =	vadd.f32 v48, v51  }
0x3d5: {  	v58 =	vshrl.u32 v56, $0x3;
	v57 =	vshll.u32 v50, v1;
	[tilespmem:v46+s25+$0x0] =	vst.idx.msk $0xffff, v49  }
0x3d6: {  	v60 =	vshll.u32 v58, v1;
	v46 =	vbroadcast v57, $0x0;
	v59 =	vld [tilespmem:s16+$0xFFFFFE80];
	[tilespmem:v47+s25+$0x0] =	vst.idx.msk $0xffff, v48  }
0x3d7: {  	v47 =	vbroadcast v60, $0x0;
	v48 =	vld [tilespmem:s16+$0x280]  }
0x3d8: {  	s23 =	spop (v2sf);
	p3 =	seq.s32 s10, $0x1;
	v61 =	vadd.s32 v9, v46  }
0x3d9: {  	p4 =	seq.s32 s10, $0x0;
	p5 =	seq.s32 s23, $0x1;
	v62 =	vpsel p3, v37, v41;
	v63 =	vadd.s32 v9, v47  }
0x3da: {  	p6 =	seq.s32 s23, $0x0;
	v56 =	vpsel p5, v37, v41;
	v51 =	vpsel p4, v33, v62  }
0x3db: {  	v57 =	vpsel p6, v33, v56;
	v50 =	vadd.f32 v59, v51  }
0x3dc: {  	v48 =	vadd.f32 v48, v57  }
0x3dd: {  	[tilespmem:v61+s25+$0x0] =	vst.idx.msk $0xffff, v50  }
0x3de: {  	v49 =	vld [tilespmem:s16+$0xFFFFFE90];
	[tilespmem:v63+s25+$0x0] =	vst.idx.msk $0xffff, v48  }
0x3df: {  	v48 =	vld [tilespmem:s16+$0x290]  }
0x3e0: {  	v58 =	vadd.s32 v10, v46  }
0x3e1: {  	v59 =	vpsel p3, v38, v42;
	v60 =	vadd.s32 v10, v47  }
0x3e2: {  	v51 =	vpsel p4, v34, v59;
	v61 =	vpsel p5, v38, v42  }
0x3e3: {  	v62 =	vpsel p6, v34, v61;
	v49 =	vadd.f32 v49, v51  }
0x3e4: {  	v48 =	vadd.f32 v48, v62  }
0x3e5: {  	[tilespmem:v58+s25+$0x0] =	vst.idx.msk $0xffff, v49  }
0x3e6: {  	v49 =	vld [tilespmem:s16+$0xFFFFFEA0];
	[tilespmem:v60+s25+$0x0] =	vst.idx.msk $0xffff, v48  }
0x3e7: {  	v48 =	vld [tilespmem:s16+$0x2A0]  }
0x3e8: {  	v63 =	vadd.s32 v11, v46  }
0x3e9: {  	(v2sf) =	vpush v45, $0xB;
	v56 =	vpsel p3, v39, v43;
	v57 =	vadd.s32 v11, v47  }
0x3ea: {  	v51 =	vpsel p4, v35, v56;
	v58 =	vpsel p5, v39, v43  }
0x3eb: {  	v59 =	vpsel p6, v35, v58;
	v49 =	vadd.f32 v49, v51  }
0x3ec: {  	v48 =	vadd.f32 v48, v59  }
0x3ed: {  	[tilespmem:v63+s25+$0x0] =	vst.idx.msk $0xffff, v49  }
0x3ee: {  	v49 =	vld [tilespmem:s16+$0xFFFFFEB0];
	[tilespmem:v57+s25+$0x0] =	vst.idx.msk $0xffff, v48  }
0x3ef: {  	v48 =	vld [tilespmem:s16+$0x2B0]  }
0x3f0: {  	v46 =	vadd.s32 v12, v46  }
0x3f1: {  	v47 =	vadd.s32 v12, v47;
	v60 =	vpsel p3, v40, v44  }
0x3f2: {  	s24 =	sadd.s32 $0xFFFFFFEC, s15;
	v61 =	vpsel p5, v40, v44;
	v50 =	vpsel p4, v36, v60  }
0x3f3: {  	s26 =	sadd.s32 $0xFFFFFFFC, s15;
	v62 =	vmov s24;
	v51 =	vpsel p6, v36, v61;
	v49 =	vadd.f32 v49, v50  }
0x3f4: {  	v63 =	vmov s26;
	v50 =	vshrl.u32 v62, $0x3;
	v48 =	vadd.f32 v48, v51  }
0x3f5: {  	v55 =	vshrl.u32 v63, $0x3;
	v54 =	vshll.u32 v50, v1;
	[tilespmem:v46+s25+$0x0] =	vst.idx.msk $0xffff, v49  }
0x3f6: {  	v57 =	vshll.u32 v55, v1;
	v46 =	vbroadcast v54, $0x0;
	v56 =	vld [tilespmem:s16+$0xFFFFFEC0];
	[tilespmem:v47+s25+$0x0] =	vst.idx.msk $0xffff, v48  }
0x3f7: {  	v47 =	vbroadcast v57, $0x0;
	v48 =	vld [tilespmem:s16+$0x2C0]  }
0x3f8: {  	s9 =	spop (v2sf);
	p3 =	seq.s32 s11, $0x1;
	v58 =	vadd.s32 v13, v46  }
0x3f9: {  	p5 =	seq.s32 s9, $0x1;
	p4 =	seq.s32 s11, $0x0;
	v59 =	vpsel p3, v37, v41;
	v60 =	vadd.s32 v13, v47  }
0x3fa: {  	p6 =	seq.s32 s9, $0x0;
	v61 =	vpsel p5, v37, v41;
	v51 =	vpsel p4, v33, v59  }
0x3fb: {  	v62 =	vpsel p6, v33, v61;
	v50 =	vadd.f32 v56, v51  }
0x3fc: {  	v48 =	vadd.f32 v48, v62  }
0x3fd: {  	[tilespmem:v58+s25+$0x0] =	vst.idx.msk $0xffff, v50  }
0x3fe: {  	v49 =	vld [tilespmem:s16+$0xFFFFFED0];
	[tilespmem:v60+s25+$0x0] =	vst.idx.msk $0xffff, v48  }
0x3ff: {  	v48 =	vld [tilespmem:s16+$0x2D0]  }
0x400: {  	v63 =	vadd.s32 v14, v46  }
0x401: {  	v56 =	vpsel p3, v38, v42;
	v57 =	vadd.s32 v14, v47  }
0x402: {  	v51 =	vpsel p4, v34, v56;
	v58 =	vpsel p5, v38, v42  }
0x403: {  	v59 =	vpsel p6, v34, v58;
	v49 =	vadd.f32 v49, v51  }
0x404: {  	v48 =	vadd.f32 v48, v59  }
0x405: {  	[tilespmem:v63+s25+$0x0] =	vst.idx.msk $0xffff, v49  }
0x406: {  	v49 =	vld [tilespmem:s16+$0xFFFFFEE0];
	[tilespmem:v57+s25+$0x0] =	vst.idx.msk $0xffff, v48  }
0x407: {  	v48 =	vld [tilespmem:s16+$0x2E0]  }
0x408: {  	v60 =	vadd.s32 v15, v46  }
0x409: {  	(v2sf) =	vpush v45, $0xC;
	v61 =	vpsel p3, v39, v43;
	v62 =	vadd.s32 v15, v47  }
0x40a: {  	v51 =	vpsel p4, v35, v61;
	v63 =	vpsel p5, v39, v43  }
0x40b: {  	v56 =	vpsel p6, v35, v63;
	v49 =	vadd.f32 v49, v51  }
0x40c: {  	v48 =	vadd.f32 v48, v56  }
0x40d: {  	[tilespmem:v60+s25+$0x0] =	vst.idx.msk $0xffff, v49  }
0x40e: {  	v49 =	vld [tilespmem:s16+$0xFFFFFEF0];
	[tilespmem:v62+s25+$0x0] =	vst.idx.msk $0xffff, v48  }
0x40f: {  	v48 =	vld [tilespmem:s16+$0x2F0]  }
0x410: {  	v46 =	vadd.s32 v16, v46  }
0x411: {  	v47 =	vadd.s32 v16, v47;
	v57 =	vpsel p3, v40, v44  }
0x412: {  	s10 =	sadd.s32 $0xFFFFFFED, s15;
	v58 =	vpsel p5, v40, v44;
	v50 =	vpsel p4, v36, v57  }
0x413: {  	s11 =	sadd.s32 $0xFFFFFFFD, s15;
	v59 =	vmov s10;
	v51 =	vpsel p6, v36, v58;
	v49 =	vadd.f32 v49, v50  }
0x414: {  	v60 =	vmov s11;
	v50 =	vshrl.u32 v59, $0x3;
	v48 =	vadd.f32 v48, v51  }
0x415: {  	v61 =	vshll.u32 v50, v1;
	v62 =	vshrl.u32 v60, $0x3;
	[tilespmem:v46+s25+$0x0] =	vst.idx.msk $0xffff, v49  }
0x416: {  	v46 =	vbroadcast v61, $0x0;
	v56 =	vshll.u32 v62, v1;
	v63 =	vld [tilespmem:s16+$0xFFFFFF00];
	[tilespmem:v47+s25+$0x0] =	vst.idx.msk $0xffff, v48  }
0x417: {  	v47 =	vbroadcast v56, $0x0;
	v48 =	vld [tilespmem:s16+$0x300]  }
0x418: {  	s14 =	spop (v2sf);
	p3 =	seq.s32 s8, $0x1;
	v57 =	vadd.s32 v17, v46  }
0x419: {  	p5 =	seq.s32 s14, $0x1;
	p4 =	seq.s32 s8, $0x0;
	v58 =	vpsel p3, v37, v41;
	v59 =	vadd.s32 v17, v47  }
0x41a: {  	p6 =	seq.s32 s14, $0x0;
	v60 =	vpsel p5, v37, v41;
	v51 =	vpsel p4, v33, v58  }
0x41b: {  	v61 =	vpsel p6, v33, v60;
	v50 =	vadd.f32 v63, v51  }
0x41c: {  	v48 =	vadd.f32 v48, v61  }
0x41d: {  	[tilespmem:v57+s25+$0x0] =	vst.idx.msk $0xffff, v50  }
0x41e: {  	v49 =	vld [tilespmem:s16+$0xFFFFFF10];
	[tilespmem:v59+s25+$0x0] =	vst.idx.msk $0xffff, v48  }
0x41f: {  	v48 =	vld [tilespmem:s16+$0x310]  }
0x420: {  	v62 =	vadd.s32 v18, v46  }
0x421: {  	v63 =	vpsel p3, v38, v42;
	v56 =	vadd.s32 v18, v47  }
0x422: {  	v51 =	vpsel p4, v34, v63;
	v57 =	vpsel p5, v38, v42  }
0x423: {  	v58 =	vpsel p6, v34, v57;
	v49 =	vadd.f32 v49, v51  }
0x424: {  	v48 =	vadd.f32 v48, v58  }
0x425: {  	[tilespmem:v62+s25+$0x0] =	vst.idx.msk $0xffff, v49  }
0x426: {  	v49 =	vld [tilespmem:s16+$0xFFFFFF20];
	[tilespmem:v56+s25+$0x0] =	vst.idx.msk $0xffff, v48  }
0x427: {  	v48 =	vld [tilespmem:s16+$0x320]  }
0x428: {  	v59 =	vadd.s32 v19, v46  }
0x429: {  	(v2sf) =	vpush v45, $0xD;
	v60 =	vpsel p3, v39, v43;
	v61 =	vadd.s32 v19, v47  }
0x42a: {  	v51 =	vpsel p4, v35, v60;
	v62 =	vpsel p5, v39, v43  }
0x42b: {  	v63 =	vpsel p6, v35, v62;
	v49 =	vadd.f32 v49, v51  }
0x42c: {  	v48 =	vadd.f32 v48, v63  }
0x42d: {  	[tilespmem:v59+s25+$0x0] =	vst.idx.msk $0xffff, v49  }
0x42e: {  	v49 =	vld [tilespmem:s16+$0xFFFFFF30];
	[tilespmem:v61+s25+$0x0] =	vst.idx.msk $0xffff, v48  }
0x42f: {  	v48 =	vld [tilespmem:s16+$0x330]  }
0x430: {  	v46 =	vadd.s32 v20, v46  }
0x431: {  	v53 =	vpsel p3, v40, v44;
	v47 =	vadd.s32 v20, v47  }
0x432: {  	s17 =	sadd.s32 $0xFFFFFFEE, s15;
	v54 =	vpsel p5, v40, v44;
	v50 =	vpsel p4, v36, v53  }
0x433: {  	s18 =	sadd.s32 $0xFFFFFFFE, s15;
	v55 =	vmov s17;
	v51 =	vpsel p6, v36, v54;
	v49 =	vadd.f32 v49, v50  }
0x434: {  	v56 =	vmov s18;
	v50 =	vshrl.u32 v55, $0x3;
	v48 =	vadd.f32 v48, v51  }
0x435: {  	v58 =	vshrl.u32 v56, $0x3;
	v57 =	vshll.u32 v50, v1;
	[tilespmem:v46+s25+$0x0] =	vst.idx.msk $0xffff, v49  }
0x436: {  	v60 =	vshll.u32 v58, v1;
	v46 =	vbroadcast v57, $0x0;
	v59 =	vld [tilespmem:s16+$0xFFFFFF40];
	[tilespmem:v47+s25+$0x0] =	vst.idx.msk $0xffff, v48  }
0x437: {  	v47 =	vbroadcast v60, $0x0;
	v48 =	vld [tilespmem:s16+$0x340]  }
0x438: {  	s19 =	spop (v2sf);
	p3 =	seq.s32 s7, $0x1;
	v61 =	vadd.s32 v21, v46  }
0x439: {  	p4 =	seq.s32 s7, $0x0;
	p5 =	seq.s32 s19, $0x1;
	v62 =	vpsel p3, v37, v41;
	v63 =	vadd.s32 v21, v47  }
0x43a: {  	p6 =	seq.s32 s19, $0x0;
	v56 =	vpsel p5, v37, v41;
	v51 =	vpsel p4, v33, v62  }
0x43b: {  	v57 =	vpsel p6, v33, v56;
	v50 =	vadd.f32 v59, v51  }
0x43c: {  	v48 =	vadd.f32 v48, v57  }
0x43d: {  	[tilespmem:v61+s25+$0x0] =	vst.idx.msk $0xffff, v50  }
0x43e: {  	v49 =	vld [tilespmem:s16+$0xFFFFFF50];
	[tilespmem:v63+s25+$0x0] =	vst.idx.msk $0xffff, v48  }
0x43f: {  	v48 =	vld [tilespmem:s16+$0x350]  }
0x440: {  	v58 =	vadd.s32 v22, v46  }
0x441: {  	v59 =	vpsel p3, v38, v42;
	v60 =	vadd.s32 v22, v47  }
0x442: {  	v51 =	vpsel p4, v34, v59;
	v61 =	vpsel p5, v38, v42  }
0x443: {  	v62 =	vpsel p6, v34, v61;
	v49 =	vadd.f32 v49, v51  }
0x444: {  	v48 =	vadd.f32 v48, v62  }
0x445: {  	[tilespmem:v58+s25+$0x0] =	vst.idx.msk $0xffff, v49  }
0x446: {  	v49 =	vld [tilespmem:s16+$0xFFFFFF60];
	[tilespmem:v60+s25+$0x0] =	vst.idx.msk $0xffff, v48  }
0x447: {  	v48 =	vld [tilespmem:s16+$0x360]  }
0x448: {  	v63 =	vadd.s32 v23, v46  }
0x449: {  	(v2sf) =	vpush v45, $0xE;
	v56 =	vpsel p3, v39, v43;
	v57 =	vadd.s32 v23, v47  }
0x44a: {  	v51 =	vpsel p4, v35, v56;
	v58 =	vpsel p5, v39, v43  }
0x44b: {  	v59 =	vpsel p6, v35, v58;
	v49 =	vadd.f32 v49, v51  }
0x44c: {  	v48 =	vadd.f32 v48, v59  }
0x44d: {  	[tilespmem:v63+s25+$0x0] =	vst.idx.msk $0xffff, v49  }
0x44e: {  	v49 =	vld [tilespmem:s16+$0xFFFFFF70];
	[tilespmem:v57+s25+$0x0] =	vst.idx.msk $0xffff, v48  }
0x44f: {  	v48 =	vld [tilespmem:s16+$0x370]  }
0x450: {  	v46 =	vadd.s32 v24, v46  }
0x451: {  	v47 =	vadd.s32 v24, v47;
	v60 =	vpsel p3, v40, v44  }
0x452: {  	s20 =	sadd.s32 $0xFFFFFFEF, s15;
	v61 =	vpsel p5, v40, v44;
	v50 =	vpsel p4, v36, v60  }
0x453: {  	s21 =	sadd.s32 $0xFFFFFFFF, s15;
	v62 =	vmov s20;
	v51 =	vpsel p6, v36, v61;
	v49 =	vadd.f32 v49, v50  }
0x454: {  	v63 =	vmov s21;
	v50 =	vshrl.u32 v62, $0x3;
	v48 =	vadd.f32 v48, v51  }
0x455: {  	v55 =	vshrl.u32 v63, $0x3;
	v54 =	vshll.u32 v50, v1;
	[tilespmem:v46+s25+$0x0] =	vst.idx.msk $0xffff, v49  }
0x456: {  	v57 =	vshll.u32 v55, v1;
	v46 =	vbroadcast v54, $0x0;
	v56 =	vld [tilespmem:s16+$0xFFFFFF80];
	[tilespmem:v47+s25+$0x0] =	vst.idx.msk $0xffff, v48  }
0x457: {  	v47 =	vbroadcast v57, $0x0;
	v48 =	vld [tilespmem:s16+$0x380]  }
0x458: {  	s23 =	spop (v2sf);
	p3 =	seq.s32 s5, $0x1;
	v58 =	vadd.s32 v25, v46  }
0x459: {  	p5 =	seq.s32 s23, $0x1;
	p4 =	seq.s32 s5, $0x0;
	v59 =	vpsel p3, v37, v41;
	v60 =	vadd.s32 v25, v47  }
0x45a: {  	p6 =	seq.s32 s23, $0x0;
	v61 =	vpsel p5, v37, v41;
	v51 =	vpsel p4, v33, v59  }
0x45b: {  	v62 =	vpsel p6, v33, v61;
	v50 =	vadd.f32 v56, v51  }
0x45c: {  	v48 =	vadd.f32 v48, v62  }
0x45d: {  	[tilespmem:v58+s25+$0x0] =	vst.idx.msk $0xffff, v50  }
0x45e: {  	v49 =	vld [tilespmem:s16+$0xFFFFFF90];
	[tilespmem:v60+s25+$0x0] =	vst.idx.msk $0xffff, v48  }
0x45f: {  	v48 =	vld [tilespmem:s16+$0x390]  }
0x460: {  	v63 =	vadd.s32 v26, v46  }
0x461: {  	v56 =	vpsel p3, v38, v42;
	v57 =	vadd.s32 v26, v47  }
0x462: {  	v51 =	vpsel p4, v34, v56;
	v58 =	vpsel p5, v38, v42  }
0x463: {  	v59 =	vpsel p6, v34, v58;
	v49 =	vadd.f32 v49, v51  }
0x464: {  	v48 =	vadd.f32 v48, v59  }
0x465: {  	[tilespmem:v63+s25+$0x0] =	vst.idx.msk $0xffff, v49  }
0x466: {  	v49 =	vld [tilespmem:s16+$0xFFFFFFA0];
	[tilespmem:v57+s25+$0x0] =	vst.idx.msk $0xffff, v48  }
0x467: {  	v48 =	vld [tilespmem:s16+$0x3A0]  }
0x468: {  	v60 =	vadd.s32 v27, v46  }
0x469: {  	(v2sf) =	vpush v45, $0xF;
	v61 =	vpsel p3, v39, v43;
	v62 =	vadd.s32 v27, v47  }
0x46a: {  	v54 =	vpsel p5, v39, v43;
	v63 =	vpsel p4, v35, v61  }
0x46b: {  	v55 =	vpsel p6, v35, v54;
	v45 =	vadd.f32 v49, v63  }
0x46c: {  	v48 =	vadd.f32 v48, v55  }
0x46d: {  	[tilespmem:v60+s25+$0x0] =	vst.idx.msk $0xffff, v45  }
0x46e: {  	v45 =	vld [tilespmem:s16+$0xFFFFFFB0];
	[tilespmem:v62+s25+$0x0] =	vst.idx.msk $0xffff, v48  }
0x46f: {  	v48 =	vld [tilespmem:s16+$0x3B0]  }
0x470: {  	v46 =	vadd.s32 v28, v46  }
0x471: {  	v56 =	vpsel p3, v40, v44;
	v47 =	vadd.s32 v28, v47  }
0x472: {  	s24 =	sadd.s32 $0xFFFFFFF0, s15;
	v49 =	vpsel p4, v36, v56;
	v57 =	vpsel p5, v40, v44  }
0x473: {  	v58 =	vmov s24;
	v50 =	vpsel p6, v36, v57;
	v45 =	vadd.f32 v45, v49  }
0x474: {  	v59 =	vmov s15;
	v49 =	vshrl.u32 v58, $0x3;
	v48 =	vadd.f32 v48, v50  }
0x475: {  	v61 =	vshrl.u32 v59, $0x3;
	v60 =	vshll.u32 v49, v1;
	[tilespmem:v46+s25+$0x0] =	vst.idx.msk $0xffff, v45  }
0x476: {  	v45 =	vbroadcast v60, $0x0;
	v46 =	vshll.u32 v61, v1;
	v62 =	vld [tilespmem:s16+$0xFFFFFFC0];
	[tilespmem:v47+s25+$0x0] =	vst.idx.msk $0xffff, v48  }
0x477: {  	v46 =	vbroadcast v46, $0x0;
	v47 =	vld [tilespmem:s16+$0x3C0]  }
0x478: {  	s26 =	spop (v2sf);
	p3 =	seq.s32 s13, $0x1;
	v63 =	vadd.s32 v29, v45  }
0x479: {  	p4 =	seq.s32 s13, $0x0;
	v56 =	vpsel p3, v37, v41;
	p5 =	seq.s32 s26, $0x1;
	v57 =	vadd.s32 v29, v46  }
0x47a: {  	p6 =	seq.s32 s26, $0x0;
	v58 =	vpsel p5, v37, v41;
	v50 =	vpsel p4, v33, v56  }
0x47b: {  	v59 =	vpsel p6, v33, v58;
	v49 =	vadd.f32 v62, v50  }
0x47c: {  	v47 =	vadd.f32 v47, v59  }
0x47d: {  	[tilespmem:v63+s25+$0x0] =	vst.idx.msk $0xffff, v49  }
0x47e: {  	v48 =	vld [tilespmem:s16+$0xFFFFFFD0];
	[tilespmem:v57+s25+$0x0] =	vst.idx.msk $0xffff, v47  }
0x47f: {  	v47 =	vld [tilespmem:s16+$0x3D0]  }
0x480: {  	v60 =	vadd.s32 v30, v45  }
0x481: {  	v61 =	vpsel p3, v38, v42;
	v62 =	vadd.s32 v30, v46  }
0x482: {  	v50 =	vpsel p4, v34, v61;
	v63 =	vpsel p5, v38, v42  }
0x483: {  	v55 =	vpsel p6, v34, v63;
	v48 =	vadd.f32 v48, v50  }
0x484: {  	v47 =	vadd.f32 v47, v55  }
0x485: {  	[tilespmem:v60+s25+$0x0] =	vst.idx.msk $0xffff, v48  }
0x486: {  	v48 =	vld [tilespmem:s16+$0xFFFFFFE0];
	[tilespmem:v62+s25+$0x0] =	vst.idx.msk $0xffff, v47  }
0x487: {  	v47 =	vld [tilespmem:s16+$0x3E0]  }
0x488: {  	v56 =	vadd.s32 v31, v45  }
0x489: {  	v58 =	vadd.s32 v31, v46;
	v57 =	vpsel p3, v39, v43  }
0x48a: {  	v59 =	vpsel p5, v39, v43;
	v50 =	vpsel p4, v35, v57  }
0x48b: {  	v60 =	vpsel p6, v35, v59;
	v48 =	vadd.f32 v48, v50  }
0x48c: {  	v47 =	vadd.f32 v47, v60  }
0x48d: {  	[tilespmem:v56+s25+$0x0] =	vst.idx.msk $0xffff, v48  }
0x48e: {  	v48 =	vld [tilespmem:s16+$0xFFFFFFF0];
	[tilespmem:v58+s25+$0x0] =	vst.idx.msk $0xffff, v47  }
0x48f: {  	v47 =	vld [tilespmem:s16+$0x3F0]  }
0x490: {  	s1 =	sadd.s32 $0x2, s1;
	v45 =	vadd.s32 v32, v45  }
0x491: {  	p0 =	slt.u32 s1, $0xE;
	v61 =	vpsel p3, v40, v44;
	v46 =	vadd.s32 v32, v46  }
.Ltmp4:
0x492: {  	v49 =	vpsel p4, v36, v61;
	v62 =	vpsel p5, v40, v44;
	(pc) =	sbr.rel @p0 .LBB2_12-.Ltmp4, $4  }
0x493: {  	v63 =	vpsel p6, v36, v62;
	v48 =	vadd.f32 v48, v49  }
0x494: {  	v47 =	vadd.f32 v47, v63  }
0x495: {  	[tilespmem:v45+s25+$0x0] =	vst.idx.msk $0xffff, v48  }
0x496: {  	s29 =	sadd.s32 $0x20, s29;
	s15 =	sadd.s32 $0x20, s15;
	s16 =	sadd.s32 $0x800, s16;
	[tilespmem:v46+s25+$0x0] =	vst.idx.msk $0xffff, v47  }
0x497: {  	s1 =	sadd.s32 $0x100, s31  }
0x498: {  	s23 =	simm.s32 $0x100;
	s3 =	simm.s32 $0x108C0;
	s0 =	sadd.s32 s0, s6  }
0x499: {  	[tilespmem:s3], [sflag:$0x2] =	stream.indirect.gather [hbm4b:s4+s23], $0x40, s1, s23, $0xb8;
	[tilespmem:$0x1CCC0] =	vst v63  }
0x49a: {  	s31 =	simm.s32 $0x18AC0;
	s0 =	sadd.s32 $0x20, s0;
	s1 =	simm.s32 $0x420  }
0x49b: {  	[hbm4b:s0+s2] =	stream.linear.scatter [tilespmem:s31], [sflag:$0x4], $0x100, $0x38;
	[tilespmem:$0x1CCC0] =	vst v63  }
.LBB2_14:
0x49c: {  	p0 =	seq.s32 s1, $0x103E0  }
.Ltmp5:
0x49d: {  	_ = 	snop;
	(pc) =	sbr.rel @!p0 .LBB2_14-.Ltmp5, $4  }
0x49e: {  	_ = 	snop  }
0x49f: {  	s3 =	sshra.s32 s1, $0x2;
	s1 =	sadd.s32 $0x420, s1  }
0x4a0: {  	s0 =	sadd.s32 $0x800, s0;
	s3 =	sadd.s32 $0x18AC0, s3  }
0x4a1: {  	[hbm4b:s0+s2] =	stream.linear.scatter [tilespmem:s3], [sflag:$0x4], $0x100, $0x38;
	[tilespmem:$0x1CCC0] =	vst v63  }
0x4a2: {  	p0 =	seq.s32 s30, $0x32  }
.Ltmp6:
0x4a3: {  	_ = 	snop;
	(pc) =	sbr.rel @!p0 .LBB2_7-.Ltmp6, $2  }
0x4a4: {  	_ =	sdelay $0x2  }
0x4a5: {  	s28 =	sadd.s32 $0x200, s28;
	s12 =	sadd.s32 $0x200, s12  }
0x4a6: {  	s0 =	simm.s32 $0x3  }
0x4a7: {  	_ =	swait.ge [sflag:s0], $0x4000  }
0x4a8: {  	[sflag:s0] =	ssyncset.done $0x0  }
0x4a9: {  	s29 =	simm.s32 $0x4;
	[sflag:s0] =	ssyncadd.s32 $0xFFFFC000  }
0x4aa: {  	_ =	swait.ge [sflag:s29], $0x4000  }
0x4ab: {  	[sflag:s29] =	ssyncset.done $0x0  }
0x4ac: {  	s30 =	simm.s32 $0x1;
	[sflag:s29] =	ssyncadd.s32 $0xFFFFC000  }
0x4ad: {  	_ =	swait.ge [sflag:s30], $0x4000  }
0x4ae: {  	[sflag:s30] =	ssyncset.done $0x0  }
0x4af: {  	s1 =	simm.s32 $0x2;
	[sflag:s30] =	ssyncadd.s32 $0xFFFFC000  }
0x4b0: {  	_ =	swait.ge [sflag:s1], $0x4000  }
0x4b1: {  	s3 =	rddreg [dreg:$0x9]  }
0x4b2: {  	s31 =	rddreg [dreg:$0x8];
	s3 =	sadd.s32 $0x1, s3  }
0x4b3: {  	p0 =	sne.s32 s3, s31  }
.Ltmp7:
0x4b4: {  	_ = 	snop;
	(pc) =	sbr.rel @p0 .LBB2_1-.Ltmp7, $3  }
0x4b5: {  	_ =	sdelay $0x1  }
0x4b6: {  	[sflag:s1] =	ssyncset.done $0x0  }
0x4b7: {  	[sflag:s1] =	ssyncadd.s32 $0xFFFFC000  }
0x4b8: {  	_ =	sfence.sel $0x180000  }
0x4b9: {  	[bflag:$0x0] =	sbarrier.arrive $0xFFFF  }
0x4ba: {  	_ =	strace $0x90000047  }
0x4bb: {  	s0 =	stileid.u32;
	[bflag:$0x2] =	sbarrier.arrive $0xFFFF  }
0x4bc: {  	p0 =	sne.s32 s0, $0x0;
	s0 =	rddreg [dreg:$0x1]  }
0x4bd: {  	s0 =	sadd.s32 @!p0 $0x100000, s0  }
0x4be: {  	[sflag:s0] =	ssyncadd.tile.s32 @!p0 $0x1;
	_ =	shalt  }
.Lfunc_end2:
_tile_overlayer_lowered:
.L_overlay_start_2:
0x4bf: {  	(tag) =	ssettag $0x2  }
0x4c0: {  	s0 =	rddreg [dreg:$0x0];
	s2 =	stileid.u32  }
0x4c1: {  	s1 =	rddreg [dreg:$0x1];
	p0 =	sne.s32 s2, $0x0  }
0x4c2: {  	s3 =	rddreg [dreg:$0x2];
	[bflag:$0x3] =	sbarrier.arrive $0xFFFF;
	s2 =	simm.s32 @!p0 $0x1C05  }
0x4c3: {  	[timem:s3], [sflag:s2] =	dma.local @!p0 [hbm:s0], s1  }
0x4c4: {  	s0 =	simm.s32 @!p0 $0x5  }
0x4c5: {  	_ =	swait.ge @!p0 [sflag:s0], s1  }
0x4c6: {  	s1 =	ssub.s32 @!p0 $0x0, s1;
	[sflag:s0] =	ssyncset.done @!p0 $0x0  }
0x4c7: {  	[sflag:s0] =	ssyncadd.s32 @!p0 s1  }
0x4c8: {  	[bflag:$0x3] =	sbarrier.arrive $0xFFFF  }
0x4c9: {  	_ =	shalt  }

</sc_bundles>
